<compile_context>
chip_gen: v7x
topology: tpu7x:2x2x1
jax: 0.10.2.dev20260603
libtpu: 0.0.44.dev20260713+nightly
codegen_flags: <defaults>
</compile_context>

<pallas_src>
import functools

import jax
import jax.numpy as jnp
from jax import lax
from jax.experimental import pallas as pl
from jax.experimental.pallas import tpu as pltpu
from jax.experimental.pallas import tpu_sc as plsc
from jax.scipy.linalg import block_diag

_HIGH = jax.lax.Precision.HIGHEST

NC = 2
NS = 16
NW = NC * NS
CH = 128


def _round_up(x, m):
    return (x + m - 1) // m * m


def _dot(a, b):
    return jnp.dot(a, b, preferred_element_type=jnp.float32, precision=_HIGH)


def _precompute_body(x4_ref, bda_ref, bdb_ref, b1t_ref, pa_ref, pb_ref):
    x4 = x4_ref[...]
    pa_ref[...] = _dot(x4, bda_ref[...])
    pb_ref[...] = _dot(x4, bdb_ref[...]) + b1t_ref[...]


def _precompute(x4, bda, bdb, b1t):
    n4 = x4.shape[0]
    return pl.pallas_call(
        _precompute_body,
        out_shape=[jax.ShapeDtypeStruct((n4, 128), jnp.float32),
                   jax.ShapeDtypeStruct((n4, 128), jnp.float32)],
    )(x4, bda, bdb, b1t)


G = 512


def _gather_body(ept0, ept1, eh, pa_hbm, pb_hbm, src_hbm, dst_hbm,
                 ga_hbm, gb_hbm, sidx_v, didx_v, bga0, bga1, bgb0, bgb1,
                 sem_i, sem_g, sem_w0, sem_w1):
    c = lax.axis_index("c")
    s = lax.axis_index("s")
    ept = jnp.where(c == 0, ept0, ept1)
    tbase = jnp.where(c == 0, s * ept0, NS * ept0 + s * ept1)
    ng = ept // G

    emax = max(ept0, ept1)
    h0 = pltpu.async_copy(src_hbm.at[pl.ds(tbase, emax)], sidx_v, sem_i)
    h1 = pltpu.async_copy(dst_hbm.at[pl.ds(tbase, emax)], didx_v, sem_i)
    h0.wait()
    h1.wait()

    def do_group(j, bga, bgb, sem_w, drain_wb):
        base = tbase + j * G
        loc = j * G
        if drain_wb:
            pltpu.make_async_copy(bga, ga_hbm.at[pl.ds(base, G)], sem_w).wait()
            pltpu.make_async_copy(bgb, gb_hbm.at[pl.ds(base, G)], sem_w).wait()
        hs = []
        for k in range(G // CH):
            isl = pl.ds(loc + k * CH, CH)
            bsl = pl.ds(k * CH, CH)
            hs.append(pltpu.async_copy(pa_hbm.at[sidx_v.at[isl]],
                                       bga.at[bsl], sem_g))
            hs.append(pltpu.async_copy(pb_hbm.at[didx_v.at[isl]],
                                       bgb.at[bsl], sem_g))
        for h in hs:
            h.wait()
        pltpu.async_copy(bga, ga_hbm.at[pl.ds(base, G)], sem_w)
        pltpu.async_copy(bgb, gb_hbm.at[pl.ds(base, G)], sem_w)

    do_group(0, bga0, bgb0, sem_w0, False)
    do_group(1, bga1, bgb1, sem_w1, False)

    def body(i, _):
        do_group(2 * i, bga0, bgb0, sem_w0, True)
        do_group(2 * i + 1, bga1, bgb1, sem_w1, True)
        return 0

    lax.fori_loop(1, ng // 2, body, 0)

    for sem_w, bga, bgb in ((sem_w0, bga0, bgb0), (sem_w1, bga1, bgb1)):
        pltpu.make_async_copy(bga, ga_hbm.at[pl.ds(tbase, G)], sem_w).wait()
        pltpu.make_async_copy(bgb, gb_hbm.at[pl.ds(tbase, G)], sem_w).wait()


def _gather(pa, pb, src_p, dst_p, ep, eh, ept0, ept1):
    assert ept0 % (2 * G) == 0 and ept1 % (2 * G) == 0
    assert NS * (ept0 + ept1) == ep
    emax = max(ept0, ept1)
    mesh = plsc.VectorSubcoreMesh(core_axis_name="c", subcore_axis_name="s",
                                  num_cores=NC, num_subcores=NS)
    k = pl.kernel(
        functools.partial(_gather_body, ept0, ept1, eh),
        out_type=[jax.ShapeDtypeStruct((ep, eh), jnp.float32),
                  jax.ShapeDtypeStruct((ep, eh), jnp.float32)],
        mesh=mesh,
        compiler_params=pltpu.CompilerParams(use_tc_tiling_on_sc=False),
        scratch_types=[pltpu.VMEM((emax,), jnp.int32),
                       pltpu.VMEM((emax,), jnp.int32),
                       pltpu.VMEM((G, eh), jnp.float32),
                       pltpu.VMEM((G, eh), jnp.float32),
                       pltpu.VMEM((G, eh), jnp.float32),
                       pltpu.VMEM((G, eh), jnp.float32),
                       pltpu.SemaphoreType.DMA,
                       pltpu.SemaphoreType.DMA,
                       pltpu.SemaphoreType.DMA,
                       pltpu.SemaphoreType.DMA],
    )
    return k(pa, pb, src_p, dst_p)


def _edge_mlp_body(ga_ref, gb_ref, wc_ref, w2bd_ref, b2t_ref, h2_ref):
    h1 = jax.nn.sigmoid(ga_ref[...] + gb_ref[...] + wc_ref[...])
    h2_ref[...] = jax.nn.sigmoid(_dot(h1, w2bd_ref[...]) + b2t_ref[...])


def _edge_mlp(ga128, gb128, wc128, w2bd, b2t, ep4):
    blk = 2048
    grid = (ep4 // blk,)
    full = lambda i: (0, 0)
    return pl.pallas_call(
        _edge_mlp_body,
        grid=grid,
        in_specs=[
            pl.BlockSpec((blk, 128), lambda i: (i, 0)),
            pl.BlockSpec((blk, 128), lambda i: (i, 0)),
            pl.BlockSpec((blk, 128), lambda i: (i, 0)),
            pl.BlockSpec((128, 128), full),
            pl.BlockSpec((1, 128), full),
        ],
        out_specs=pl.BlockSpec((blk, 128), lambda i: (i, 0)),
        out_shape=jax.ShapeDtypeStruct((ep4, 128), jnp.float32),
    )(ga128, gb128, wc128, w2bd, b2t)


def _scatter_body(ept, np_rows, eh, h2_hbm, dst_hbm, src_hbm, zer_hbm,
                  acc_hbm, didx_v, sidx_v, bd0, bd1, obuf_v, acc_d, acc_s,
                  sem_i, sem_a, sem_d0, sem_d1):
    c = lax.axis_index("c")
    s = lax.axis_index("s")
    wid = s * NC + c
    rpt = np_rows // NS
    ng = ept // G
    npt = ept // CH
    tbase = wid * ept

    h0 = pltpu.async_copy(dst_hbm.at[pl.ds(wid * npt, npt)], didx_v, sem_i)
    h1 = pltpu.async_copy(src_hbm.at[pl.ds(wid * npt, npt)], sidx_v, sem_i)

    pltpu.sync_copy(zer_hbm, obuf_v)
    pltpu.sync_copy(obuf_v, acc_d.at[pl.ds(s * rpt, rpt)])
    pltpu.sync_copy(obuf_v, acc_s.at[pl.ds(s * rpt, rpt)])
    h0.wait()
    h1.wait()
    plsc.subcore_barrier()

    pltpu.async_copy(h2_hbm.at[pl.ds(tbase, G)], bd0, sem_d0)
    pltpu.async_copy(h2_hbm.at[pl.ds(tbase + G, G)], bd1, sem_d1)

    def do_group(j, bd, sem_d):
        base = tbase + j * G
        pltpu.make_async_copy(h2_hbm.at[pl.ds(base, G)], bd, sem_d).wait()
        hs = []
        for k in range(G // CH):
            q = j * (G // CH) + k
            bsl = pl.ds(k * CH, CH)
            hs.append(pltpu.async_copy(bd.at[bsl], acc_d.at[didx_v.at[q]],
                                       sem_a, add=True))
            hs.append(pltpu.async_copy(bd.at[bsl], acc_s.at[sidx_v.at[q]],
                                       sem_a, add=True))
        for h in hs:
            h.wait()
        nxt = lax.rem(j + 2, ng)
        pltpu.async_copy(h2_hbm.at[pl.ds(tbase + nxt * G, G)], bd, sem_d)

    def body(i, _):
        do_group(2 * i, bd0, sem_d0)
        do_group(2 * i + 1, bd1, sem_d1)
        return 0

    lax.fori_loop(0, ng // 2, body, 0)

    pltpu.make_async_copy(h2_hbm.at[pl.ds(tbase, G)], bd0, sem_d0).wait()
    pltpu.make_async_copy(h2_hbm.at[pl.ds(tbase, G)], bd1, sem_d1).wait()
    plsc.subcore_barrier()

    pltpu.sync_copy(acc_d.at[pl.ds(s * rpt, rpt)], obuf_v)
    pltpu.sync_copy(obuf_v, acc_hbm.at[pl.ds(c * np_rows + s * rpt, rpt)])
    pltpu.sync_copy(acc_s.at[pl.ds(s * rpt, rpt)], obuf_v)
    pltpu.sync_copy(obuf_v,
                    acc_hbm.at[pl.ds((NC + c) * np_rows + s * rpt, rpt)])


def _scatter(h2, dst2d, src2d, zer, ep, np_rows, eh):
    ept = ep // NW
    assert ept % (2 * G) == 0
    npt = ept // CH
    rpt = np_rows // NS
    mesh = plsc.VectorSubcoreMesh(core_axis_name="c", subcore_axis_name="s",
                                  num_cores=NC, num_subcores=NS)
    k = pl.kernel(
        functools.partial(_scatter_body, ept, np_rows, eh),
        out_type=jax.ShapeDtypeStruct((2 * NC * np_rows, eh), jnp.float32),
        mesh=mesh,
        compiler_params=pltpu.CompilerParams(use_tc_tiling_on_sc=False),
        scratch_types=[pltpu.VMEM((npt, CH), jnp.int32),
                       pltpu.VMEM((npt, CH), jnp.int32),
                       pltpu.VMEM((G, eh), jnp.float32),
                       pltpu.VMEM((G, eh), jnp.float32),
                       pltpu.VMEM((rpt, eh), jnp.float32),
                       pltpu.VMEM_SHARED((np_rows, eh), jnp.float32),
                       pltpu.VMEM_SHARED((np_rows, eh), jnp.float32),
                       pltpu.SemaphoreType.DMA,
                       pltpu.SemaphoreType.DMA,
                       pltpu.SemaphoreType.DMA,
                       pltpu.SemaphoreType.DMA],
    )
    return k(h2, dst2d, src2d, zer)


def _node_mlp_body(n4, npv, acc_ref, w3bd_ref, b3t_ref, out_ref):
    a = (acc_ref[0:n4, :] + acc_ref[npv:npv + n4, :]
         - acc_ref[2 * npv:2 * npv + n4, :]
         - acc_ref[3 * npv:3 * npv + n4, :])
    out_ref[...] = jax.nn.sigmoid(_dot(a, w3bd_ref[...]) + b3t_ref[...])


def _node_mlp(acc128, w3bd, b3t, n4, npv, n_out4):
    return pl.pallas_call(
        functools.partial(_node_mlp_body, n4, npv),
        out_shape=jax.ShapeDtypeStruct((n4, n_out4), jnp.float32),
    )(acc128, w3bd, b3t)


def kernel(node_features, edge_weight, edge_index, W1, b1, W2, b2, W3, b3):
    _, n, d = node_features.shape
    e = edge_index.shape[1]
    eh = W1.shape[1]
    e_out = W2.shape[1]
    n_out = W3.shape[1]

    ep = _round_up(e, NW * CH)
    np_rows = _round_up(n + 1, NS * 8)

    src = edge_index[0]
    dst = edge_index[1]
    w = edge_weight[0]

    ept0 = (ep // NS) // 2 // (2 * G) * (2 * G)
    ept1 = ep // NS - ept0

    pad = ep - e
    slack = abs(ept0 - ept1)
    gsrc = jnp.pad(src, (0, pad + slack))
    gdst = jnp.pad(dst, (0, pad + slack))
    ssrc = jnp.pad(src, (0, pad), constant_values=n)
    sdst = jnp.pad(dst, (0, pad), constant_values=n)
    wp = jnp.pad(w, (0, pad))

    w1a = W1[:d]
    w1b = W1[d:2 * d]
    c = W1[2 * d]
    w2p = jnp.pad(W2, ((0, 0), (0, eh - e_out)))
    b2p = jnp.pad(b2, (0, eh - e_out))
    w3p = jnp.pad(W3, ((0, eh - e_out), (0, 0)))

    x4 = jnp.reshape(node_features, (n // 4, 4 * d))
    bda = block_diag(w1a, w1a, w1a, w1a)
    bdb = block_diag(w1b, w1b, w1b, w1b)
    b1t = jnp.tile(b1, 4)[None, :]
    w2bd = block_diag(w2p, w2p, w2p, w2p)
    b2t = jnp.tile(b2p, 4)[None, :]
    w3bd = block_diag(w3p, w3p, w3p, w3p)
    b3t = jnp.tile(b3, 4)[None, :]
    c_row = c[None, :]
    sel_c = block_diag(c_row, c_row, c_row, c_row)
    wc128 = jnp.dot(jnp.reshape(wp, (ep // 4, 4)), sel_c,
                    preferred_element_type=jnp.float32)

    zer = jnp.zeros((np_rows // NS, eh), jnp.float32)

    pa128, pb128 = _precompute(x4, bda, bdb, b1t)
    pa = jnp.reshape(pa128, (n, eh))
    pb = jnp.reshape(pb128, (n, eh))
    ga, gb = _gather(pa, pb, gsrc, gdst, ep, eh, ept0, ept1)
    ga128 = jnp.reshape(ga, (ep // 4, 128))
    gb128 = jnp.reshape(gb, (ep // 4, 128))
    h2_128 = _edge_mlp(ga128, gb128, wc128, w2bd, b2t, ep // 4)
    h2 = jnp.reshape(h2_128, (ep, eh))
    sdst2d = jnp.reshape(sdst, (ep // CH, CH))
    ssrc2d = jnp.reshape(ssrc, (ep // CH, CH))
    acc = _scatter(h2, sdst2d, ssrc2d, zer, ep, np_rows, eh)
    acc128 = jnp.reshape(acc, (2 * NC * np_rows // 4, 128))
    out4 = _node_mlp(acc128, w3bd, b3t, n // 4, np_rows // 4, 4 * n_out)
    return jnp.reshape(out4, (1, n, n_out))

# --- scband reference (transcript-rebuilt; emitter-appended) ---
"""Pipeline reference for scband-graph-gnn-84636625535112 (READ-ONLY COPY).

The authoritative reference and input builder live on the scoring server;
editing this copy changes nothing except your own understanding.
"""

import jax, jax.numpy as jnp
import numpy as np

N = 10000
E = 160000
D = 128
E_H = 32
E_OUT = 30
N_OUT = 128
IN_DIM = 2 * D + 1


def setup_inputs(seed: int = 0) -> dict:
    key = jax.random.key(seed)
    ks = jax.random.split(key, 9)
    node_features = jax.random.normal(ks[0], (1, N, D), dtype=jnp.float32)
    edge_weight = jax.random.uniform(ks[1], (1, E), dtype=jnp.float32)
    edge_index = jax.random.randint(ks[2], (2, E), 0, N, dtype=jnp.int32)
    W1 = jax.random.normal(ks[3], (IN_DIM, E_H), dtype=jnp.float32) * (1.0 / np.sqrt(IN_DIM))
    b1 = jnp.zeros((E_H,), dtype=jnp.float32)
    W2 = jax.random.normal(ks[4], (E_H, E_OUT), dtype=jnp.float32) * (1.0 / np.sqrt(E_H))
    b2 = jnp.zeros((E_OUT,), dtype=jnp.float32)
    W3 = jax.random.normal(ks[5], (E_OUT, N_OUT), dtype=jnp.float32) * (1.0 / np.sqrt(E_OUT))
    b3 = jnp.zeros((N_OUT,), dtype=jnp.float32)
    return {"node_features": node_features, "edge_weight": edge_weight, "edge_index": edge_index,
            "W1": W1, "b1": b1, "W2": W2, "b2": b2, "W3": W3, "b3": b3}


def reference(node_features, edge_weight, edge_index, W1, b1, W2, b2, W3, b3):
    edge_src = edge_index[0]
    edge_target = edge_index[1]
    node_src = jnp.take(node_features, edge_src, axis=1)      # [B, E, D] gather
    node_target = jnp.take(node_features, edge_target, axis=1)  # [B, E, D] gather
    out = jnp.concatenate([node_src, node_target, edge_weight[..., None]], axis=-1)  # [B, E, 2D+1]
    out = jax.nn.sigmoid(out @ W1 + b1)
    out = jax.nn.sigmoid(out @ W2 + b2)  # [B, E, E_OUT]
    B = node_features.shape[0]
    out_add = jnp.zeros((B, N, E_OUT), dtype=out.dtype).at[:, edge_target].add(out)  # scatter-add by dst
    out_sub = jnp.zeros((B, N, E_OUT), dtype=out.dtype).at[:, edge_src].add(-out)    # scatter-add by src
    out = out_add + out_sub
    out = jax.nn.sigmoid(out @ W3 + b3)  # [B, N, N_OUT]
    return out

if __name__ == "__main__":
    import jax
    _d = setup_inputs()
    print(jax.jit(kernel)(*tuple(_d.values())))

</pallas_src>

<mosaic_0001>
#map = affine_map<(d0, d1) -> (0, 0)>
module attributes {stable_mosaic.version = 14 : i64} {
  func.func @_scatter_body(%arg0: i32, %arg1: i32, %arg2: memref<163840x32xf32, #tpu.memory_space<hbm>>, %arg3: memref<1280x128xi32, #tpu.memory_space<hbm>>, %arg4: memref<1280x128xi32, #tpu.memory_space<hbm>>, %arg5: memref<632x32xf32, #tpu.memory_space<hbm>>, %arg6: memref<40448x32xf32, #tpu.memory_space<hbm>>, %arg7: memref<40x128xi32, #tpu.memory_space<vmem>>, %arg8: memref<40x128xi32, #tpu.memory_space<vmem>>, %arg9: memref<512x32xf32, #tpu.memory_space<vmem>>, %arg10: memref<512x32xf32, #tpu.memory_space<vmem>>, %arg11: memref<632x32xf32, #tpu.memory_space<vmem>>, %arg12: memref<10112x32xf32, #tpu.memory_space<vmem_shared>>, %arg13: memref<10112x32xf32, #tpu.memory_space<vmem_shared>>, %arg14: memref<!tpu.dma_semaphore, #tpu.memory_space<semaphore_mem>>, %arg15: memref<!tpu.dma_semaphore, #tpu.memory_space<semaphore_mem>>, %arg16: memref<!tpu.dma_semaphore, #tpu.memory_space<semaphore_mem>>, %arg17: memref<!tpu.dma_semaphore, #tpu.memory_space<semaphore_mem>>) attributes {dimension_semantics = [#tpu.dimension_semantics<core_parallel>, #tpu.dimension_semantics<subcore_parallel>], iteration_bounds = array<i64: 2, 16>, scalar_prefetch = 0 : i64, scratch_operands = 11 : i64, tpu.core_type = #tpu.core_type<sc_vector_subcore>, window_params = [{transform_indices = #map}, {transform_indices = #map}, {transform_indices = #map}, {transform_indices = #map}, {transform_indices = #map}]} {
    %mul3A = arith.constant 2 : i32
    %mul3A_0 = arith.muli %arg1, %mul3A : i32
    %add3A = arith.addi %mul3A_0, %arg0 : i32
    %mul3A_1 = arith.constant 5120 : i32
    %mul3A_2 = arith.muli %add3A, %mul3A_1 : i32
    %mul3A_3 = arith.constant 40 : i32
    %mul3A_4 = arith.muli %add3A, %mul3A_3 : i32
    %dma_start3A = arith.constant 0 : i32
    %dma_start3A_5 = tpu.memref_slice %arg3[%mul3A_4, %dma_start3A] : memref<1280x128xi32, #tpu.memory_space<hbm>> -> memref<40x128xi32, #tpu.memory_space<hbm>>
    %dma_start3A_6 = arith.constant 0 : i32
    %dma_start3A_7 = tpu.memref_slice %arg3[%mul3A_4, %dma_start3A_6] : memref<1280x128xi32, #tpu.memory_space<hbm>> -> memref<40x128xi32, #tpu.memory_space<hbm>>
    tpu.enqueue_dma source(%dma_start3A_7 : memref<40x128xi32, #tpu.memory_space<hbm>>) target(%arg7 : memref<40x128xi32, #tpu.memory_space<vmem>>) target_semaphore(%arg14 : memref<!tpu.dma_semaphore, #tpu.memory_space<semaphore_mem>>)
    %mul3A_8 = arith.constant 40 : i32
    %mul3A_9 = arith.muli %add3A, %mul3A_8 : i32
    %dma_start3A_10 = arith.constant 0 : i32
    %dma_start3A_11 = tpu.memref_slice %arg4[%mul3A_9, %dma_start3A_10] : memref<1280x128xi32, #tpu.memory_space<hbm>> -> memref<40x128xi32, #tpu.memory_space<hbm>>
    %dma_start3A_12 = arith.constant 0 : i32
    %dma_start3A_13 = tpu.memref_slice %arg4[%mul3A_9, %dma_start3A_12] : memref<1280x128xi32, #tpu.memory_space<hbm>> -> memref<40x128xi32, #tpu.memory_space<hbm>>
    tpu.enqueue_dma source(%dma_start3A_13 : memref<40x128xi32, #tpu.memory_space<hbm>>) target(%arg8 : memref<40x128xi32, #tpu.memory_space<vmem>>) target_semaphore(%arg14 : memref<!tpu.dma_semaphore, #tpu.memory_space<semaphore_mem>>)
    "tpu.region"() ({
      %run_scoped3A = tpu.sem_alloc : memref<!tpu.dma_semaphore, #tpu.memory_space<semaphore_mem>>
      tpu.enqueue_dma source(%arg5 : memref<632x32xf32, #tpu.memory_space<hbm>>) target(%arg11 : memref<632x32xf32, #tpu.memory_space<vmem>>) target_semaphore(%run_scoped3A : memref<!tpu.dma_semaphore, #tpu.memory_space<semaphore_mem>>)
      tpu.wait_dma2 semaphore(%run_scoped3A : memref<!tpu.dma_semaphore, #tpu.memory_space<semaphore_mem>>) src(%arg5 : memref<632x32xf32, #tpu.memory_space<hbm>>) dst(%arg11 : memref<632x32xf32, #tpu.memory_space<vmem>>)
      tpu.yield
    }) : () -> ()
    %mul3A_14 = arith.constant 632 : i32
    %mul3A_15 = arith.muli %arg1, %mul3A_14 : i32
    "tpu.region"() ({
      %run_scoped3A = tpu.sem_alloc : memref<!tpu.dma_semaphore, #tpu.memory_space<semaphore_mem>>
      %dma_start3A_66 = arith.constant 0 : i32
      %dma_start3A_67 = tpu.memref_slice %arg12[%mul3A_15, %dma_start3A_66] : memref<10112x32xf32, #tpu.memory_space<vmem_shared>> -> memref<632x32xf32, #tpu.memory_space<vmem_shared>>
      %dma_start3A_68 = arith.constant 0 : i32
      %dma_start3A_69 = tpu.memref_slice %arg12[%mul3A_15, %dma_start3A_68] : memref<10112x32xf32, #tpu.memory_space<vmem_shared>> -> memref<632x32xf32, #tpu.memory_space<vmem_shared>>
      tpu.enqueue_dma source(%arg11 : memref<632x32xf32, #tpu.memory_space<vmem>>) target(%dma_start3A_69 : memref<632x32xf32, #tpu.memory_space<vmem_shared>>) target_semaphore(%run_scoped3A : memref<!tpu.dma_semaphore, #tpu.memory_space<semaphore_mem>>)
      %dma_wait3A_70 = arith.constant 0 : i32
      %dma_wait3A_71 = tpu.memref_slice %arg12[%mul3A_15, %dma_wait3A_70] : memref<10112x32xf32, #tpu.memory_space<vmem_shared>> -> memref<632x32xf32, #tpu.memory_space<vmem_shared>>
      %dma_wait3A_72 = arith.constant 0 : i32
      %dma_wait3A_73 = tpu.memref_slice %arg12[%mul3A_15, %dma_wait3A_72] : memref<10112x32xf32, #tpu.memory_space<vmem_shared>> -> memref<632x32xf32, #tpu.memory_space<vmem_shared>>
      tpu.wait_dma2 semaphore(%run_scoped3A : memref<!tpu.dma_semaphore, #tpu.memory_space<semaphore_mem>>) src(%arg11 : memref<632x32xf32, #tpu.memory_space<vmem>>) dst(%dma_wait3A_73 : memref<632x32xf32, #tpu.memory_space<vmem_shared>>)
      tpu.yield
    }) : () -> ()
    %mul3A_16 = arith.constant 632 : i32
    %mul3A_17 = arith.muli %arg1, %mul3A_16 : i32
    "tpu.region"() ({
      %run_scoped3A = tpu.sem_alloc : memref<!tpu.dma_semaphore, #tpu.memory_space<semaphore_mem>>
      %dma_start3A_66 = arith.constant 0 : i32
      %dma_start3A_67 = tpu.memref_slice %arg13[%mul3A_17, %dma_start3A_66] : memref<10112x32xf32, #tpu.memory_space<vmem_shared>> -> memref<632x32xf32, #tpu.memory_space<vmem_shared>>
      %dma_start3A_68 = arith.constant 0 : i32
      %dma_start3A_69 = tpu.memref_slice %arg13[%mul3A_17, %dma_start3A_68] : memref<10112x32xf32, #tpu.memory_space<vmem_shared>> -> memref<632x32xf32, #tpu.memory_space<vmem_shared>>
      tpu.enqueue_dma source(%arg11 : memref<632x32xf32, #tpu.memory_space<vmem>>) target(%dma_start3A_69 : memref<632x32xf32, #tpu.memory_space<vmem_shared>>) target_semaphore(%run_scoped3A : memref<!tpu.dma_semaphore, #tpu.memory_space<semaphore_mem>>)
      %dma_wait3A_70 = arith.constant 0 : i32
      %dma_wait3A_71 = tpu.memref_slice %arg13[%mul3A_17, %dma_wait3A_70] : memref<10112x32xf32, #tpu.memory_space<vmem_shared>> -> memref<632x32xf32, #tpu.memory_space<vmem_shared>>
      %dma_wait3A_72 = arith.constant 0 : i32
      %dma_wait3A_73 = tpu.memref_slice %arg13[%mul3A_17, %dma_wait3A_72] : memref<10112x32xf32, #tpu.memory_space<vmem_shared>> -> memref<632x32xf32, #tpu.memory_space<vmem_shared>>
      tpu.wait_dma2 semaphore(%run_scoped3A : memref<!tpu.dma_semaphore, #tpu.memory_space<semaphore_mem>>) src(%arg11 : memref<632x32xf32, #tpu.memory_space<vmem>>) dst(%dma_wait3A_73 : memref<632x32xf32, #tpu.memory_space<vmem_shared>>)
      tpu.yield
    }) : () -> ()
    %dma_wait3A = arith.constant 0 : i32
    %dma_wait3A_18 = tpu.memref_slice %arg3[%mul3A_4, %dma_wait3A] : memref<1280x128xi32, #tpu.memory_space<hbm>> -> memref<40x128xi32, #tpu.memory_space<hbm>>
    %dma_wait3A_19 = arith.constant 0 : i32
    %dma_wait3A_20 = tpu.memref_slice %arg3[%mul3A_4, %dma_wait3A_19] : memref<1280x128xi32, #tpu.memory_space<hbm>> -> memref<40x128xi32, #tpu.memory_space<hbm>>
    tpu.wait_dma2 semaphore(%arg14 : memref<!tpu.dma_semaphore, #tpu.memory_space<semaphore_mem>>) src(%dma_wait3A_20 : memref<40x128xi32, #tpu.memory_space<hbm>>) dst(%arg7 : memref<40x128xi32, #tpu.memory_space<vmem>>)
    %dma_wait3A_21 = arith.constant 0 : i32
    %dma_wait3A_22 = tpu.memref_slice %arg4[%mul3A_9, %dma_wait3A_21] : memref<1280x128xi32, #tpu.memory_space<hbm>> -> memref<40x128xi32, #tpu.memory_space<hbm>>
    %dma_wait3A_23 = arith.constant 0 : i32
    %dma_wait3A_24 = tpu.memref_slice %arg4[%mul3A_9, %dma_wait3A_23] : memref<1280x128xi32, #tpu.memory_space<hbm>> -> memref<40x128xi32, #tpu.memory_space<hbm>>
    tpu.wait_dma2 semaphore(%arg14 : memref<!tpu.dma_semaphore, #tpu.memory_space<semaphore_mem>>) src(%dma_wait3A_24 : memref<40x128xi32, #tpu.memory_space<hbm>>) dst(%arg8 : memref<40x128xi32, #tpu.memory_space<vmem>>)
    %barrier3A = arith.constant 0 : index
    tpu.barrier barrier_id(%barrier3A)
    %dma_start3A_25 = arith.constant 0 : i32
    %dma_start3A_26 = tpu.memref_slice %arg2[%mul3A_2, %dma_start3A_25] : memref<163840x32xf32, #tpu.memory_space<hbm>> -> memref<512x32xf32, #tpu.memory_space<hbm>>
    %dma_start3A_27 = arith.constant 0 : i32
    %dma_start3A_28 = tpu.memref_slice %arg2[%mul3A_2, %dma_start3A_27] : memref<163840x32xf32, #tpu.memory_space<hbm>> -> memref<512x32xf32, #tpu.memory_space<hbm>>
    tpu.enqueue_dma source(%dma_start3A_28 : memref<512x32xf32, #tpu.memory_space<hbm>>) target(%arg9 : memref<512x32xf32, #tpu.memory_space<vmem>>) target_semaphore(%arg16 : memref<!tpu.dma_semaphore, #tpu.memory_space<semaphore_mem>>)
    %add3A_29 = arith.constant 512 : i32
    %add3A_30 = arith.addi %mul3A_2, %add3A_29 : i32
    %dma_start3A_31 = arith.constant 0 : i32
    %dma_start3A_32 = tpu.memref_slice %arg2[%add3A_30, %dma_start3A_31] : memref<163840x32xf32, #tpu.memory_space<hbm>> -> memref<512x32xf32, #tpu.memory_space<hbm>>
    %dma_start3A_33 = arith.constant 0 : i32
    %dma_start3A_34 = tpu.memref_slice %arg2[%add3A_30, %dma_start3A_33] : memref<163840x32xf32, #tpu.memory_space<hbm>> -> memref<512x32xf32, #tpu.memory_space<hbm>>
    tpu.enqueue_dma source(%dma_start3A_34 : memref<512x32xf32, #tpu.memory_space<hbm>>) target(%arg10 : memref<512x32xf32, #tpu.memory_space<vmem>>) target_semaphore(%arg17 : memref<!tpu.dma_semaphore, #tpu.memory_space<semaphore_mem>>)
    %scan3A = arith.constant 0 : i32
    %scan3A_35 = arith.constant 0 : i32
    %scan3A_36 = arith.constant 5 : i32
    %scan3A_37 = arith.addi %scan3A_35, %scan3A_36 : i32
    %scan3A_38 = arith.constant 1 : i32
    %scan3A_39 = scf.for %scan3A_66 = %scan3A_35 to %scan3A_37 step %scan3A_38 iter_args(%scan3A_67 = %scan3A) -> (i32)  : i32 {
      %mul3A_68 = arith.constant 2 : i32
      %mul3A_69 = arith.muli %mul3A_68, %scan3A_66 : i32
      %mul3A_70 = arith.constant 512 : i32
      %mul3A_71 = arith.muli %mul3A_69, %mul3A_70 : i32
      %add3A_72 = arith.addi %mul3A_2, %mul3A_71 : i32
      %dma_wait3A_73 = arith.constant 0 : i32
      %dma_wait3A_74 = tpu.memref_slice %arg2[%add3A_72, %dma_wait3A_73] : memref<163840x32xf32, #tpu.memory_space<hbm>> -> memref<512x32xf32, #tpu.memory_space<hbm>>
      %dma_wait3A_75 = arith.constant 0 : i32
      %dma_wait3A_76 = tpu.memref_slice %arg2[%add3A_72, %dma_wait3A_75] : memref<163840x32xf32, #tpu.memory_space<hbm>> -> memref<512x32xf32, #tpu.memory_space<hbm>>
      tpu.wait_dma2 semaphore(%arg16 : memref<!tpu.dma_semaphore, #tpu.memory_space<semaphore_mem>>) src(%dma_wait3A_76 : memref<512x32xf32, #tpu.memory_space<hbm>>) dst(%arg9 : memref<512x32xf32, #tpu.memory_space<vmem>>)
      %mul3A_77 = arith.constant 4 : i32
      %mul3A_78 = arith.muli %mul3A_69, %mul3A_77 : i32
      %add3A_79 = arith.constant 0 : i32
      %add3A_80 = arith.addi %mul3A_78, %add3A_79 : i32
      %dma_start3A_81 = arith.constant 0 : i32
      %dma_start3A_82 = arith.constant 0 : i32
      %dma_start3A_83 = tpu.memref_slice %arg9[%dma_start3A_81, %dma_start3A_82] : memref<512x32xf32, #tpu.memory_space<vmem>> -> memref<128x32xf32, #tpu.memory_space<vmem>>
      %dma_start3A_84 = arith.constant 0 : i32
      %dma_start3A_85 = tpu.memref_slice %arg7[%add3A_80, %dma_start3A_84] : memref<40x128xi32, #tpu.memory_space<vmem>> -> memref<1x128xi32, #tpu.memory_space<vmem>>
      %dma_start3A_86 = tpu.memref_squeeze %dma_start3A_85 : memref<1x128xi32, #tpu.memory_space<vmem>> -> memref<128xi32, #tpu.memory_space<vmem>>
      %dma_start3A_87 = arith.constant 0 : i32
      %dma_start3A_88 = arith.constant 0 : i32
      %dma_start3A_89 = tpu.memref_slice %arg12[%dma_start3A_87, %dma_start3A_88] : memref<10112x32xf32, #tpu.memory_space<vmem_shared>> -> memref<10112x32xf32, #tpu.memory_space<vmem_shared>>
      tpu.enqueue_indirect_dma source(%dma_start3A_83 : memref<128x32xf32, #tpu.memory_space<vmem>>) target(%dma_start3A_89 : memref<10112x32xf32, #tpu.memory_space<vmem_shared>>) offsets(%dma_start3A_86 : memref<128xi32, #tpu.memory_space<vmem>>) semaphore(%arg15 : memref<!tpu.dma_semaphore, #tpu.memory_space<semaphore_mem>>) {add = true}
      %dma_start3A_90 = arith.constant 0 : i32
      %dma_start3A_91 = arith.constant 0 : i32
      %dma_start3A_92 = tpu.memref_slice %arg9[%dma_start3A_90, %dma_start3A_91] : memref<512x32xf32, #tpu.memory_space<vmem>> -> memref<128x32xf32, #tpu.memory_space<vmem>>
      %dma_start3A_93 = arith.constant 0 : i32
      %dma_start3A_94 = tpu.memref_slice %arg8[%add3A_80, %dma_start3A_93] : memref<40x128xi32, #tpu.memory_space<vmem>> -> memref<1x128xi32, #tpu.memory_space<vmem>>
      %dma_start3A_95 = tpu.memref_squeeze %dma_start3A_94 : memref<1x128xi32, #tpu.memory_space<vmem>> -> memref<128xi32, #tpu.memory_space<vmem>>
      %dma_start3A_96 = arith.constant 0 : i32
      %dma_start3A_97 = arith.constant 0 : i32
      %dma_start3A_98 = tpu.memref_slice %arg13[%dma_start3A_96, %dma_start3A_97] : memref<10112x32xf32, #tpu.memory_space<vmem_shared>> -> memref<10112x32xf32, #tpu.memory_space<vmem_shared>>
      tpu.enqueue_indirect_dma source(%dma_start3A_92 : memref<128x32xf32, #tpu.memory_space<vmem>>) target(%dma_start3A_98 : memref<10112x32xf32, #tpu.memory_space<vmem_shared>>) offsets(%dma_start3A_95 : memref<128xi32, #tpu.memory_space<vmem>>) semaphore(%arg15 : memref<!tpu.dma_semaphore, #tpu.memory_space<semaphore_mem>>) {add = true}
      %mul3A_99 = arith.constant 4 : i32
      %mul3A_100 = arith.muli %mul3A_69, %mul3A_99 : i32
      %add3A_101 = arith.constant 1 : i32
      %add3A_102 = arith.addi %mul3A_100, %add3A_101 : i32
      %dma_start3A_103 = arith.constant 128 : i32
      %dma_start3A_104 = arith.constant 0 : i32
      %dma_start3A_105 = tpu.memref_slice %arg9[%dma_start3A_103, %dma_start3A_104] : memref<512x32xf32, #tpu.memory_space<vmem>> -> memref<128x32xf32, #tpu.memory_space<vmem>>
      %dma_start3A_106 = arith.constant 0 : i32
      %dma_start3A_107 = tpu.memref_slice %arg7[%add3A_102, %dma_start3A_106] : memref<40x128xi32, #tpu.memory_space<vmem>> -> memref<1x128xi32, #tpu.memory_space<vmem>>
      %dma_start3A_108 = tpu.memref_squeeze %dma_start3A_107 : memref<1x128xi32, #tpu.memory_space<vmem>> -> memref<128xi32, #tpu.memory_space<vmem>>
      %dma_start3A_109 = arith.constant 0 : i32
      %dma_start3A_110 = arith.constant 0 : i32
      %dma_start3A_111 = tpu.memref_slice %arg12[%dma_start3A_109, %dma_start3A_110] : memref<10112x32xf32, #tpu.memory_space<vmem_shared>> -> memref<10112x32xf32, #tpu.memory_space<vmem_shared>>
      tpu.enqueue_indirect_dma source(%dma_start3A_105 : memref<128x32xf32, #tpu.memory_space<vmem>>) target(%dma_start3A_111 : memref<10112x32xf32, #tpu.memory_space<vmem_shared>>) offsets(%dma_start3A_108 : memref<128xi32, #tpu.memory_space<vmem>>) semaphore(%arg15 : memref<!tpu.dma_semaphore, #tpu.memory_space<semaphore_mem>>) {add = true}
      %dma_start3A_112 = arith.constant 128 : i32
      %dma_start3A_113 = arith.constant 0 : i32
      %dma_start3A_114 = tpu.memref_slice %arg9[%dma_start3A_112, %dma_start3A_113] : memref<512x32xf32, #tpu.memory_space<vmem>> -> memref<128x32xf32, #tpu.memory_space<vmem>>
      %dma_start3A_115 = arith.constant 0 : i32
      %dma_start3A_116 = tpu.memref_slice %arg8[%add3A_102, %dma_start3A_115] : memref<40x128xi32, #tpu.memory_space<vmem>> -> memref<1x128xi32, #tpu.memory_space<vmem>>
      %dma_start3A_117 = tpu.memref_squeeze %dma_start3A_116 : memref<1x128xi32, #tpu.memory_space<vmem>> -> memref<128xi32, #tpu.memory_space<vmem>>
      %dma_start3A_118 = arith.constant 0 : i32
      %dma_start3A_119 = arith.constant 0 : i32
      %dma_start3A_120 = tpu.memref_slice %arg13[%dma_start3A_118, %dma_start3A_119] : memref<10112x32xf32, #tpu.memory_space<vmem_shared>> -> memref<10112x32xf32, #tpu.memory_space<vmem_shared>>
      tpu.enqueue_indirect_dma source(%dma_start3A_114 : memref<128x32xf32, #tpu.memory_space<vmem>>) target(%dma_start3A_120 : memref<10112x32xf32, #tpu.memory_space<vmem_shared>>) offsets(%dma_start3A_117 : memref<128xi32, #tpu.memory_space<vmem>>) semaphore(%arg15 : memref<!tpu.dma_semaphore, #tpu.memory_space<semaphore_mem>>) {add = true}
      %mul3A_121 = arith.constant 4 : i32
      %mul3A_122 = arith.muli %mul3A_69, %mul3A_121 : i32
      %add3A_123 = arith.constant 2 : i32
      %add3A_124 = arith.addi %mul3A_122, %add3A_123 : i32
      %dma_start3A_125 = arith.constant 256 : i32
      %dma_start3A_126 = arith.constant 0 : i32
      %dma_start3A_127 = tpu.memref_slice %arg9[%dma_start3A_125, %dma_start3A_126] : memref<512x32xf32, #tpu.memory_space<vmem>> -> memref<128x32xf32, #tpu.memory_space<vmem>>
      %dma_start3A_128 = arith.constant 0 : i32
      %dma_start3A_129 = tpu.memref_slice %arg7[%add3A_124, %dma_start3A_128] : memref<40x128xi32, #tpu.memory_space<vmem>> -> memref<1x128xi32, #tpu.memory_space<vmem>>
      %dma_start3A_130 = tpu.memref_squeeze %dma_start3A_129 : memref<1x128xi32, #tpu.memory_space<vmem>> -> memref<128xi32, #tpu.memory_space<vmem>>
      %dma_start3A_131 = arith.constant 0 : i32
      %dma_start3A_132 = arith.constant 0 : i32
      %dma_start3A_133 = tpu.memref_slice %arg12[%dma_start3A_131, %dma_start3A_132] : memref<10112x32xf32, #tpu.memory_space<vmem_shared>> -> memref<10112x32xf32, #tpu.memory_space<vmem_shared>>
      tpu.enqueue_indirect_dma source(%dma_start3A_127 : memref<128x32xf32, #tpu.memory_space<vmem>>) target(%dma_start3A_133 : memref<10112x32xf32, #tpu.memory_space<vmem_shared>>) offsets(%dma_start3A_130 : memref<128xi32, #tpu.memory_space<vmem>>) semaphore(%arg15 : memref<!tpu.dma_semaphore, #tpu.memory_space<semaphore_mem>>) {add = true}
      %dma_start3A_134 = arith.constant 256 : i32
      %dma_start3A_135 = arith.constant 0 : i32
      %dma_start3A_136 = tpu.memref_slice %arg9[%dma_start3A_134, %dma_start3A_135] : memref<512x32xf32, #tpu.memory_space<vmem>> -> memref<128x32xf32, #tpu.memory_space<vmem>>
      %dma_start3A_137 = arith.constant 0 : i32
      %dma_start3A_138 = tpu.memref_slice %arg8[%add3A_124, %dma_start3A_137] : memref<40x128xi32, #tpu.memory_space<vmem>> -> memref<1x128xi32, #tpu.memory_space<vmem>>
      %dma_start3A_139 = tpu.memref_squeeze %dma_start3A_138 : memref<1x128xi32, #tpu.memory_space<vmem>> -> memref<128xi32, #tpu.memory_space<vmem>>
      %dma_start3A_140 = arith.constant 0 : i32
      %dma_start3A_141 = arith.constant 0 : i32
      %dma_start3A_142 = tpu.memref_slice %arg13[%dma_start3A_140, %dma_start3A_141] : memref<10112x32xf32, #tpu.memory_space<vmem_shared>> -> memref<10112x32xf32, #tpu.memory_space<vmem_shared>>
      tpu.enqueue_indirect_dma source(%dma_start3A_136 : memref<128x32xf32, #tpu.memory_space<vmem>>) target(%dma_start3A_142 : memref<10112x32xf32, #tpu.memory_space<vmem_shared>>) offsets(%dma_start3A_139 : memref<128xi32, #tpu.memory_space<vmem>>) semaphore(%arg15 : memref<!tpu.dma_semaphore, #tpu.memory_space<semaphore_mem>>) {add = true}
      %mul3A_143 = arith.constant 4 : i32
      %mul3A_144 = arith.muli %mul3A_69, %mul3A_143 : i32
      %add3A_145 = arith.constant 3 : i32
      %add3A_146 = arith.addi %mul3A_144, %add3A_145 : i32
      %dma_start3A_147 = arith.constant 384 : i32
      %dma_start3A_148 = arith.constant 0 : i32
      %dma_start3A_149 = tpu.memref_slice %arg9[%dma_start3A_147, %dma_start3A_148] : memref<512x32xf32, #tpu.memory_space<vmem>> -> memref<128x32xf32, #tpu.memory_space<vmem>>
      %dma_start3A_150 = arith.constant 0 : i32
      %dma_start3A_151 = tpu.memref_slice %arg7[%add3A_146, %dma_start3A_150] : memref<40x128xi32, #tpu.memory_space<vmem>> -> memref<1x128xi32, #tpu.memory_space<vmem>>
      %dma_start3A_152 = tpu.memref_squeeze %dma_start3A_151 : memref<1x128xi32, #tpu.memory_space<vmem>> -> memref<128xi32, #tpu.memory_space<vmem>>
      %dma_start3A_153 = arith.constant 0 : i32
      %dma_start3A_154 = arith.constant 0 : i32
      %dma_start3A_155 = tpu.memref_slice %arg12[%dma_start3A_153, %dma_start3A_154] : memref<10112x32xf32, #tpu.memory_space<vmem_shared>> -> memref<10112x32xf32, #tpu.memory_space<vmem_shared>>
      tpu.enqueue_indirect_dma source(%dma_start3A_149 : memref<128x32xf32, #tpu.memory_space<vmem>>) target(%dma_start3A_155 : memref<10112x32xf32, #tpu.memory_space<vmem_shared>>) offsets(%dma_start3A_152 : memref<128xi32, #tpu.memory_space<vmem>>) semaphore(%arg15 : memref<!tpu.dma_semaphore, #tpu.memory_space<semaphore_mem>>) {add = true}
      %dma_start3A_156 = arith.constant 384 : i32
      %dma_start3A_157 = arith.constant 0 : i32
      %dma_start3A_158 = tpu.memref_slice %arg9[%dma_start3A_156, %dma_start3A_157] : memref<512x32xf32, #tpu.memory_space<vmem>> -> memref<128x32xf32, #tpu.memory_space<vmem>>
      %dma_start3A_159 = arith.constant 0 : i32
      %dma_start3A_160 = tpu.memref_slice %arg8[%add3A_146, %dma_start3A_159] : memref<40x128xi32, #tpu.memory_space<vmem>> -> memref<1x128xi32, #tpu.memory_space<vmem>>
      %dma_start3A_161 = tpu.memref_squeeze %dma_start3A_160 : memref<1x128xi32, #tpu.memory_space<vmem>> -> memref<128xi32, #tpu.memory_space<vmem>>
      %dma_start3A_162 = arith.constant 0 : i32
      %dma_start3A_163 = arith.constant 0 : i32
      %dma_start3A_164 = tpu.memref_slice %arg13[%dma_start3A_162, %dma_start3A_163] : memref<10112x32xf32, #tpu.memory_space<vmem_shared>> -> memref<10112x32xf32, #tpu.memory_space<vmem_shared>>
      tpu.enqueue_indirect_dma source(%dma_start3A_158 : memref<128x32xf32, #tpu.memory_space<vmem>>) target(%dma_start3A_164 : memref<10112x32xf32, #tpu.memory_space<vmem_shared>>) offsets(%dma_start3A_161 : memref<128xi32, #tpu.memory_space<vmem>>) semaphore(%arg15 : memref<!tpu.dma_semaphore, #tpu.memory_space<semaphore_mem>>) {add = true}
      %dma_wait3A_165 = arith.constant 0 : i32
      %dma_wait3A_166 = arith.constant 0 : i32
      %dma_wait3A_167 = tpu.memref_slice %arg9[%dma_wait3A_165, %dma_wait3A_166] : memref<512x32xf32, #tpu.memory_space<vmem>> -> memref<128x32xf32, #tpu.memory_space<vmem>>
      %dma_wait3A_168 = arith.constant 0 : i32
      %dma_wait3A_169 = tpu.memref_slice %arg7[%add3A_80, %dma_wait3A_168] : memref<40x128xi32, #tpu.memory_space<vmem>> -> memref<1x128xi32, #tpu.memory_space<vmem>>
      %dma_wait3A_170 = tpu.memref_squeeze %dma_wait3A_169 : memref<1x128xi32, #tpu.memory_space<vmem>> -> memref<128xi32, #tpu.memory_space<vmem>>
      %dma_wait3A_171 = arith.constant 0 : i32
      %dma_wait3A_172 = arith.constant 0 : i32
      %dma_wait3A_173 = tpu.memref_slice %arg12[%dma_wait3A_171, %dma_wait3A_172] : memref<10112x32xf32, #tpu.memory_space<vmem_shared>> -> memref<10112x32xf32, #tpu.memory_space<vmem_shared>>
      tpu.wait_indirect_dma semaphore(%arg15 : memref<!tpu.dma_semaphore, #tpu.memory_space<semaphore_mem>>) src(%dma_wait3A_167 : memref<128x32xf32, #tpu.memory_space<vmem>>) dst(%dma_wait3A_173 : memref<10112x32xf32, #tpu.memory_space<vmem_shared>>)
      %dma_wait3A_174 = arith.constant 0 : i32
      %dma_wait3A_175 = arith.constant 0 : i32
      %dma_wait3A_176 = tpu.memref_slice %arg9[%dma_wait3A_174, %dma_wait3A_175] : memref<512x32xf32, #tpu.memory_space<vmem>> -> memref<128x32xf32, #tpu.memory_space<vmem>>
      %dma_wait3A_177 = arith.constant 0 : i32
      %dma_wait3A_178 = tpu.memref_slice %arg8[%add3A_80, %dma_wait3A_177] : memref<40x128xi32, #tpu.memory_space<vmem>> -> memref<1x128xi32, #tpu.memory_space<vmem>>
      %dma_wait3A_179 = tpu.memref_squeeze %dma_wait3A_178 : memref<1x128xi32, #tpu.memory_space<vmem>> -> memref<128xi32, #tpu.memory_space<vmem>>
      %dma_wait3A_180 = arith.constant 0 : i32
      %dma_wait3A_181 = arith.constant 0 : i32
      %dma_wait3A_182 = tpu.memref_slice %arg13[%dma_wait3A_180, %dma_wait3A_181] : memref<10112x32xf32, #tpu.memory_space<vmem_shared>> -> memref<10112x32xf32, #tpu.memory_space<vmem_shared>>
      tpu.wait_indirect_dma semaphore(%arg15 : memref<!tpu.dma_semaphore, #tpu.memory_space<semaphore_mem>>) src(%dma_wait3A_176 : memref<128x32xf32, #tpu.memory_space<vmem>>) dst(%dma_wait3A_182 : memref<10112x32xf32, #tpu.memory_space<vmem_shared>>)
      %dma_wait3A_183 = arith.constant 128 : i32
      %dma_wait3A_184 = arith.constant 0 : i32
      %dma_wait3A_185 = tpu.memref_slice %arg9[%dma_wait3A_183, %dma_wait3A_184] : memref<512x32xf32, #tpu.memory_space<vmem>> -> memref<128x32xf32, #tpu.memory_space<vmem>>
      %dma_wait3A_186 = arith.constant 0 : i32
      %dma_wait3A_187 = tpu.memref_slice %arg7[%add3A_102, %dma_wait3A_186] : memref<40x128xi32, #tpu.memory_space<vmem>> -> memref<1x128xi32, #tpu.memory_space<vmem>>
      %dma_wait3A_188 = tpu.memref_squeeze %dma_wait3A_187 : memref<1x128xi32, #tpu.memory_space<vmem>> -> memref<128xi32, #tpu.memory_space<vmem>>
      %dma_wait3A_189 = arith.constant 0 : i32
      %dma_wait3A_190 = arith.constant 0 : i32
      %dma_wait3A_191 = tpu.memref_slice %arg12[%dma_wait3A_189, %dma_wait3A_190] : memref<10112x32xf32, #tpu.memory_space<vmem_shared>> -> memref<10112x32xf32, #tpu.memory_space<vmem_shared>>
      tpu.wait_indirect_dma semaphore(%arg15 : memref<!tpu.dma_semaphore, #tpu.memory_space<semaphore_mem>>) src(%dma_wait3A_185 : memref<128x32xf32, #tpu.memory_space<vmem>>) dst(%dma_wait3A_191 : memref<10112x32xf32, #tpu.memory_space<vmem_shared>>)
      %dma_wait3A_192 = arith.constant 128 : i32
      %dma_wait3A_193 = arith.constant 0 : i32
      %dma_wait3A_194 = tpu.memref_slice %arg9[%dma_wait3A_192, %dma_wait3A_193] : memref<512x32xf32, #tpu.memory_space<vmem>> -> memref<128x32xf32, #tpu.memory_space<vmem>>
      %dma_wait3A_195 = arith.constant 0 : i32
      %dma_wait3A_196 = tpu.memref_slice %arg8[%add3A_102, %dma_wait3A_195] : memref<40x128xi32, #tpu.memory_space<vmem>> -> memref<1x128xi32, #tpu.memory_space<vmem>>
      %dma_wait3A_197 = tpu.memref_squeeze %dma_wait3A_196 : memref<1x128xi32, #tpu.memory_space<vmem>> -> memref<128xi32, #tpu.memory_space<vmem>>
      %dma_wait3A_198 = arith.constant 0 : i32
      %dma_wait3A_199 = arith.constant 0 : i32
      %dma_wait3A_200 = tpu.memref_slice %arg13[%dma_wait3A_198, %dma_wait3A_199] : memref<10112x32xf32, #tpu.memory_space<vmem_shared>> -> memref<10112x32xf32, #tpu.memory_space<vmem_shared>>
      tpu.wait_indirect_dma semaphore(%arg15 : memref<!tpu.dma_semaphore, #tpu.memory_space<semaphore_mem>>) src(%dma_wait3A_194 : memref<128x32xf32, #tpu.memory_space<vmem>>) dst(%dma_wait3A_200 : memref<10112x32xf32, #tpu.memory_space<vmem_shared>>)
      %dma_wait3A_201 = arith.constant 256 : i32
      %dma_wait3A_202 = arith.constant 0 : i32
      %dma_wait3A_203 = tpu.memref_slice %arg9[%dma_wait3A_201, %dma_wait3A_202] : memref<512x32xf32, #tpu.memory_space<vmem>> -> memref<128x32xf32, #tpu.memory_space<vmem>>
      %dma_wait3A_204 = arith.constant 0 : i32
      %dma_wait3A_205 = tpu.memref_slice %arg7[%add3A_124, %dma_wait3A_204] : memref<40x128xi32, #tpu.memory_space<vmem>> -> memref<1x128xi32, #tpu.memory_space<vmem>>
      %dma_wait3A_206 = tpu.memref_squeeze %dma_wait3A_205 : memref<1x128xi32, #tpu.memory_space<vmem>> -> memref<128xi32, #tpu.memory_space<vmem>>
      %dma_wait3A_207 = arith.constant 0 : i32
      %dma_wait3A_208 = arith.constant 0 : i32
      %dma_wait3A_209 = tpu.memref_slice %arg12[%dma_wait3A_207, %dma_wait3A_208] : memref<10112x32xf32, #tpu.memory_space<vmem_shared>> -> memref<10112x32xf32, #tpu.memory_space<vmem_shared>>
      tpu.wait_indirect_dma semaphore(%arg15 : memref<!tpu.dma_semaphore, #tpu.memory_space<semaphore_mem>>) src(%dma_wait3A_203 : memref<128x32xf32, #tpu.memory_space<vmem>>) dst(%dma_wait3A_209 : memref<10112x32xf32, #tpu.memory_space<vmem_shared>>)
      %dma_wait3A_210 = arith.constant 256 : i32
      %dma_wait3A_211 = arith.constant 0 : i32
      %dma_wait3A_212 = tpu.memref_slice %arg9[%dma_wait3A_210, %dma_wait3A_211] : memref<512x32xf32, #tpu.memory_space<vmem>> -> memref<128x32xf32, #tpu.memory_space<vmem>>
      %dma_wait3A_213 = arith.constant 0 : i32
      %dma_wait3A_214 = tpu.memref_slice %arg8[%add3A_124, %dma_wait3A_213] : memref<40x128xi32, #tpu.memory_space<vmem>> -> memref<1x128xi32, #tpu.memory_space<vmem>>
      %dma_wait3A_215 = tpu.memref_squeeze %dma_wait3A_214 : memref<1x128xi32, #tpu.memory_space<vmem>> -> memref<128xi32, #tpu.memory_space<vmem>>
      %dma_wait3A_216 = arith.constant 0 : i32
      %dma_wait3A_217 = arith.constant 0 : i32
      %dma_wait3A_218 = tpu.memref_slice %arg13[%dma_wait3A_216, %dma_wait3A_217] : memref<10112x32xf32, #tpu.memory_space<vmem_shared>> -> memref<10112x32xf32, #tpu.memory_space<vmem_shared>>
      tpu.wait_indirect_dma semaphore(%arg15 : memref<!tpu.dma_semaphore, #tpu.memory_space<semaphore_mem>>) src(%dma_wait3A_212 : memref<128x32xf32, #tpu.memory_space<vmem>>) dst(%dma_wait3A_218 : memref<10112x32xf32, #tpu.memory_space<vmem_shared>>)
      %dma_wait3A_219 = arith.constant 384 : i32
      %dma_wait3A_220 = arith.constant 0 : i32
      %dma_wait3A_221 = tpu.memref_slice %arg9[%dma_wait3A_219, %dma_wait3A_220] : memref<512x32xf32, #tpu.memory_space<vmem>> -> memref<128x32xf32, #tpu.memory_space<vmem>>
      %dma_wait3A_222 = arith.constant 0 : i32
      %dma_wait3A_223 = tpu.memref_slice %arg7[%add3A_146, %dma_wait3A_222] : memref<40x128xi32, #tpu.memory_space<vmem>> -> memref<1x128xi32, #tpu.memory_space<vmem>>
      %dma_wait3A_224 = tpu.memref_squeeze %dma_wait3A_223 : memref<1x128xi32, #tpu.memory_space<vmem>> -> memref<128xi32, #tpu.memory_space<vmem>>
      %dma_wait3A_225 = arith.constant 0 : i32
      %dma_wait3A_226 = arith.constant 0 : i32
      %dma_wait3A_227 = tpu.memref_slice %arg12[%dma_wait3A_225, %dma_wait3A_226] : memref<10112x32xf32, #tpu.memory_space<vmem_shared>> -> memref<10112x32xf32, #tpu.memory_space<vmem_shared>>
      tpu.wait_indirect_dma semaphore(%arg15 : memref<!tpu.dma_semaphore, #tpu.memory_space<semaphore_mem>>) src(%dma_wait3A_221 : memref<128x32xf32, #tpu.memory_space<vmem>>) dst(%dma_wait3A_227 : memref<10112x32xf32, #tpu.memory_space<vmem_shared>>)
      %dma_wait3A_228 = arith.constant 384 : i32
      %dma_wait3A_229 = arith.constant 0 : i32
      %dma_wait3A_230 = tpu.memref_slice %arg9[%dma_wait3A_228, %dma_wait3A_229] : memref<512x32xf32, #tpu.memory_space<vmem>> -> memref<128x32xf32, #tpu.memory_space<vmem>>
      %dma_wait3A_231 = arith.constant 0 : i32
      %dma_wait3A_232 = tpu.memref_slice %arg8[%add3A_146, %dma_wait3A_231] : memref<40x128xi32, #tpu.memory_space<vmem>> -> memref<1x128xi32, #tpu.memory_space<vmem>>
      %dma_wait3A_233 = tpu.memref_squeeze %dma_wait3A_232 : memref<1x128xi32, #tpu.memory_space<vmem>> -> memref<128xi32, #tpu.memory_space<vmem>>
      %dma_wait3A_234 = arith.constant 0 : i32
      %dma_wait3A_235 = arith.constant 0 : i32
      %dma_wait3A_236 = tpu.memref_slice %arg13[%dma_wait3A_234, %dma_wait3A_235] : memref<10112x32xf32, #tpu.memory_space<vmem_shared>> -> memref<10112x32xf32, #tpu.memory_space<vmem_shared>>
      tpu.wait_indirect_dma semaphore(%arg15 : memref<!tpu.dma_semaphore, #tpu.memory_space<semaphore_mem>>) src(%dma_wait3A_230 : memref<128x32xf32, #tpu.memory_space<vmem>>) dst(%dma_wait3A_236 : memref<10112x32xf32, #tpu.memory_space<vmem_shared>>)
      %add3A_237 = arith.constant 2 : i32
      %add3A_238 = arith.addi %mul3A_69, %add3A_237 : i32
      %rem3A = arith.constant 10 : i32
      %rem3A_239 = arith.remsi %add3A_238, %rem3A : i32
      %mul3A_240 = arith.constant 512 : i32
      %mul3A_241 = arith.muli %rem3A_239, %mul3A_240 : i32
      %add3A_242 = arith.addi %mul3A_2, %mul3A_241 : i32
      %dma_start3A_243 = arith.constant 0 : i32
      %dma_start3A_244 = tpu.memref_slice %arg2[%add3A_242, %dma_start3A_243] : memref<163840x32xf32, #tpu.memory_space<hbm>> -> memref<512x32xf32, #tpu.memory_space<hbm>>
      %dma_start3A_245 = arith.constant 0 : i32
      %dma_start3A_246 = tpu.memref_slice %arg2[%add3A_242, %dma_start3A_245] : memref<163840x32xf32, #tpu.memory_space<hbm>> -> memref<512x32xf32, #tpu.memory_space<hbm>>
      tpu.enqueue_dma source(%dma_start3A_246 : memref<512x32xf32, #tpu.memory_space<hbm>>) target(%arg9 : memref<512x32xf32, #tpu.memory_space<vmem>>) target_semaphore(%arg16 : memref<!tpu.dma_semaphore, #tpu.memory_space<semaphore_mem>>)
      %mul3A_247 = arith.constant 2 : i32
      %mul3A_248 = arith.muli %mul3A_247, %scan3A_66 : i32
      %add3A_249 = arith.constant 1 : i32
      %add3A_250 = arith.addi %mul3A_248, %add3A_249 : i32
      %mul3A_251 = arith.constant 512 : i32
      %mul3A_252 = arith.muli %add3A_250, %mul3A_251 : i32
      %add3A_253 = arith.addi %mul3A_2, %mul3A_252 : i32
      %dma_wait3A_254 = arith.constant 0 : i32
      %dma_wait3A_255 = tpu.memref_slice %arg2[%add3A_253, %dma_wait3A_254] : memref<163840x32xf32, #tpu.memory_space<hbm>> -> memref<512x32xf32, #tpu.memory_space<hbm>>
      %dma_wait3A_256 = arith.constant 0 : i32
      %dma_wait3A_257 = tpu.memref_slice %arg2[%add3A_253, %dma_wait3A_256] : memref<163840x32xf32, #tpu.memory_space<hbm>> -> memref<512x32xf32, #tpu.memory_space<hbm>>
      tpu.wait_dma2 semaphore(%arg17 : memref<!tpu.dma_semaphore, #tpu.memory_space<semaphore_mem>>) src(%dma_wait3A_257 : memref<512x32xf32, #tpu.memory_space<hbm>>) dst(%arg10 : memref<512x32xf32, #tpu.memory_space<vmem>>)
      %mul3A_258 = arith.constant 4 : i32
      %mul3A_259 = arith.muli %add3A_250, %mul3A_258 : i32
      %add3A_260 = arith.constant 0 : i32
      %add3A_261 = arith.addi %mul3A_259, %add3A_260 : i32
      %dma_start3A_262 = arith.constant 0 : i32
      %dma_start3A_263 = arith.constant 0 : i32
      %dma_start3A_264 = tpu.memref_slice %arg10[%dma_start3A_262, %dma_start3A_263] : memref<512x32xf32, #tpu.memory_space<vmem>> -> memref<128x32xf32, #tpu.memory_space<vmem>>
      %dma_start3A_265 = arith.constant 0 : i32
      %dma_start3A_266 = tpu.memref_slice %arg7[%add3A_261, %dma_start3A_265] : memref<40x128xi32, #tpu.memory_space<vmem>> -> memref<1x128xi32, #tpu.memory_space<vmem>>
      %dma_start3A_267 = tpu.memref_squeeze %dma_start3A_266 : memref<1x128xi32, #tpu.memory_space<vmem>> -> memref<128xi32, #tpu.memory_space<vmem>>
      %dma_start3A_268 = arith.constant 0 : i32
      %dma_start3A_269 = arith.constant 0 : i32
      %dma_start3A_270 = tpu.memref_slice %arg12[%dma_start3A_268, %dma_start3A_269] : memref<10112x32xf32, #tpu.memory_space<vmem_shared>> -> memref<10112x32xf32, #tpu.memory_space<vmem_shared>>
      tpu.enqueue_indirect_dma source(%dma_start3A_264 : memref<128x32xf32, #tpu.memory_space<vmem>>) target(%dma_start3A_270 : memref<10112x32xf32, #tpu.memory_space<vmem_shared>>) offsets(%dma_start3A_267 : memref<128xi32, #tpu.memory_space<vmem>>) semaphore(%arg15 : memref<!tpu.dma_semaphore, #tpu.memory_space<semaphore_mem>>) {add = true}
      %dma_start3A_271 = arith.constant 0 : i32
      %dma_start3A_272 = arith.constant 0 : i32
      %dma_start3A_273 = tpu.memref_slice %arg10[%dma_start3A_271, %dma_start3A_272] : memref<512x32xf32, #tpu.memory_space<vmem>> -> memref<128x32xf32, #tpu.memory_space<vmem>>
      %dma_start3A_274 = arith.constant 0 : i32
      %dma_start3A_275 = tpu.memref_slice %arg8[%add3A_261, %dma_start3A_274] : memref<40x128xi32, #tpu.memory_space<vmem>> -> memref<1x128xi32, #tpu.memory_space<vmem>>
      %dma_start3A_276 = tpu.memref_squeeze %dma_start3A_275 : memref<1x128xi32, #tpu.memory_space<vmem>> -> memref<128xi32, #tpu.memory_space<vmem>>
      %dma_start3A_277 = arith.constant 0 : i32
      %dma_start3A_278 = arith.constant 0 : i32
      %dma_start3A_279 = tpu.memref_slice %arg13[%dma_start3A_277, %dma_start3A_278] : memref<10112x32xf32, #tpu.memory_space<vmem_shared>> -> memref<10112x32xf32, #tpu.memory_space<vmem_shared>>
      tpu.enqueue_indirect_dma source(%dma_start3A_273 : memref<128x32xf32, #tpu.memory_space<vmem>>) target(%dma_start3A_279 : memref<10112x32xf32, #tpu.memory_space<vmem_shared>>) offsets(%dma_start3A_276 : memref<128xi32, #tpu.memory_space<vmem>>) semaphore(%arg15 : memref<!tpu.dma_semaphore, #tpu.memory_space<semaphore_mem>>) {add = true}
      %mul3A_280 = arith.constant 4 : i32
      %mul3A_281 = arith.muli %add3A_250, %mul3A_280 : i32
      %add3A_282 = arith.constant 1 : i32
      %add3A_283 = arith.addi %mul3A_281, %add3A_282 : i32
      %dma_start3A_284 = arith.constant 128 : i32
      %dma_start3A_285 = arith.constant 0 : i32
      %dma_start3A_286 = tpu.memref_slice %arg10[%dma_start3A_284, %dma_start3A_285] : memref<512x32xf32, #tpu.memory_space<vmem>> -> memref<128x32xf32, #tpu.memory_space<vmem>>
      %dma_start3A_287 = arith.constant 0 : i32
      %dma_start3A_288 = tpu.memref_slice %arg7[%add3A_283, %dma_start3A_287] : memref<40x128xi32, #tpu.memory_space<vmem>> -> memref<1x128xi32, #tpu.memory_space<vmem>>
      %dma_start3A_289 = tpu.memref_squeeze %dma_start3A_288 : memref<1x128xi32, #tpu.memory_space<vmem>> -> memref<128xi32, #tpu.memory_space<vmem>>
      %dma_start3A_290 = arith.constant 0 : i32
      %dma_start3A_291 = arith.constant 0 : i32
      %dma_start3A_292 = tpu.memref_slice %arg12[%dma_start3A_290, %dma_start3A_291] : memref<10112x32xf32, #tpu.memory_space<vmem_shared>> -> memref<10112x32xf32, #tpu.memory_space<vmem_shared>>
      tpu.enqueue_indirect_dma source(%dma_start3A_286 : memref<128x32xf32, #tpu.memory_space<vmem>>) target(%dma_start3A_292 : memref<10112x32xf32, #tpu.memory_space<vmem_shared>>) offsets(%dma_start3A_289 : memref<128xi32, #tpu.memory_space<vmem>>) semaphore(%arg15 : memref<!tpu.dma_semaphore, #tpu.memory_space<semaphore_mem>>) {add = true}
      %dma_start3A_293 = arith.constant 128 : i32
      %dma_start3A_294 = arith.constant 0 : i32
      %dma_start3A_295 = tpu.memref_slice %arg10[%dma_start3A_293, %dma_start3A_294] : memref<512x32xf32, #tpu.memory_space<vmem>> -> memref<128x32xf32, #tpu.memory_space<vmem>>
      %dma_start3A_296 = arith.constant 0 : i32
      %dma_start3A_297 = tpu.memref_slice %arg8[%add3A_283, %dma_start3A_296] : memref<40x128xi32, #tpu.memory_space<vmem>> -> memref<1x128xi32, #tpu.memory_space<vmem>>
      %dma_start3A_298 = tpu.memref_squeeze %dma_start3A_297 : memref<1x128xi32, #tpu.memory_space<vmem>> -> memref<128xi32, #tpu.memory_space<vmem>>
      %dma_start3A_299 = arith.constant 0 : i32
      %dma_start3A_300 = arith.constant 0 : i32
      %dma_start3A_301 = tpu.memref_slice %arg13[%dma_start3A_299, %dma_start3A_300] : memref<10112x32xf32, #tpu.memory_space<vmem_shared>> -> memref<10112x32xf32, #tpu.memory_space<vmem_shared>>
      tpu.enqueue_indirect_dma source(%dma_start3A_295 : memref<128x32xf32, #tpu.memory_space<vmem>>) target(%dma_start3A_301 : memref<10112x32xf32, #tpu.memory_space<vmem_shared>>) offsets(%dma_start3A_298 : memref<128xi32, #tpu.memory_space<vmem>>) semaphore(%arg15 : memref<!tpu.dma_semaphore, #tpu.memory_space<semaphore_mem>>) {add = true}
      %mul3A_302 = arith.constant 4 : i32
      %mul3A_303 = arith.muli %add3A_250, %mul3A_302 : i32
      %add3A_304 = arith.constant 2 : i32
      %add3A_305 = arith.addi %mul3A_303, %add3A_304 : i32
      %dma_start3A_306 = arith.constant 256 : i32
      %dma_start3A_307 = arith.constant 0 : i32
      %dma_start3A_308 = tpu.memref_slice %arg10[%dma_start3A_306, %dma_start3A_307] : memref<512x32xf32, #tpu.memory_space<vmem>> -> memref<128x32xf32, #tpu.memory_space<vmem>>
      %dma_start3A_309 = arith.constant 0 : i32
      %dma_start3A_310 = tpu.memref_slice %arg7[%add3A_305, %dma_start3A_309] : memref<40x128xi32, #tpu.memory_space<vmem>> -> memref<1x128xi32, #tpu.memory_space<vmem>>
      %dma_start3A_311 = tpu.memref_squeeze %dma_start3A_310 : memref<1x128xi32, #tpu.memory_space<vmem>> -> memref<128xi32, #tpu.memory_space<vmem>>
      %dma_start3A_312 = arith.constant 0 : i32
      %dma_start3A_313 = arith.constant 0 : i32
      %dma_start3A_314 = tpu.memref_slice %arg12[%dma_start3A_312, %dma_start3A_313] : memref<10112x32xf32, #tpu.memory_space<vmem_shared>> -> memref<10112x32xf32, #tpu.memory_space<vmem_shared>>
      tpu.enqueue_indirect_dma source(%dma_start3A_308 : memref<128x32xf32, #tpu.memory_space<vmem>>) target(%dma_start3A_314 : memref<10112x32xf32, #tpu.memory_space<vmem_shared>>) offsets(%dma_start3A_311 : memref<128xi32, #tpu.memory_space<vmem>>) semaphore(%arg15 : memref<!tpu.dma_semaphore, #tpu.memory_space<semaphore_mem>>) {add = true}
      %dma_start3A_315 = arith.constant 256 : i32
      %dma_start3A_316 = arith.constant 0 : i32
      %dma_start3A_317 = tpu.memref_slice %arg10[%dma_start3A_315, %dma_start3A_316] : memref<512x32xf32, #tpu.memory_space<vmem>> -> memref<128x32xf32, #tpu.memory_space<vmem>>
      %dma_start3A_318 = arith.constant 0 : i32
      %dma_start3A_319 = tpu.memref_slice %arg8[%add3A_305, %dma_start3A_318] : memref<40x128xi32, #tpu.memory_space<vmem>> -> memref<1x128xi32, #tpu.memory_space<vmem>>
      %dma_start3A_320 = tpu.memref_squeeze %dma_start3A_319 : memref<1x128xi32, #tpu.memory_space<vmem>> -> memref<128xi32, #tpu.memory_space<vmem>>
      %dma_start3A_321 = arith.constant 0 : i32
      %dma_start3A_322 = arith.constant 0 : i32
      %dma_start3A_323 = tpu.memref_slice %arg13[%dma_start3A_321, %dma_start3A_322] : memref<10112x32xf32, #tpu.memory_space<vmem_shared>> -> memref<10112x32xf32, #tpu.memory_space<vmem_shared>>
      tpu.enqueue_indirect_dma source(%dma_start3A_317 : memref<128x32xf32, #tpu.memory_space<vmem>>) target(%dma_start3A_323 : memref<10112x32xf32, #tpu.memory_space<vmem_shared>>) offsets(%dma_start3A_320 : memref<128xi32, #tpu.memory_space<vmem>>) semaphore(%arg15 : memref<!tpu.dma_semaphore, #tpu.memory_space<semaphore_mem>>) {add = true}
      %mul3A_324 = arith.constant 4 : i32
      %mul3A_325 = arith.muli %add3A_250, %mul3A_324 : i32
      %add3A_326 = arith.constant 3 : i32
      %add3A_327 = arith.addi %mul3A_325, %add3A_326 : i32
      %dma_start3A_328 = arith.constant 384 : i32
      %dma_start3A_329 = arith.constant 0 : i32
      %dma_start3A_330 = tpu.memref_slice %arg10[%dma_start3A_328, %dma_start3A_329] : memref<512x32xf32, #tpu.memory_space<vmem>> -> memref<128x32xf32, #tpu.memory_space<vmem>>
      %dma_start3A_331 = arith.constant 0 : i32
      %dma_start3A_332 = tpu.memref_slice %arg7[%add3A_327, %dma_start3A_331] : memref<40x128xi32, #tpu.memory_space<vmem>> -> memref<1x128xi32, #tpu.memory_space<vmem>>
      %dma_start3A_333 = tpu.memref_squeeze %dma_start3A_332 : memref<1x128xi32, #tpu.memory_space<vmem>> -> memref<128xi32, #tpu.memory_space<vmem>>
      %dma_start3A_334 = arith.constant 0 : i32
      %dma_start3A_335 = arith.constant 0 : i32
      %dma_start3A_336 = tpu.memref_slice %arg12[%dma_start3A_334, %dma_start3A_335] : memref<10112x32xf32, #tpu.memory_space<vmem_shared>> -> memref<10112x32xf32, #tpu.memory_space<vmem_shared>>
      tpu.enqueue_indirect_dma source(%dma_start3A_330 : memref<128x32xf32, #tpu.memory_space<vmem>>) target(%dma_start3A_336 : memref<10112x32xf32, #tpu.memory_space<vmem_shared>>) offsets(%dma_start3A_333 : memref<128xi32, #tpu.memory_space<vmem>>) semaphore(%arg15 : memref<!tpu.dma_semaphore, #tpu.memory_space<semaphore_mem>>) {add = true}
      %dma_start3A_337 = arith.constant 384 : i32
      %dma_start3A_338 = arith.constant 0 : i32
      %dma_start3A_339 = tpu.memref_slice %arg10[%dma_start3A_337, %dma_start3A_338] : memref<512x32xf32, #tpu.memory_space<vmem>> -> memref<128x32xf32, #tpu.memory_space<vmem>>
      %dma_start3A_340 = arith.constant 0 : i32
      %dma_start3A_341 = tpu.memref_slice %arg8[%add3A_327, %dma_start3A_340] : memref<40x128xi32, #tpu.memory_space<vmem>> -> memref<1x128xi32, #tpu.memory_space<vmem>>
      %dma_start3A_342 = tpu.memref_squeeze %dma_start3A_341 : memref<1x128xi32, #tpu.memory_space<vmem>> -> memref<128xi32, #tpu.memory_space<vmem>>
      %dma_start3A_343 = arith.constant 0 : i32
      %dma_start3A_344 = arith.constant 0 : i32
      %dma_start3A_345 = tpu.memref_slice %arg13[%dma_start3A_343, %dma_start3A_344] : memref<10112x32xf32, #tpu.memory_space<vmem_shared>> -> memref<10112x32xf32, #tpu.memory_space<vmem_shared>>
      tpu.enqueue_indirect_dma source(%dma_start3A_339 : memref<128x32xf32, #tpu.memory_space<vmem>>) target(%dma_start3A_345 : memref<10112x32xf32, #tpu.memory_space<vmem_shared>>) offsets(%dma_start3A_342 : memref<128xi32, #tpu.memory_space<vmem>>) semaphore(%arg15 : memref<!tpu.dma_semaphore, #tpu.memory_space<semaphore_mem>>) {add = true}
      %dma_wait3A_346 = arith.constant 0 : i32
      %dma_wait3A_347 = arith.constant 0 : i32
      %dma_wait3A_348 = tpu.memref_slice %arg10[%dma_wait3A_346, %dma_wait3A_347] : memref<512x32xf32, #tpu.memory_space<vmem>> -> memref<128x32xf32, #tpu.memory_space<vmem>>
      %dma_wait3A_349 = arith.constant 0 : i32
      %dma_wait3A_350 = tpu.memref_slice %arg7[%add3A_261, %dma_wait3A_349] : memref<40x128xi32, #tpu.memory_space<vmem>> -> memref<1x128xi32, #tpu.memory_space<vmem>>
      %dma_wait3A_351 = tpu.memref_squeeze %dma_wait3A_350 : memref<1x128xi32, #tpu.memory_space<vmem>> -> memref<128xi32, #tpu.memory_space<vmem>>
      %dma_wait3A_352 = arith.constant 0 : i32
      %dma_wait3A_353 = arith.constant 0 : i32
      %dma_wait3A_354 = tpu.memref_slice %arg12[%dma_wait3A_352, %dma_wait3A_353] : memref<10112x32xf32, #tpu.memory_space<vmem_shared>> -> memref<10112x32xf32, #tpu.memory_space<vmem_shared>>
      tpu.wait_indirect_dma semaphore(%arg15 : memref<!tpu.dma_semaphore, #tpu.memory_space<semaphore_mem>>) src(%dma_wait3A_348 : memref<128x32xf32, #tpu.memory_space<vmem>>) dst(%dma_wait3A_354 : memref<10112x32xf32, #tpu.memory_space<vmem_shared>>)
      %dma_wait3A_355 = arith.constant 0 : i32
      %dma_wait3A_356 = arith.constant 0 : i32
      %dma_wait3A_357 = tpu.memref_slice %arg10[%dma_wait3A_355, %dma_wait3A_356] : memref<512x32xf32, #tpu.memory_space<vmem>> -> memref<128x32xf32, #tpu.memory_space<vmem>>
      %dma_wait3A_358 = arith.constant 0 : i32
      %dma_wait3A_359 = tpu.memref_slice %arg8[%add3A_261, %dma_wait3A_358] : memref<40x128xi32, #tpu.memory_space<vmem>> -> memref<1x128xi32, #tpu.memory_space<vmem>>
      %dma_wait3A_360 = tpu.memref_squeeze %dma_wait3A_359 : memref<1x128xi32, #tpu.memory_space<vmem>> -> memref<128xi32, #tpu.memory_space<vmem>>
      %dma_wait3A_361 = arith.constant 0 : i32
      %dma_wait3A_362 = arith.constant 0 : i32
      %dma_wait3A_363 = tpu.memref_slice %arg13[%dma_wait3A_361, %dma_wait3A_362] : memref<10112x32xf32, #tpu.memory_space<vmem_shared>> -> memref<10112x32xf32, #tpu.memory_space<vmem_shared>>
      tpu.wait_indirect_dma semaphore(%arg15 : memref<!tpu.dma_semaphore, #tpu.memory_space<semaphore_mem>>) src(%dma_wait3A_357 : memref<128x32xf32, #tpu.memory_space<vmem>>) dst(%dma_wait3A_363 : memref<10112x32xf32, #tpu.memory_space<vmem_shared>>)
      %dma_wait3A_364 = arith.constant 128 : i32
      %dma_wait3A_365 = arith.constant 0 : i32
      %dma_wait3A_366 = tpu.memref_slice %arg10[%dma_wait3A_364, %dma_wait3A_365] : memref<512x32xf32, #tpu.memory_space<vmem>> -> memref<128x32xf32, #tpu.memory_space<vmem>>
      %dma_wait3A_367 = arith.constant 0 : i32
      %dma_wait3A_368 = tpu.memref_slice %arg7[%add3A_283, %dma_wait3A_367] : memref<40x128xi32, #tpu.memory_space<vmem>> -> memref<1x128xi32, #tpu.memory_space<vmem>>
      %dma_wait3A_369 = tpu.memref_squeeze %dma_wait3A_368 : memref<1x128xi32, #tpu.memory_space<vmem>> -> memref<128xi32, #tpu.memory_space<vmem>>
      %dma_wait3A_370 = arith.constant 0 : i32
      %dma_wait3A_371 = arith.constant 0 : i32
      %dma_wait3A_372 = tpu.memref_slice %arg12[%dma_wait3A_370, %dma_wait3A_371] : memref<10112x32xf32, #tpu.memory_space<vmem_shared>> -> memref<10112x32xf32, #tpu.memory_space<vmem_shared>>
      tpu.wait_indirect_dma semaphore(%arg15 : memref<!tpu.dma_semaphore, #tpu.memory_space<semaphore_mem>>) src(%dma_wait3A_366 : memref<128x32xf32, #tpu.memory_space<vmem>>) dst(%dma_wait3A_372 : memref<10112x32xf32, #tpu.memory_space<vmem_shared>>)
      %dma_wait3A_373 = arith.constant 128 : i32
      %dma_wait3A_374 = arith.constant 0 : i32
      %dma_wait3A_375 = tpu.memref_slice %arg10[%dma_wait3A_373, %dma_wait3A_374] : memref<512x32xf32, #tpu.memory_space<vmem>> -> memref<128x32xf32, #tpu.memory_space<vmem>>
      %dma_wait3A_376 = arith.constant 0 : i32
      %dma_wait3A_377 = tpu.memref_slice %arg8[%add3A_283, %dma_wait3A_376] : memref<40x128xi32, #tpu.memory_space<vmem>> -> memref<1x128xi32, #tpu.memory_space<vmem>>
      %dma_wait3A_378 = tpu.memref_squeeze %dma_wait3A_377 : memref<1x128xi32, #tpu.memory_space<vmem>> -> memref<128xi32, #tpu.memory_space<vmem>>
      %dma_wait3A_379 = arith.constant 0 : i32
      %dma_wait3A_380 = arith.constant 0 : i32
      %dma_wait3A_381 = tpu.memref_slice %arg13[%dma_wait3A_379, %dma_wait3A_380] : memref<10112x32xf32, #tpu.memory_space<vmem_shared>> -> memref<10112x32xf32, #tpu.memory_space<vmem_shared>>
      tpu.wait_indirect_dma semaphore(%arg15 : memref<!tpu.dma_semaphore, #tpu.memory_space<semaphore_mem>>) src(%dma_wait3A_375 : memref<128x32xf32, #tpu.memory_space<vmem>>) dst(%dma_wait3A_381 : memref<10112x32xf32, #tpu.memory_space<vmem_shared>>)
      %dma_wait3A_382 = arith.constant 256 : i32
      %dma_wait3A_383 = arith.constant 0 : i32
      %dma_wait3A_384 = tpu.memref_slice %arg10[%dma_wait3A_382, %dma_wait3A_383] : memref<512x32xf32, #tpu.memory_space<vmem>> -> memref<128x32xf32, #tpu.memory_space<vmem>>
      %dma_wait3A_385 = arith.constant 0 : i32
      %dma_wait3A_386 = tpu.memref_slice %arg7[%add3A_305, %dma_wait3A_385] : memref<40x128xi32, #tpu.memory_space<vmem>> -> memref<1x128xi32, #tpu.memory_space<vmem>>
      %dma_wait3A_387 = tpu.memref_squeeze %dma_wait3A_386 : memref<1x128xi32, #tpu.memory_space<vmem>> -> memref<128xi32, #tpu.memory_space<vmem>>
      %dma_wait3A_388 = arith.constant 0 : i32
      %dma_wait3A_389 = arith.constant 0 : i32
      %dma_wait3A_390 = tpu.memref_slice %arg12[%dma_wait3A_388, %dma_wait3A_389] : memref<10112x32xf32, #tpu.memory_space<vmem_shared>> -> memref<10112x32xf32, #tpu.memory_space<vmem_shared>>
      tpu.wait_indirect_dma semaphore(%arg15 : memref<!tpu.dma_semaphore, #tpu.memory_space<semaphore_mem>>) src(%dma_wait3A_384 : memref<128x32xf32, #tpu.memory_space<vmem>>) dst(%dma_wait3A_390 : memref<10112x32xf32, #tpu.memory_space<vmem_shared>>)
      %dma_wait3A_391 = arith.constant 256 : i32
      %dma_wait3A_392 = arith.constant 0 : i32
      %dma_wait3A_393 = tpu.memref_slice %arg10[%dma_wait3A_391, %dma_wait3A_392] : memref<512x32xf32, #tpu.memory_space<vmem>> -> memref<128x32xf32, #tpu.memory_space<vmem>>
      %dma_wait3A_394 = arith.constant 0 : i32
      %dma_wait3A_395 = tpu.memref_slice %arg8[%add3A_305, %dma_wait3A_394] : memref<40x128xi32, #tpu.memory_space<vmem>> -> memref<1x128xi32, #tpu.memory_space<vmem>>
      %dma_wait3A_396 = tpu.memref_squeeze %dma_wait3A_395 : memref<1x128xi32, #tpu.memory_space<vmem>> -> memref<128xi32, #tpu.memory_space<vmem>>
      %dma_wait3A_397 = arith.constant 0 : i32
      %dma_wait3A_398 = arith.constant 0 : i32
      %dma_wait3A_399 = tpu.memref_slice %arg13[%dma_wait3A_397, %dma_wait3A_398] : memref<10112x32xf32, #tpu.memory_space<vmem_shared>> -> memref<10112x32xf32, #tpu.memory_space<vmem_shared>>
      tpu.wait_indirect_dma semaphore(%arg15 : memref<!tpu.dma_semaphore, #tpu.memory_space<semaphore_mem>>) src(%dma_wait3A_393 : memref<128x32xf32, #tpu.memory_space<vmem>>) dst(%dma_wait3A_399 : memref<10112x32xf32, #tpu.memory_space<vmem_shared>>)
      %dma_wait3A_400 = arith.constant 384 : i32
      %dma_wait3A_401 = arith.constant 0 : i32
      %dma_wait3A_402 = tpu.memref_slice %arg10[%dma_wait3A_400, %dma_wait3A_401] : memref<512x32xf32, #tpu.memory_space<vmem>> -> memref<128x32xf32, #tpu.memory_space<vmem>>
      %dma_wait3A_403 = arith.constant 0 : i32
      %dma_wait3A_404 = tpu.memref_slice %arg7[%add3A_327, %dma_wait3A_403] : memref<40x128xi32, #tpu.memory_space<vmem>> -> memref<1x128xi32, #tpu.memory_space<vmem>>
      %dma_wait3A_405 = tpu.memref_squeeze %dma_wait3A_404 : memref<1x128xi32, #tpu.memory_space<vmem>> -> memref<128xi32, #tpu.memory_space<vmem>>
      %dma_wait3A_406 = arith.constant 0 : i32
      %dma_wait3A_407 = arith.constant 0 : i32
      %dma_wait3A_408 = tpu.memref_slice %arg12[%dma_wait3A_406, %dma_wait3A_407] : memref<10112x32xf32, #tpu.memory_space<vmem_shared>> -> memref<10112x32xf32, #tpu.memory_space<vmem_shared>>
      tpu.wait_indirect_dma semaphore(%arg15 : memref<!tpu.dma_semaphore, #tpu.memory_space<semaphore_mem>>) src(%dma_wait3A_402 : memref<128x32xf32, #tpu.memory_space<vmem>>) dst(%dma_wait3A_408 : memref<10112x32xf32, #tpu.memory_space<vmem_shared>>)
      %dma_wait3A_409 = arith.constant 384 : i32
      %dma_wait3A_410 = arith.constant 0 : i32
      %dma_wait3A_411 = tpu.memref_slice %arg10[%dma_wait3A_409, %dma_wait3A_410] : memref<512x32xf32, #tpu.memory_space<vmem>> -> memref<128x32xf32, #tpu.memory_space<vmem>>
      %dma_wait3A_412 = arith.constant 0 : i32
      %dma_wait3A_413 = tpu.memref_slice %arg8[%add3A_327, %dma_wait3A_412] : memref<40x128xi32, #tpu.memory_space<vmem>> -> memref<1x128xi32, #tpu.memory_space<vmem>>
      %dma_wait3A_414 = tpu.memref_squeeze %dma_wait3A_413 : memref<1x128xi32, #tpu.memory_space<vmem>> -> memref<128xi32, #tpu.memory_space<vmem>>
      %dma_wait3A_415 = arith.constant 0 : i32
      %dma_wait3A_416 = arith.constant 0 : i32
      %dma_wait3A_417 = tpu.memref_slice %arg13[%dma_wait3A_415, %dma_wait3A_416] : memref<10112x32xf32, #tpu.memory_space<vmem_shared>> -> memref<10112x32xf32, #tpu.memory_space<vmem_shared>>
      tpu.wait_indirect_dma semaphore(%arg15 : memref<!tpu.dma_semaphore, #tpu.memory_space<semaphore_mem>>) src(%dma_wait3A_411 : memref<128x32xf32, #tpu.memory_space<vmem>>) dst(%dma_wait3A_417 : memref<10112x32xf32, #tpu.memory_space<vmem_shared>>)
      %add3A_418 = arith.constant 2 : i32
      %add3A_419 = arith.addi %add3A_250, %add3A_418 : i32
      %rem3A_420 = arith.constant 10 : i32
      %rem3A_421 = arith.remsi %add3A_419, %rem3A_420 : i32
      %mul3A_422 = arith.constant 512 : i32
      %mul3A_423 = arith.muli %rem3A_421, %mul3A_422 : i32
      %add3A_424 = arith.addi %mul3A_2, %mul3A_423 : i32
      %dma_start3A_425 = arith.constant 0 : i32
      %dma_start3A_426 = tpu.memref_slice %arg2[%add3A_424, %dma_start3A_425] : memref<163840x32xf32, #tpu.memory_space<hbm>> -> memref<512x32xf32, #tpu.memory_space<hbm>>
      %dma_start3A_427 = arith.constant 0 : i32
      %dma_start3A_428 = tpu.memref_slice %arg2[%add3A_424, %dma_start3A_427] : memref<163840x32xf32, #tpu.memory_space<hbm>> -> memref<512x32xf32, #tpu.memory_space<hbm>>
      tpu.enqueue_dma source(%dma_start3A_428 : memref<512x32xf32, #tpu.memory_space<hbm>>) target(%arg10 : memref<512x32xf32, #tpu.memory_space<vmem>>) target_semaphore(%arg17 : memref<!tpu.dma_semaphore, #tpu.memory_space<semaphore_mem>>)
      %scan3A_429 = arith.constant 0 : i32
      scf.yield %scan3A_429 : i32
    }
    %scan3A_40 = arith.constant 5 : i32
    %dma_wait3A_41 = arith.constant 0 : i32
    %dma_wait3A_42 = tpu.memref_slice %arg2[%mul3A_2, %dma_wait3A_41] : memref<163840x32xf32, #tpu.memory_space<hbm>> -> memref<512x32xf32, #tpu.memory_space<hbm>>
    %dma_wait3A_43 = arith.constant 0 : i32
    %dma_wait3A_44 = tpu.memref_slice %arg2[%mul3A_2, %dma_wait3A_43] : memref<163840x32xf32, #tpu.memory_space<hbm>> -> memref<512x32xf32, #tpu.memory_space<hbm>>
    tpu.wait_dma2 semaphore(%arg16 : memref<!tpu.dma_semaphore, #tpu.memory_space<semaphore_mem>>) src(%dma_wait3A_44 : memref<512x32xf32, #tpu.memory_space<hbm>>) dst(%arg9 : memref<512x32xf32, #tpu.memory_space<vmem>>)
    %dma_wait3A_45 = arith.constant 0 : i32
    %dma_wait3A_46 = tpu.memref_slice %arg2[%mul3A_2, %dma_wait3A_45] : memref<163840x32xf32, #tpu.memory_space<hbm>> -> memref<512x32xf32, #tpu.memory_space<hbm>>
    %dma_wait3A_47 = arith.constant 0 : i32
    %dma_wait3A_48 = tpu.memref_slice %arg2[%mul3A_2, %dma_wait3A_47] : memref<163840x32xf32, #tpu.memory_space<hbm>> -> memref<512x32xf32, #tpu.memory_space<hbm>>
    tpu.wait_dma2 semaphore(%arg17 : memref<!tpu.dma_semaphore, #tpu.memory_space<semaphore_mem>>) src(%dma_wait3A_48 : memref<512x32xf32, #tpu.memory_space<hbm>>) dst(%arg10 : memref<512x32xf32, #tpu.memory_space<vmem>>)
    %barrier3A_49 = arith.constant 0 : index
    tpu.barrier barrier_id(%barrier3A_49)
    %mul3A_50 = arith.constant 632 : i32
    %mul3A_51 = arith.muli %arg1, %mul3A_50 : i32
    "tpu.region"() ({
      %run_scoped3A = tpu.sem_alloc : memref<!tpu.dma_semaphore, #tpu.memory_space<semaphore_mem>>
      %dma_start3A_66 = arith.constant 0 : i32
      %dma_start3A_67 = tpu.memref_slice %arg12[%mul3A_51, %dma_start3A_66] : memref<10112x32xf32, #tpu.memory_space<vmem_shared>> -> memref<632x32xf32, #tpu.memory_space<vmem_shared>>
      %dma_start3A_68 = arith.constant 0 : i32
      %dma_start3A_69 = tpu.memref_slice %arg12[%mul3A_51, %dma_start3A_68] : memref<10112x32xf32, #tpu.memory_space<vmem_shared>> -> memref<632x32xf32, #tpu.memory_space<vmem_shared>>
      tpu.enqueue_dma source(%dma_start3A_69 : memref<632x32xf32, #tpu.memory_space<vmem_shared>>) target(%arg11 : memref<632x32xf32, #tpu.memory_space<vmem>>) target_semaphore(%run_scoped3A : memref<!tpu.dma_semaphore, #tpu.memory_space<semaphore_mem>>)
      %dma_wait3A_70 = arith.constant 0 : i32
      %dma_wait3A_71 = tpu.memref_slice %arg12[%mul3A_51, %dma_wait3A_70] : memref<10112x32xf32, #tpu.memory_space<vmem_shared>> -> memref<632x32xf32, #tpu.memory_space<vmem_shared>>
      %dma_wait3A_72 = arith.constant 0 : i32
      %dma_wait3A_73 = tpu.memref_slice %arg12[%mul3A_51, %dma_wait3A_72] : memref<10112x32xf32, #tpu.memory_space<vmem_shared>> -> memref<632x32xf32, #tpu.memory_space<vmem_shared>>
      tpu.wait_dma2 semaphore(%run_scoped3A : memref<!tpu.dma_semaphore, #tpu.memory_space<semaphore_mem>>) src(%dma_wait3A_73 : memref<632x32xf32, #tpu.memory_space<vmem_shared>>) dst(%arg11 : memref<632x32xf32, #tpu.memory_space<vmem>>)
      tpu.yield
    }) : () -> ()
    %mul3A_52 = arith.constant 10112 : i32
    %mul3A_53 = arith.muli %arg0, %mul3A_52 : i32
    %mul3A_54 = arith.constant 632 : i32
    %mul3A_55 = arith.muli %arg1, %mul3A_54 : i32
    %add3A_56 = arith.addi %mul3A_53, %mul3A_55 : i32
    "tpu.region"() ({
      %run_scoped3A = tpu.sem_alloc : memref<!tpu.dma_semaphore, #tpu.memory_space<semaphore_mem>>
      %dma_start3A_66 = arith.constant 0 : i32
      %dma_start3A_67 = tpu.memref_slice %arg6[%add3A_56, %dma_start3A_66] : memref<40448x32xf32, #tpu.memory_space<hbm>> -> memref<632x32xf32, #tpu.memory_space<hbm>>
      %dma_start3A_68 = arith.constant 0 : i32
      %dma_start3A_69 = tpu.memref_slice %arg6[%add3A_56, %dma_start3A_68] : memref<40448x32xf32, #tpu.memory_space<hbm>> -> memref<632x32xf32, #tpu.memory_space<hbm>>
      tpu.enqueue_dma source(%arg11 : memref<632x32xf32, #tpu.memory_space<vmem>>) target(%dma_start3A_69 : memref<632x32xf32, #tpu.memory_space<hbm>>) target_semaphore(%run_scoped3A : memref<!tpu.dma_semaphore, #tpu.memory_space<semaphore_mem>>)
      %dma_wait3A_70 = arith.constant 0 : i32
      %dma_wait3A_71 = tpu.memref_slice %arg6[%add3A_56, %dma_wait3A_70] : memref<40448x32xf32, #tpu.memory_space<hbm>> -> memref<632x32xf32, #tpu.memory_space<hbm>>
      %dma_wait3A_72 = arith.constant 0 : i32
      %dma_wait3A_73 = tpu.memref_slice %arg6[%add3A_56, %dma_wait3A_72] : memref<40448x32xf32, #tpu.memory_space<hbm>> -> memref<632x32xf32, #tpu.memory_space<hbm>>
      tpu.wait_dma2 semaphore(%run_scoped3A : memref<!tpu.dma_semaphore, #tpu.memory_space<semaphore_mem>>) src(%arg11 : memref<632x32xf32, #tpu.memory_space<vmem>>) dst(%dma_wait3A_73 : memref<632x32xf32, #tpu.memory_space<hbm>>)
      tpu.yield
    }) : () -> ()
    %mul3A_57 = arith.constant 632 : i32
    %mul3A_58 = arith.muli %arg1, %mul3A_57 : i32
    "tpu.region"() ({
      %run_scoped3A = tpu.sem_alloc : memref<!tpu.dma_semaphore, #tpu.memory_space<semaphore_mem>>
      %dma_start3A_66 = arith.constant 0 : i32
      %dma_start3A_67 = tpu.memref_slice %arg13[%mul3A_58, %dma_start3A_66] : memref<10112x32xf32, #tpu.memory_space<vmem_shared>> -> memref<632x32xf32, #tpu.memory_space<vmem_shared>>
      %dma_start3A_68 = arith.constant 0 : i32
      %dma_start3A_69 = tpu.memref_slice %arg13[%mul3A_58, %dma_start3A_68] : memref<10112x32xf32, #tpu.memory_space<vmem_shared>> -> memref<632x32xf32, #tpu.memory_space<vmem_shared>>
      tpu.enqueue_dma source(%dma_start3A_69 : memref<632x32xf32, #tpu.memory_space<vmem_shared>>) target(%arg11 : memref<632x32xf32, #tpu.memory_space<vmem>>) target_semaphore(%run_scoped3A : memref<!tpu.dma_semaphore, #tpu.memory_space<semaphore_mem>>)
      %dma_wait3A_70 = arith.constant 0 : i32
      %dma_wait3A_71 = tpu.memref_slice %arg13[%mul3A_58, %dma_wait3A_70] : memref<10112x32xf32, #tpu.memory_space<vmem_shared>> -> memref<632x32xf32, #tpu.memory_space<vmem_shared>>
      %dma_wait3A_72 = arith.constant 0 : i32
      %dma_wait3A_73 = tpu.memref_slice %arg13[%mul3A_58, %dma_wait3A_72] : memref<10112x32xf32, #tpu.memory_space<vmem_shared>> -> memref<632x32xf32, #tpu.memory_space<vmem_shared>>
      tpu.wait_dma2 semaphore(%run_scoped3A : memref<!tpu.dma_semaphore, #tpu.memory_space<semaphore_mem>>) src(%dma_wait3A_73 : memref<632x32xf32, #tpu.memory_space<vmem_shared>>) dst(%arg11 : memref<632x32xf32, #tpu.memory_space<vmem>>)
      tpu.yield
    }) : () -> ()
    %add3A_59 = arith.constant 2 : i32
    %add3A_60 = arith.addi %add3A_59, %arg0 : i32
    %mul3A_61 = arith.constant 10112 : i32
    %mul3A_62 = arith.muli %add3A_60, %mul3A_61 : i32
    %mul3A_63 = arith.constant 632 : i32
    %mul3A_64 = arith.muli %arg1, %mul3A_63 : i32
    %add3A_65 = arith.addi %mul3A_62, %mul3A_64 : i32
    "tpu.region"() ({
      %run_scoped3A = tpu.sem_alloc : memref<!tpu.dma_semaphore, #tpu.memory_space<semaphore_mem>>
      %dma_start3A_66 = arith.constant 0 : i32
      %dma_start3A_67 = tpu.memref_slice %arg6[%add3A_65, %dma_start3A_66] : memref<40448x32xf32, #tpu.memory_space<hbm>> -> memref<632x32xf32, #tpu.memory_space<hbm>>
      %dma_start3A_68 = arith.constant 0 : i32
      %dma_start3A_69 = tpu.memref_slice %arg6[%add3A_65, %dma_start3A_68] : memref<40448x32xf32, #tpu.memory_space<hbm>> -> memref<632x32xf32, #tpu.memory_space<hbm>>
      tpu.enqueue_dma source(%arg11 : memref<632x32xf32, #tpu.memory_space<vmem>>) target(%dma_start3A_69 : memref<632x32xf32, #tpu.memory_space<hbm>>) target_semaphore(%run_scoped3A : memref<!tpu.dma_semaphore, #tpu.memory_space<semaphore_mem>>)
      %dma_wait3A_70 = arith.constant 0 : i32
      %dma_wait3A_71 = tpu.memref_slice %arg6[%add3A_65, %dma_wait3A_70] : memref<40448x32xf32, #tpu.memory_space<hbm>> -> memref<632x32xf32, #tpu.memory_space<hbm>>
      %dma_wait3A_72 = arith.constant 0 : i32
      %dma_wait3A_73 = tpu.memref_slice %arg6[%add3A_65, %dma_wait3A_72] : memref<40448x32xf32, #tpu.memory_space<hbm>> -> memref<632x32xf32, #tpu.memory_space<hbm>>
      tpu.wait_dma2 semaphore(%run_scoped3A : memref<!tpu.dma_semaphore, #tpu.memory_space<semaphore_mem>>) src(%arg11 : memref<632x32xf32, #tpu.memory_space<vmem>>) dst(%dma_wait3A_73 : memref<632x32xf32, #tpu.memory_space<hbm>>)
      tpu.yield
    }) : () -> ()
    return
  }
}

#map = affine_map<(d0, d1) -> (0, 0)>
#map1 = affine_map<(d0, d1) -> (0)>
module attributes {stable_mosaic.version = 14 : i64} {
  func.func @_gather_body(%arg0: i32, %arg1: i32, %arg2: memref<10000x32xf32, #tpu.memory_space<hbm>>, %arg3: memref<10000x32xf32, #tpu.memory_space<hbm>>, %arg4: memref<163840xi32, #tpu.memory_space<hbm>>, %arg5: memref<163840xi32, #tpu.memory_space<hbm>>, %arg6: memref<163840x32xf32, #tpu.memory_space<hbm>>, %arg7: memref<163840x32xf32, #tpu.memory_space<hbm>>, %arg8: memref<5120xi32, #tpu.memory_space<vmem>>, %arg9: memref<5120xi32, #tpu.memory_space<vmem>>, %arg10: memref<512x32xf32, #tpu.memory_space<vmem>>, %arg11: memref<512x32xf32, #tpu.memory_space<vmem>>, %arg12: memref<512x32xf32, #tpu.memory_space<vmem>>, %arg13: memref<512x32xf32, #tpu.memory_space<vmem>>, %arg14: memref<!tpu.dma_semaphore, #tpu.memory_space<semaphore_mem>>, %arg15: memref<!tpu.dma_semaphore, #tpu.memory_space<semaphore_mem>>, %arg16: memref<!tpu.dma_semaphore, #tpu.memory_space<semaphore_mem>>, %arg17: memref<!tpu.dma_semaphore, #tpu.memory_space<semaphore_mem>>) attributes {dimension_semantics = [#tpu.dimension_semantics<core_parallel>, #tpu.dimension_semantics<subcore_parallel>], iteration_bounds = array<i64: 2, 16>, scalar_prefetch = 0 : i64, scratch_operands = 10 : i64, tpu.core_type = #tpu.core_type<sc_vector_subcore>, window_params = [{transform_indices = #map}, {transform_indices = #map}, {transform_indices = #map1}, {transform_indices = #map1}, {transform_indices = #map}, {transform_indices = #map}]} {
    %eq3A = arith.constant 0 : i32
    %eq3A_0 = arith.cmpi eq, %arg0, %eq3A : i32
    %jit3A = arith.constant 5120 : i32
    %jit3A_1 = arith.constant 5120 : i32
    %select_n3A = arith.select %eq3A_0, %jit3A, %jit3A_1 : i32
    %eq3A_2 = arith.constant 0 : i32
    %eq3A_3 = arith.cmpi eq, %arg0, %eq3A_2 : i32
    %mul3A = arith.constant 5120 : i32
    %mul3A_4 = arith.muli %arg1, %mul3A : i32
    %mul3A_5 = arith.constant 5120 : i32
    %mul3A_6 = arith.muli %arg1, %mul3A_5 : i32
    %add3A = arith.constant 81920 : i32
    %add3A_7 = arith.addi %add3A, %mul3A_6 : i32
    %select_n3A_8 = arith.select %eq3A_3, %mul3A_4, %add3A_7 : i32
    %jit3A_9 = arith.constant 512 : i32
    %div3A = arith.divsi %select_n3A, %jit3A_9 : i32
    %sign3A = arith.constant 0 : i32
    %sign3A_10 = arith.cmpi sgt, %select_n3A, %sign3A : i32
    %sign3A_11 = arith.extui %sign3A_10 : i1 to i32
    %sign3A_12 = arith.constant 0 : i32
    %sign3A_13 = arith.cmpi slt, %select_n3A, %sign3A_12 : i32
    %sign3A_14 = arith.extui %sign3A_13 : i1 to i32
    %sign3A_15 = arith.subi %sign3A_11, %sign3A_14 : i32
    %sign3A_16 = arith.constant 0 : i32
    %sign3A_17 = arith.cmpi sgt, %jit3A_9, %sign3A_16 : i32
    %sign3A_18 = arith.extui %sign3A_17 : i1 to i32
    %sign3A_19 = arith.constant 0 : i32
    %sign3A_20 = arith.cmpi slt, %jit3A_9, %sign3A_19 : i32
    %sign3A_21 = arith.extui %sign3A_20 : i1 to i32
    %sign3A_22 = arith.subi %sign3A_18, %sign3A_21 : i32
    %ne3A = arith.cmpi ne, %sign3A_15, %sign3A_22 : i32
    %rem3A = arith.remsi %select_n3A, %jit3A_9 : i32
    %ne3A_23 = arith.constant 0 : i32
    %ne3A_24 = arith.cmpi ne, %rem3A, %ne3A_23 : i32
    %and3A = arith.andi %ne3A, %ne3A_24 : i1
    %sub3A = arith.constant 1 : i32
    %sub3A_25 = arith.subi %div3A, %sub3A : i32
    %select_n3A_26 = arith.select %and3A, %sub3A_25, %div3A : i32
    %dma_start3A = tpu.memref_slice %arg4[%select_n3A_8] : memref<163840xi32, #tpu.memory_space<hbm>> -> memref<5120xi32, #tpu.memory_space<hbm>>
    %dma_start3A_27 = tpu.memref_slice %arg4[%select_n3A_8] : memref<163840xi32, #tpu.memory_space<hbm>> -> memref<5120xi32, #tpu.memory_space<hbm>>
    tpu.enqueue_dma source(%dma_start3A_27 : memref<5120xi32, #tpu.memory_space<hbm>>) target(%arg8 : memref<5120xi32, #tpu.memory_space<vmem>>) target_semaphore(%arg14 : memref<!tpu.dma_semaphore, #tpu.memory_space<semaphore_mem>>)
    %dma_start3A_28 = tpu.memref_slice %arg5[%select_n3A_8] : memref<163840xi32, #tpu.memory_space<hbm>> -> memref<5120xi32, #tpu.memory_space<hbm>>
    %dma_start3A_29 = tpu.memref_slice %arg5[%select_n3A_8] : memref<163840xi32, #tpu.memory_space<hbm>> -> memref<5120xi32, #tpu.memory_space<hbm>>
    tpu.enqueue_dma source(%dma_start3A_29 : memref<5120xi32, #tpu.memory_space<hbm>>) target(%arg9 : memref<5120xi32, #tpu.memory_space<vmem>>) target_semaphore(%arg14 : memref<!tpu.dma_semaphore, #tpu.memory_space<semaphore_mem>>)
    %dma_wait3A = tpu.memref_slice %arg4[%select_n3A_8] : memref<163840xi32, #tpu.memory_space<hbm>> -> memref<5120xi32, #tpu.memory_space<hbm>>
    %dma_wait3A_30 = tpu.memref_slice %arg4[%select_n3A_8] : memref<163840xi32, #tpu.memory_space<hbm>> -> memref<5120xi32, #tpu.memory_space<hbm>>
    tpu.wait_dma2 semaphore(%arg14 : memref<!tpu.dma_semaphore, #tpu.memory_space<semaphore_mem>>) src(%dma_wait3A_30 : memref<5120xi32, #tpu.memory_space<hbm>>) dst(%arg8 : memref<5120xi32, #tpu.memory_space<vmem>>)
    %dma_wait3A_31 = tpu.memref_slice %arg5[%select_n3A_8] : memref<163840xi32, #tpu.memory_space<hbm>> -> memref<5120xi32, #tpu.memory_space<hbm>>
    %dma_wait3A_32 = tpu.memref_slice %arg5[%select_n3A_8] : memref<163840xi32, #tpu.memory_space<hbm>> -> memref<5120xi32, #tpu.memory_space<hbm>>
    tpu.wait_dma2 semaphore(%arg14 : memref<!tpu.dma_semaphore, #tpu.memory_space<semaphore_mem>>) src(%dma_wait3A_32 : memref<5120xi32, #tpu.memory_space<hbm>>) dst(%arg9 : memref<5120xi32, #tpu.memory_space<vmem>>)
    %add3A_33 = arith.constant 0 : i32
    %add3A_34 = arith.addi %select_n3A_8, %add3A_33 : i32
    %dma_start3A_35 = arith.constant 0 : i32
    %dma_start3A_36 = arith.constant 0 : i32
    %dma_start3A_37 = tpu.memref_slice %arg10[%dma_start3A_35, %dma_start3A_36] : memref<512x32xf32, #tpu.memory_space<vmem>> -> memref<128x32xf32, #tpu.memory_space<vmem>>
    %dma_start3A_38 = arith.constant 0 : i32
    %dma_start3A_39 = tpu.memref_slice %arg8[%dma_start3A_38] : memref<5120xi32, #tpu.memory_space<vmem>> -> memref<128xi32, #tpu.memory_space<vmem>>
    %dma_start3A_40 = arith.constant 0 : i32
    %dma_start3A_41 = arith.constant 0 : i32
    %dma_start3A_42 = tpu.memref_slice %arg2[%dma_start3A_40, %dma_start3A_41] : memref<10000x32xf32, #tpu.memory_space<hbm>> -> memref<10000x32xf32, #tpu.memory_space<hbm>>
    tpu.enqueue_indirect_dma source(%dma_start3A_42 : memref<10000x32xf32, #tpu.memory_space<hbm>>) target(%dma_start3A_37 : memref<128x32xf32, #tpu.memory_space<vmem>>) offsets(%dma_start3A_39 : memref<128xi32, #tpu.memory_space<vmem>>) semaphore(%arg15 : memref<!tpu.dma_semaphore, #tpu.memory_space<semaphore_mem>>)
    %dma_start3A_43 = arith.constant 0 : i32
    %dma_start3A_44 = arith.constant 0 : i32
    %dma_start3A_45 = tpu.memref_slice %arg12[%dma_start3A_43, %dma_start3A_44] : memref<512x32xf32, #tpu.memory_space<vmem>> -> memref<128x32xf32, #tpu.memory_space<vmem>>
    %dma_start3A_46 = arith.constant 0 : i32
    %dma_start3A_47 = tpu.memref_slice %arg9[%dma_start3A_46] : memref<5120xi32, #tpu.memory_space<vmem>> -> memref<128xi32, #tpu.memory_space<vmem>>
    %dma_start3A_48 = arith.constant 0 : i32
    %dma_start3A_49 = arith.constant 0 : i32
    %dma_start3A_50 = tpu.memref_slice %arg3[%dma_start3A_48, %dma_start3A_49] : memref<10000x32xf32, #tpu.memory_space<hbm>> -> memref<10000x32xf32, #tpu.memory_space<hbm>>
    tpu.enqueue_indirect_dma source(%dma_start3A_50 : memref<10000x32xf32, #tpu.memory_space<hbm>>) target(%dma_start3A_45 : memref<128x32xf32, #tpu.memory_space<vmem>>) offsets(%dma_start3A_47 : memref<128xi32, #tpu.memory_space<vmem>>) semaphore(%arg15 : memref<!tpu.dma_semaphore, #tpu.memory_space<semaphore_mem>>)
    %dma_start3A_51 = arith.constant 128 : i32
    %dma_start3A_52 = arith.constant 0 : i32
    %dma_start3A_53 = tpu.memref_slice %arg10[%dma_start3A_51, %dma_start3A_52] : memref<512x32xf32, #tpu.memory_space<vmem>> -> memref<128x32xf32, #tpu.memory_space<vmem>>
    %dma_start3A_54 = arith.constant 128 : i32
    %dma_start3A_55 = tpu.memref_slice %arg8[%dma_start3A_54] : memref<5120xi32, #tpu.memory_space<vmem>> -> memref<128xi32, #tpu.memory_space<vmem>>
    %dma_start3A_56 = arith.constant 0 : i32
    %dma_start3A_57 = arith.constant 0 : i32
    %dma_start3A_58 = tpu.memref_slice %arg2[%dma_start3A_56, %dma_start3A_57] : memref<10000x32xf32, #tpu.memory_space<hbm>> -> memref<10000x32xf32, #tpu.memory_space<hbm>>
    tpu.enqueue_indirect_dma source(%dma_start3A_58 : memref<10000x32xf32, #tpu.memory_space<hbm>>) target(%dma_start3A_53 : memref<128x32xf32, #tpu.memory_space<vmem>>) offsets(%dma_start3A_55 : memref<128xi32, #tpu.memory_space<vmem>>) semaphore(%arg15 : memref<!tpu.dma_semaphore, #tpu.memory_space<semaphore_mem>>)
    %dma_start3A_59 = arith.constant 128 : i32
    %dma_start3A_60 = arith.constant 0 : i32
    %dma_start3A_61 = tpu.memref_slice %arg12[%dma_start3A_59, %dma_start3A_60] : memref<512x32xf32, #tpu.memory_space<vmem>> -> memref<128x32xf32, #tpu.memory_space<vmem>>
    %dma_start3A_62 = arith.constant 128 : i32
    %dma_start3A_63 = tpu.memref_slice %arg9[%dma_start3A_62] : memref<5120xi32, #tpu.memory_space<vmem>> -> memref<128xi32, #tpu.memory_space<vmem>>
    %dma_start3A_64 = arith.constant 0 : i32
    %dma_start3A_65 = arith.constant 0 : i32
    %dma_start3A_66 = tpu.memref_slice %arg3[%dma_start3A_64, %dma_start3A_65] : memref<10000x32xf32, #tpu.memory_space<hbm>> -> memref<10000x32xf32, #tpu.memory_space<hbm>>
    tpu.enqueue_indirect_dma source(%dma_start3A_66 : memref<10000x32xf32, #tpu.memory_space<hbm>>) target(%dma_start3A_61 : memref<128x32xf32, #tpu.memory_space<vmem>>) offsets(%dma_start3A_63 : memref<128xi32, #tpu.memory_space<vmem>>) semaphore(%arg15 : memref<!tpu.dma_semaphore, #tpu.memory_space<semaphore_mem>>)
    %dma_start3A_67 = arith.constant 256 : i32
    %dma_start3A_68 = arith.constant 0 : i32
    %dma_start3A_69 = tpu.memref_slice %arg10[%dma_start3A_67, %dma_start3A_68] : memref<512x32xf32, #tpu.memory_space<vmem>> -> memref<128x32xf32, #tpu.memory_space<vmem>>
    %dma_start3A_70 = arith.constant 256 : i32
    %dma_start3A_71 = tpu.memref_slice %arg8[%dma_start3A_70] : memref<5120xi32, #tpu.memory_space<vmem>> -> memref<128xi32, #tpu.memory_space<vmem>>
    %dma_start3A_72 = arith.constant 0 : i32
    %dma_start3A_73 = arith.constant 0 : i32
    %dma_start3A_74 = tpu.memref_slice %arg2[%dma_start3A_72, %dma_start3A_73] : memref<10000x32xf32, #tpu.memory_space<hbm>> -> memref<10000x32xf32, #tpu.memory_space<hbm>>
    tpu.enqueue_indirect_dma source(%dma_start3A_74 : memref<10000x32xf32, #tpu.memory_space<hbm>>) target(%dma_start3A_69 : memref<128x32xf32, #tpu.memory_space<vmem>>) offsets(%dma_start3A_71 : memref<128xi32, #tpu.memory_space<vmem>>) semaphore(%arg15 : memref<!tpu.dma_semaphore, #tpu.memory_space<semaphore_mem>>)
    %dma_start3A_75 = arith.constant 256 : i32
    %dma_start3A_76 = arith.constant 0 : i32
    %dma_start3A_77 = tpu.memref_slice %arg12[%dma_start3A_75, %dma_start3A_76] : memref<512x32xf32, #tpu.memory_space<vmem>> -> memref<128x32xf32, #tpu.memory_space<vmem>>
    %dma_start3A_78 = arith.constant 256 : i32
    %dma_start3A_79 = tpu.memref_slice %arg9[%dma_start3A_78] : memref<5120xi32, #tpu.memory_space<vmem>> -> memref<128xi32, #tpu.memory_space<vmem>>
    %dma_start3A_80 = arith.constant 0 : i32
    %dma_start3A_81 = arith.constant 0 : i32
    %dma_start3A_82 = tpu.memref_slice %arg3[%dma_start3A_80, %dma_start3A_81] : memref<10000x32xf32, #tpu.memory_space<hbm>> -> memref<10000x32xf32, #tpu.memory_space<hbm>>
    tpu.enqueue_indirect_dma source(%dma_start3A_82 : memref<10000x32xf32, #tpu.memory_space<hbm>>) target(%dma_start3A_77 : memref<128x32xf32, #tpu.memory_space<vmem>>) offsets(%dma_start3A_79 : memref<128xi32, #tpu.memory_space<vmem>>) semaphore(%arg15 : memref<!tpu.dma_semaphore, #tpu.memory_space<semaphore_mem>>)
    %dma_start3A_83 = arith.constant 384 : i32
    %dma_start3A_84 = arith.constant 0 : i32
    %dma_start3A_85 = tpu.memref_slice %arg10[%dma_start3A_83, %dma_start3A_84] : memref<512x32xf32, #tpu.memory_space<vmem>> -> memref<128x32xf32, #tpu.memory_space<vmem>>
    %dma_start3A_86 = arith.constant 384 : i32
    %dma_start3A_87 = tpu.memref_slice %arg8[%dma_start3A_86] : memref<5120xi32, #tpu.memory_space<vmem>> -> memref<128xi32, #tpu.memory_space<vmem>>
    %dma_start3A_88 = arith.constant 0 : i32
    %dma_start3A_89 = arith.constant 0 : i32
    %dma_start3A_90 = tpu.memref_slice %arg2[%dma_start3A_88, %dma_start3A_89] : memref<10000x32xf32, #tpu.memory_space<hbm>> -> memref<10000x32xf32, #tpu.memory_space<hbm>>
    tpu.enqueue_indirect_dma source(%dma_start3A_90 : memref<10000x32xf32, #tpu.memory_space<hbm>>) target(%dma_start3A_85 : memref<128x32xf32, #tpu.memory_space<vmem>>) offsets(%dma_start3A_87 : memref<128xi32, #tpu.memory_space<vmem>>) semaphore(%arg15 : memref<!tpu.dma_semaphore, #tpu.memory_space<semaphore_mem>>)
    %dma_start3A_91 = arith.constant 384 : i32
    %dma_start3A_92 = arith.constant 0 : i32
    %dma_start3A_93 = tpu.memref_slice %arg12[%dma_start3A_91, %dma_start3A_92] : memref<512x32xf32, #tpu.memory_space<vmem>> -> memref<128x32xf32, #tpu.memory_space<vmem>>
    %dma_start3A_94 = arith.constant 384 : i32
    %dma_start3A_95 = tpu.memref_slice %arg9[%dma_start3A_94] : memref<5120xi32, #tpu.memory_space<vmem>> -> memref<128xi32, #tpu.memory_space<vmem>>
    %dma_start3A_96 = arith.constant 0 : i32
    %dma_start3A_97 = arith.constant 0 : i32
    %dma_start3A_98 = tpu.memref_slice %arg3[%dma_start3A_96, %dma_start3A_97] : memref<10000x32xf32, #tpu.memory_space<hbm>> -> memref<10000x32xf32, #tpu.memory_space<hbm>>
    tpu.enqueue_indirect_dma source(%dma_start3A_98 : memref<10000x32xf32, #tpu.memory_space<hbm>>) target(%dma_start3A_93 : memref<128x32xf32, #tpu.memory_space<vmem>>) offsets(%dma_start3A_95 : memref<128xi32, #tpu.memory_space<vmem>>) semaphore(%arg15 : memref<!tpu.dma_semaphore, #tpu.memory_space<semaphore_mem>>)
    %dma_wait3A_99 = arith.constant 0 : i32
    %dma_wait3A_100 = arith.constant 0 : i32
    %dma_wait3A_101 = tpu.memref_slice %arg10[%dma_wait3A_99, %dma_wait3A_100] : memref<512x32xf32, #tpu.memory_space<vmem>> -> memref<128x32xf32, #tpu.memory_space<vmem>>
    %dma_wait3A_102 = arith.constant 0 : i32
    %dma_wait3A_103 = tpu.memref_slice %arg8[%dma_wait3A_102] : memref<5120xi32, #tpu.memory_space<vmem>> -> memref<128xi32, #tpu.memory_space<vmem>>
    %dma_wait3A_104 = arith.constant 0 : i32
    %dma_wait3A_105 = arith.constant 0 : i32
    %dma_wait3A_106 = tpu.memref_slice %arg2[%dma_wait3A_104, %dma_wait3A_105] : memref<10000x32xf32, #tpu.memory_space<hbm>> -> memref<10000x32xf32, #tpu.memory_space<hbm>>
    tpu.wait_indirect_dma semaphore(%arg15 : memref<!tpu.dma_semaphore, #tpu.memory_space<semaphore_mem>>) src(%dma_wait3A_106 : memref<10000x32xf32, #tpu.memory_space<hbm>>) dst(%dma_wait3A_101 : memref<128x32xf32, #tpu.memory_space<vmem>>)
    %dma_wait3A_107 = arith.constant 0 : i32
    %dma_wait3A_108 = arith.constant 0 : i32
    %dma_wait3A_109 = tpu.memref_slice %arg12[%dma_wait3A_107, %dma_wait3A_108] : memref<512x32xf32, #tpu.memory_space<vmem>> -> memref<128x32xf32, #tpu.memory_space<vmem>>
    %dma_wait3A_110 = arith.constant 0 : i32
    %dma_wait3A_111 = tpu.memref_slice %arg9[%dma_wait3A_110] : memref<5120xi32, #tpu.memory_space<vmem>> -> memref<128xi32, #tpu.memory_space<vmem>>
    %dma_wait3A_112 = arith.constant 0 : i32
    %dma_wait3A_113 = arith.constant 0 : i32
    %dma_wait3A_114 = tpu.memref_slice %arg3[%dma_wait3A_112, %dma_wait3A_113] : memref<10000x32xf32, #tpu.memory_space<hbm>> -> memref<10000x32xf32, #tpu.memory_space<hbm>>
    tpu.wait_indirect_dma semaphore(%arg15 : memref<!tpu.dma_semaphore, #tpu.memory_space<semaphore_mem>>) src(%dma_wait3A_114 : memref<10000x32xf32, #tpu.memory_space<hbm>>) dst(%dma_wait3A_109 : memref<128x32xf32, #tpu.memory_space<vmem>>)
    %dma_wait3A_115 = arith.constant 128 : i32
    %dma_wait3A_116 = arith.constant 0 : i32
    %dma_wait3A_117 = tpu.memref_slice %arg10[%dma_wait3A_115, %dma_wait3A_116] : memref<512x32xf32, #tpu.memory_space<vmem>> -> memref<128x32xf32, #tpu.memory_space<vmem>>
    %dma_wait3A_118 = arith.constant 128 : i32
    %dma_wait3A_119 = tpu.memref_slice %arg8[%dma_wait3A_118] : memref<5120xi32, #tpu.memory_space<vmem>> -> memref<128xi32, #tpu.memory_space<vmem>>
    %dma_wait3A_120 = arith.constant 0 : i32
    %dma_wait3A_121 = arith.constant 0 : i32
    %dma_wait3A_122 = tpu.memref_slice %arg2[%dma_wait3A_120, %dma_wait3A_121] : memref<10000x32xf32, #tpu.memory_space<hbm>> -> memref<10000x32xf32, #tpu.memory_space<hbm>>
    tpu.wait_indirect_dma semaphore(%arg15 : memref<!tpu.dma_semaphore, #tpu.memory_space<semaphore_mem>>) src(%dma_wait3A_122 : memref<10000x32xf32, #tpu.memory_space<hbm>>) dst(%dma_wait3A_117 : memref<128x32xf32, #tpu.memory_space<vmem>>)
    %dma_wait3A_123 = arith.constant 128 : i32
    %dma_wait3A_124 = arith.constant 0 : i32
    %dma_wait3A_125 = tpu.memref_slice %arg12[%dma_wait3A_123, %dma_wait3A_124] : memref<512x32xf32, #tpu.memory_space<vmem>> -> memref<128x32xf32, #tpu.memory_space<vmem>>
    %dma_wait3A_126 = arith.constant 128 : i32
    %dma_wait3A_127 = tpu.memref_slice %arg9[%dma_wait3A_126] : memref<5120xi32, #tpu.memory_space<vmem>> -> memref<128xi32, #tpu.memory_space<vmem>>
    %dma_wait3A_128 = arith.constant 0 : i32
    %dma_wait3A_129 = arith.constant 0 : i32
    %dma_wait3A_130 = tpu.memref_slice %arg3[%dma_wait3A_128, %dma_wait3A_129] : memref<10000x32xf32, #tpu.memory_space<hbm>> -> memref<10000x32xf32, #tpu.memory_space<hbm>>
    tpu.wait_indirect_dma semaphore(%arg15 : memref<!tpu.dma_semaphore, #tpu.memory_space<semaphore_mem>>) src(%dma_wait3A_130 : memref<10000x32xf32, #tpu.memory_space<hbm>>) dst(%dma_wait3A_125 : memref<128x32xf32, #tpu.memory_space<vmem>>)
    %dma_wait3A_131 = arith.constant 256 : i32
    %dma_wait3A_132 = arith.constant 0 : i32
    %dma_wait3A_133 = tpu.memref_slice %arg10[%dma_wait3A_131, %dma_wait3A_132] : memref<512x32xf32, #tpu.memory_space<vmem>> -> memref<128x32xf32, #tpu.memory_space<vmem>>
    %dma_wait3A_134 = arith.constant 256 : i32
    %dma_wait3A_135 = tpu.memref_slice %arg8[%dma_wait3A_134] : memref<5120xi32, #tpu.memory_space<vmem>> -> memref<128xi32, #tpu.memory_space<vmem>>
    %dma_wait3A_136 = arith.constant 0 : i32
    %dma_wait3A_137 = arith.constant 0 : i32
    %dma_wait3A_138 = tpu.memref_slice %arg2[%dma_wait3A_136, %dma_wait3A_137] : memref<10000x32xf32, #tpu.memory_space<hbm>> -> memref<10000x32xf32, #tpu.memory_space<hbm>>
    tpu.wait_indirect_dma semaphore(%arg15 : memref<!tpu.dma_semaphore, #tpu.memory_space<semaphore_mem>>) src(%dma_wait3A_138 : memref<10000x32xf32, #tpu.memory_space<hbm>>) dst(%dma_wait3A_133 : memref<128x32xf32, #tpu.memory_space<vmem>>)
    %dma_wait3A_139 = arith.constant 256 : i32
    %dma_wait3A_140 = arith.constant 0 : i32
    %dma_wait3A_141 = tpu.memref_slice %arg12[%dma_wait3A_139, %dma_wait3A_140] : memref<512x32xf32, #tpu.memory_space<vmem>> -> memref<128x32xf32, #tpu.memory_space<vmem>>
    %dma_wait3A_142 = arith.constant 256 : i32
    %dma_wait3A_143 = tpu.memref_slice %arg9[%dma_wait3A_142] : memref<5120xi32, #tpu.memory_space<vmem>> -> memref<128xi32, #tpu.memory_space<vmem>>
    %dma_wait3A_144 = arith.constant 0 : i32
    %dma_wait3A_145 = arith.constant 0 : i32
    %dma_wait3A_146 = tpu.memref_slice %arg3[%dma_wait3A_144, %dma_wait3A_145] : memref<10000x32xf32, #tpu.memory_space<hbm>> -> memref<10000x32xf32, #tpu.memory_space<hbm>>
    tpu.wait_indirect_dma semaphore(%arg15 : memref<!tpu.dma_semaphore, #tpu.memory_space<semaphore_mem>>) src(%dma_wait3A_146 : memref<10000x32xf32, #tpu.memory_space<hbm>>) dst(%dma_wait3A_141 : memref<128x32xf32, #tpu.memory_space<vmem>>)
    %dma_wait3A_147 = arith.constant 384 : i32
    %dma_wait3A_148 = arith.constant 0 : i32
    %dma_wait3A_149 = tpu.memref_slice %arg10[%dma_wait3A_147, %dma_wait3A_148] : memref<512x32xf32, #tpu.memory_space<vmem>> -> memref<128x32xf32, #tpu.memory_space<vmem>>
    %dma_wait3A_150 = arith.constant 384 : i32
    %dma_wait3A_151 = tpu.memref_slice %arg8[%dma_wait3A_150] : memref<5120xi32, #tpu.memory_space<vmem>> -> memref<128xi32, #tpu.memory_space<vmem>>
    %dma_wait3A_152 = arith.constant 0 : i32
    %dma_wait3A_153 = arith.constant 0 : i32
    %dma_wait3A_154 = tpu.memref_slice %arg2[%dma_wait3A_152, %dma_wait3A_153] : memref<10000x32xf32, #tpu.memory_space<hbm>> -> memref<10000x32xf32, #tpu.memory_space<hbm>>
    tpu.wait_indirect_dma semaphore(%arg15 : memref<!tpu.dma_semaphore, #tpu.memory_space<semaphore_mem>>) src(%dma_wait3A_154 : memref<10000x32xf32, #tpu.memory_space<hbm>>) dst(%dma_wait3A_149 : memref<128x32xf32, #tpu.memory_space<vmem>>)
    %dma_wait3A_155 = arith.constant 384 : i32
    %dma_wait3A_156 = arith.constant 0 : i32
    %dma_wait3A_157 = tpu.memref_slice %arg12[%dma_wait3A_155, %dma_wait3A_156] : memref<512x32xf32, #tpu.memory_space<vmem>> -> memref<128x32xf32, #tpu.memory_space<vmem>>
    %dma_wait3A_158 = arith.constant 384 : i32
    %dma_wait3A_159 = tpu.memref_slice %arg9[%dma_wait3A_158] : memref<5120xi32, #tpu.memory_space<vmem>> -> memref<128xi32, #tpu.memory_space<vmem>>
    %dma_wait3A_160 = arith.constant 0 : i32
    %dma_wait3A_161 = arith.constant 0 : i32
    %dma_wait3A_162 = tpu.memref_slice %arg3[%dma_wait3A_160, %dma_wait3A_161] : memref<10000x32xf32, #tpu.memory_space<hbm>> -> memref<10000x32xf32, #tpu.memory_space<hbm>>
    tpu.wait_indirect_dma semaphore(%arg15 : memref<!tpu.dma_semaphore, #tpu.memory_space<semaphore_mem>>) src(%dma_wait3A_162 : memref<10000x32xf32, #tpu.memory_space<hbm>>) dst(%dma_wait3A_157 : memref<128x32xf32, #tpu.memory_space<vmem>>)
    %dma_start3A_163 = arith.constant 0 : i32
    %dma_start3A_164 = tpu.memref_slice %arg6[%add3A_34, %dma_start3A_163] : memref<163840x32xf32, #tpu.memory_space<hbm>> -> memref<512x32xf32, #tpu.memory_space<hbm>>
    %dma_start3A_165 = arith.constant 0 : i32
    %dma_start3A_166 = tpu.memref_slice %arg6[%add3A_34, %dma_start3A_165] : memref<163840x32xf32, #tpu.memory_space<hbm>> -> memref<512x32xf32, #tpu.memory_space<hbm>>
    tpu.enqueue_dma source(%arg10 : memref<512x32xf32, #tpu.memory_space<vmem>>) target(%dma_start3A_166 : memref<512x32xf32, #tpu.memory_space<hbm>>) target_semaphore(%arg16 : memref<!tpu.dma_semaphore, #tpu.memory_space<semaphore_mem>>)
    %dma_start3A_167 = arith.constant 0 : i32
    %dma_start3A_168 = tpu.memref_slice %arg7[%add3A_34, %dma_start3A_167] : memref<163840x32xf32, #tpu.memory_space<hbm>> -> memref<512x32xf32, #tpu.memory_space<hbm>>
    %dma_start3A_169 = arith.constant 0 : i32
    %dma_start3A_170 = tpu.memref_slice %arg7[%add3A_34, %dma_start3A_169] : memref<163840x32xf32, #tpu.memory_space<hbm>> -> memref<512x32xf32, #tpu.memory_space<hbm>>
    tpu.enqueue_dma source(%arg12 : memref<512x32xf32, #tpu.memory_space<vmem>>) target(%dma_start3A_170 : memref<512x32xf32, #tpu.memory_space<hbm>>) target_semaphore(%arg16 : memref<!tpu.dma_semaphore, #tpu.memory_space<semaphore_mem>>)
    %add3A_171 = arith.constant 512 : i32
    %add3A_172 = arith.addi %select_n3A_8, %add3A_171 : i32
    %dma_start3A_173 = arith.constant 0 : i32
    %dma_start3A_174 = arith.constant 0 : i32
    %dma_start3A_175 = tpu.memref_slice %arg11[%dma_start3A_173, %dma_start3A_174] : memref<512x32xf32, #tpu.memory_space<vmem>> -> memref<128x32xf32, #tpu.memory_space<vmem>>
    %dma_start3A_176 = arith.constant 512 : i32
    %dma_start3A_177 = tpu.memref_slice %arg8[%dma_start3A_176] : memref<5120xi32, #tpu.memory_space<vmem>> -> memref<128xi32, #tpu.memory_space<vmem>>
    %dma_start3A_178 = arith.constant 0 : i32
    %dma_start3A_179 = arith.constant 0 : i32
    %dma_start3A_180 = tpu.memref_slice %arg2[%dma_start3A_178, %dma_start3A_179] : memref<10000x32xf32, #tpu.memory_space<hbm>> -> memref<10000x32xf32, #tpu.memory_space<hbm>>
    tpu.enqueue_indirect_dma source(%dma_start3A_180 : memref<10000x32xf32, #tpu.memory_space<hbm>>) target(%dma_start3A_175 : memref<128x32xf32, #tpu.memory_space<vmem>>) offsets(%dma_start3A_177 : memref<128xi32, #tpu.memory_space<vmem>>) semaphore(%arg15 : memref<!tpu.dma_semaphore, #tpu.memory_space<semaphore_mem>>)
    %dma_start3A_181 = arith.constant 0 : i32
    %dma_start3A_182 = arith.constant 0 : i32
    %dma_start3A_183 = tpu.memref_slice %arg13[%dma_start3A_181, %dma_start3A_182] : memref<512x32xf32, #tpu.memory_space<vmem>> -> memref<128x32xf32, #tpu.memory_space<vmem>>
    %dma_start3A_184 = arith.constant 512 : i32
    %dma_start3A_185 = tpu.memref_slice %arg9[%dma_start3A_184] : memref<5120xi32, #tpu.memory_space<vmem>> -> memref<128xi32, #tpu.memory_space<vmem>>
    %dma_start3A_186 = arith.constant 0 : i32
    %dma_start3A_187 = arith.constant 0 : i32
    %dma_start3A_188 = tpu.memref_slice %arg3[%dma_start3A_186, %dma_start3A_187] : memref<10000x32xf32, #tpu.memory_space<hbm>> -> memref<10000x32xf32, #tpu.memory_space<hbm>>
    tpu.enqueue_indirect_dma source(%dma_start3A_188 : memref<10000x32xf32, #tpu.memory_space<hbm>>) target(%dma_start3A_183 : memref<128x32xf32, #tpu.memory_space<vmem>>) offsets(%dma_start3A_185 : memref<128xi32, #tpu.memory_space<vmem>>) semaphore(%arg15 : memref<!tpu.dma_semaphore, #tpu.memory_space<semaphore_mem>>)
    %dma_start3A_189 = arith.constant 128 : i32
    %dma_start3A_190 = arith.constant 0 : i32
    %dma_start3A_191 = tpu.memref_slice %arg11[%dma_start3A_189, %dma_start3A_190] : memref<512x32xf32, #tpu.memory_space<vmem>> -> memref<128x32xf32, #tpu.memory_space<vmem>>
    %dma_start3A_192 = arith.constant 640 : i32
    %dma_start3A_193 = tpu.memref_slice %arg8[%dma_start3A_192] : memref<5120xi32, #tpu.memory_space<vmem>> -> memref<128xi32, #tpu.memory_space<vmem>>
    %dma_start3A_194 = arith.constant 0 : i32
    %dma_start3A_195 = arith.constant 0 : i32
    %dma_start3A_196 = tpu.memref_slice %arg2[%dma_start3A_194, %dma_start3A_195] : memref<10000x32xf32, #tpu.memory_space<hbm>> -> memref<10000x32xf32, #tpu.memory_space<hbm>>
    tpu.enqueue_indirect_dma source(%dma_start3A_196 : memref<10000x32xf32, #tpu.memory_space<hbm>>) target(%dma_start3A_191 : memref<128x32xf32, #tpu.memory_space<vmem>>) offsets(%dma_start3A_193 : memref<128xi32, #tpu.memory_space<vmem>>) semaphore(%arg15 : memref<!tpu.dma_semaphore, #tpu.memory_space<semaphore_mem>>)
    %dma_start3A_197 = arith.constant 128 : i32
    %dma_start3A_198 = arith.constant 0 : i32
    %dma_start3A_199 = tpu.memref_slice %arg13[%dma_start3A_197, %dma_start3A_198] : memref<512x32xf32, #tpu.memory_space<vmem>> -> memref<128x32xf32, #tpu.memory_space<vmem>>
    %dma_start3A_200 = arith.constant 640 : i32
    %dma_start3A_201 = tpu.memref_slice %arg9[%dma_start3A_200] : memref<5120xi32, #tpu.memory_space<vmem>> -> memref<128xi32, #tpu.memory_space<vmem>>
    %dma_start3A_202 = arith.constant 0 : i32
    %dma_start3A_203 = arith.constant 0 : i32
    %dma_start3A_204 = tpu.memref_slice %arg3[%dma_start3A_202, %dma_start3A_203] : memref<10000x32xf32, #tpu.memory_space<hbm>> -> memref<10000x32xf32, #tpu.memory_space<hbm>>
    tpu.enqueue_indirect_dma source(%dma_start3A_204 : memref<10000x32xf32, #tpu.memory_space<hbm>>) target(%dma_start3A_199 : memref<128x32xf32, #tpu.memory_space<vmem>>) offsets(%dma_start3A_201 : memref<128xi32, #tpu.memory_space<vmem>>) semaphore(%arg15 : memref<!tpu.dma_semaphore, #tpu.memory_space<semaphore_mem>>)
    %dma_start3A_205 = arith.constant 256 : i32
    %dma_start3A_206 = arith.constant 0 : i32
    %dma_start3A_207 = tpu.memref_slice %arg11[%dma_start3A_205, %dma_start3A_206] : memref<512x32xf32, #tpu.memory_space<vmem>> -> memref<128x32xf32, #tpu.memory_space<vmem>>
    %dma_start3A_208 = arith.constant 768 : i32
    %dma_start3A_209 = tpu.memref_slice %arg8[%dma_start3A_208] : memref<5120xi32, #tpu.memory_space<vmem>> -> memref<128xi32, #tpu.memory_space<vmem>>
    %dma_start3A_210 = arith.constant 0 : i32
    %dma_start3A_211 = arith.constant 0 : i32
    %dma_start3A_212 = tpu.memref_slice %arg2[%dma_start3A_210, %dma_start3A_211] : memref<10000x32xf32, #tpu.memory_space<hbm>> -> memref<10000x32xf32, #tpu.memory_space<hbm>>
    tpu.enqueue_indirect_dma source(%dma_start3A_212 : memref<10000x32xf32, #tpu.memory_space<hbm>>) target(%dma_start3A_207 : memref<128x32xf32, #tpu.memory_space<vmem>>) offsets(%dma_start3A_209 : memref<128xi32, #tpu.memory_space<vmem>>) semaphore(%arg15 : memref<!tpu.dma_semaphore, #tpu.memory_space<semaphore_mem>>)
    %dma_start3A_213 = arith.constant 256 : i32
    %dma_start3A_214 = arith.constant 0 : i32
    %dma_start3A_215 = tpu.memref_slice %arg13[%dma_start3A_213, %dma_start3A_214] : memref<512x32xf32, #tpu.memory_space<vmem>> -> memref<128x32xf32, #tpu.memory_space<vmem>>
    %dma_start3A_216 = arith.constant 768 : i32
    %dma_start3A_217 = tpu.memref_slice %arg9[%dma_start3A_216] : memref<5120xi32, #tpu.memory_space<vmem>> -> memref<128xi32, #tpu.memory_space<vmem>>
    %dma_start3A_218 = arith.constant 0 : i32
    %dma_start3A_219 = arith.constant 0 : i32
    %dma_start3A_220 = tpu.memref_slice %arg3[%dma_start3A_218, %dma_start3A_219] : memref<10000x32xf32, #tpu.memory_space<hbm>> -> memref<10000x32xf32, #tpu.memory_space<hbm>>
    tpu.enqueue_indirect_dma source(%dma_start3A_220 : memref<10000x32xf32, #tpu.memory_space<hbm>>) target(%dma_start3A_215 : memref<128x32xf32, #tpu.memory_space<vmem>>) offsets(%dma_start3A_217 : memref<128xi32, #tpu.memory_space<vmem>>) semaphore(%arg15 : memref<!tpu.dma_semaphore, #tpu.memory_space<semaphore_mem>>)
    %dma_start3A_221 = arith.constant 384 : i32
    %dma_start3A_222 = arith.constant 0 : i32
    %dma_start3A_223 = tpu.memref_slice %arg11[%dma_start3A_221, %dma_start3A_222] : memref<512x32xf32, #tpu.memory_space<vmem>> -> memref<128x32xf32, #tpu.memory_space<vmem>>
    %dma_start3A_224 = arith.constant 896 : i32
    %dma_start3A_225 = tpu.memref_slice %arg8[%dma_start3A_224] : memref<5120xi32, #tpu.memory_space<vmem>> -> memref<128xi32, #tpu.memory_space<vmem>>
    %dma_start3A_226 = arith.constant 0 : i32
    %dma_start3A_227 = arith.constant 0 : i32
    %dma_start3A_228 = tpu.memref_slice %arg2[%dma_start3A_226, %dma_start3A_227] : memref<10000x32xf32, #tpu.memory_space<hbm>> -> memref<10000x32xf32, #tpu.memory_space<hbm>>
    tpu.enqueue_indirect_dma source(%dma_start3A_228 : memref<10000x32xf32, #tpu.memory_space<hbm>>) target(%dma_start3A_223 : memref<128x32xf32, #tpu.memory_space<vmem>>) offsets(%dma_start3A_225 : memref<128xi32, #tpu.memory_space<vmem>>) semaphore(%arg15 : memref<!tpu.dma_semaphore, #tpu.memory_space<semaphore_mem>>)
    %dma_start3A_229 = arith.constant 384 : i32
    %dma_start3A_230 = arith.constant 0 : i32
    %dma_start3A_231 = tpu.memref_slice %arg13[%dma_start3A_229, %dma_start3A_230] : memref<512x32xf32, #tpu.memory_space<vmem>> -> memref<128x32xf32, #tpu.memory_space<vmem>>
    %dma_start3A_232 = arith.constant 896 : i32
    %dma_start3A_233 = tpu.memref_slice %arg9[%dma_start3A_232] : memref<5120xi32, #tpu.memory_space<vmem>> -> memref<128xi32, #tpu.memory_space<vmem>>
    %dma_start3A_234 = arith.constant 0 : i32
    %dma_start3A_235 = arith.constant 0 : i32
    %dma_start3A_236 = tpu.memref_slice %arg3[%dma_start3A_234, %dma_start3A_235] : memref<10000x32xf32, #tpu.memory_space<hbm>> -> memref<10000x32xf32, #tpu.memory_space<hbm>>
    tpu.enqueue_indirect_dma source(%dma_start3A_236 : memref<10000x32xf32, #tpu.memory_space<hbm>>) target(%dma_start3A_231 : memref<128x32xf32, #tpu.memory_space<vmem>>) offsets(%dma_start3A_233 : memref<128xi32, #tpu.memory_space<vmem>>) semaphore(%arg15 : memref<!tpu.dma_semaphore, #tpu.memory_space<semaphore_mem>>)
    %dma_wait3A_237 = arith.constant 0 : i32
    %dma_wait3A_238 = arith.constant 0 : i32
    %dma_wait3A_239 = tpu.memref_slice %arg11[%dma_wait3A_237, %dma_wait3A_238] : memref<512x32xf32, #tpu.memory_space<vmem>> -> memref<128x32xf32, #tpu.memory_space<vmem>>
    %dma_wait3A_240 = arith.constant 512 : i32
    %dma_wait3A_241 = tpu.memref_slice %arg8[%dma_wait3A_240] : memref<5120xi32, #tpu.memory_space<vmem>> -> memref<128xi32, #tpu.memory_space<vmem>>
    %dma_wait3A_242 = arith.constant 0 : i32
    %dma_wait3A_243 = arith.constant 0 : i32
    %dma_wait3A_244 = tpu.memref_slice %arg2[%dma_wait3A_242, %dma_wait3A_243] : memref<10000x32xf32, #tpu.memory_space<hbm>> -> memref<10000x32xf32, #tpu.memory_space<hbm>>
    tpu.wait_indirect_dma semaphore(%arg15 : memref<!tpu.dma_semaphore, #tpu.memory_space<semaphore_mem>>) src(%dma_wait3A_244 : memref<10000x32xf32, #tpu.memory_space<hbm>>) dst(%dma_wait3A_239 : memref<128x32xf32, #tpu.memory_space<vmem>>)
    %dma_wait3A_245 = arith.constant 0 : i32
    %dma_wait3A_246 = arith.constant 0 : i32
    %dma_wait3A_247 = tpu.memref_slice %arg13[%dma_wait3A_245, %dma_wait3A_246] : memref<512x32xf32, #tpu.memory_space<vmem>> -> memref<128x32xf32, #tpu.memory_space<vmem>>
    %dma_wait3A_248 = arith.constant 512 : i32
    %dma_wait3A_249 = tpu.memref_slice %arg9[%dma_wait3A_248] : memref<5120xi32, #tpu.memory_space<vmem>> -> memref<128xi32, #tpu.memory_space<vmem>>
    %dma_wait3A_250 = arith.constant 0 : i32
    %dma_wait3A_251 = arith.constant 0 : i32
    %dma_wait3A_252 = tpu.memref_slice %arg3[%dma_wait3A_250, %dma_wait3A_251] : memref<10000x32xf32, #tpu.memory_space<hbm>> -> memref<10000x32xf32, #tpu.memory_space<hbm>>
    tpu.wait_indirect_dma semaphore(%arg15 : memref<!tpu.dma_semaphore, #tpu.memory_space<semaphore_mem>>) src(%dma_wait3A_252 : memref<10000x32xf32, #tpu.memory_space<hbm>>) dst(%dma_wait3A_247 : memref<128x32xf32, #tpu.memory_space<vmem>>)
    %dma_wait3A_253 = arith.constant 128 : i32
    %dma_wait3A_254 = arith.constant 0 : i32
    %dma_wait3A_255 = tpu.memref_slice %arg11[%dma_wait3A_253, %dma_wait3A_254] : memref<512x32xf32, #tpu.memory_space<vmem>> -> memref<128x32xf32, #tpu.memory_space<vmem>>
    %dma_wait3A_256 = arith.constant 640 : i32
    %dma_wait3A_257 = tpu.memref_slice %arg8[%dma_wait3A_256] : memref<5120xi32, #tpu.memory_space<vmem>> -> memref<128xi32, #tpu.memory_space<vmem>>
    %dma_wait3A_258 = arith.constant 0 : i32
    %dma_wait3A_259 = arith.constant 0 : i32
    %dma_wait3A_260 = tpu.memref_slice %arg2[%dma_wait3A_258, %dma_wait3A_259] : memref<10000x32xf32, #tpu.memory_space<hbm>> -> memref<10000x32xf32, #tpu.memory_space<hbm>>
    tpu.wait_indirect_dma semaphore(%arg15 : memref<!tpu.dma_semaphore, #tpu.memory_space<semaphore_mem>>) src(%dma_wait3A_260 : memref<10000x32xf32, #tpu.memory_space<hbm>>) dst(%dma_wait3A_255 : memref<128x32xf32, #tpu.memory_space<vmem>>)
    %dma_wait3A_261 = arith.constant 128 : i32
    %dma_wait3A_262 = arith.constant 0 : i32
    %dma_wait3A_263 = tpu.memref_slice %arg13[%dma_wait3A_261, %dma_wait3A_262] : memref<512x32xf32, #tpu.memory_space<vmem>> -> memref<128x32xf32, #tpu.memory_space<vmem>>
    %dma_wait3A_264 = arith.constant 640 : i32
    %dma_wait3A_265 = tpu.memref_slice %arg9[%dma_wait3A_264] : memref<5120xi32, #tpu.memory_space<vmem>> -> memref<128xi32, #tpu.memory_space<vmem>>
    %dma_wait3A_266 = arith.constant 0 : i32
    %dma_wait3A_267 = arith.constant 0 : i32
    %dma_wait3A_268 = tpu.memref_slice %arg3[%dma_wait3A_266, %dma_wait3A_267] : memref<10000x32xf32, #tpu.memory_space<hbm>> -> memref<10000x32xf32, #tpu.memory_space<hbm>>
    tpu.wait_indirect_dma semaphore(%arg15 : memref<!tpu.dma_semaphore, #tpu.memory_space<semaphore_mem>>) src(%dma_wait3A_268 : memref<10000x32xf32, #tpu.memory_space<hbm>>) dst(%dma_wait3A_263 : memref<128x32xf32, #tpu.memory_space<vmem>>)
    %dma_wait3A_269 = arith.constant 256 : i32
    %dma_wait3A_270 = arith.constant 0 : i32
    %dma_wait3A_271 = tpu.memref_slice %arg11[%dma_wait3A_269, %dma_wait3A_270] : memref<512x32xf32, #tpu.memory_space<vmem>> -> memref<128x32xf32, #tpu.memory_space<vmem>>
    %dma_wait3A_272 = arith.constant 768 : i32
    %dma_wait3A_273 = tpu.memref_slice %arg8[%dma_wait3A_272] : memref<5120xi32, #tpu.memory_space<vmem>> -> memref<128xi32, #tpu.memory_space<vmem>>
    %dma_wait3A_274 = arith.constant 0 : i32
    %dma_wait3A_275 = arith.constant 0 : i32
    %dma_wait3A_276 = tpu.memref_slice %arg2[%dma_wait3A_274, %dma_wait3A_275] : memref<10000x32xf32, #tpu.memory_space<hbm>> -> memref<10000x32xf32, #tpu.memory_space<hbm>>
    tpu.wait_indirect_dma semaphore(%arg15 : memref<!tpu.dma_semaphore, #tpu.memory_space<semaphore_mem>>) src(%dma_wait3A_276 : memref<10000x32xf32, #tpu.memory_space<hbm>>) dst(%dma_wait3A_271 : memref<128x32xf32, #tpu.memory_space<vmem>>)
    %dma_wait3A_277 = arith.constant 256 : i32
    %dma_wait3A_278 = arith.constant 0 : i32
    %dma_wait3A_279 = tpu.memref_slice %arg13[%dma_wait3A_277, %dma_wait3A_278] : memref<512x32xf32, #tpu.memory_space<vmem>> -> memref<128x32xf32, #tpu.memory_space<vmem>>
    %dma_wait3A_280 = arith.constant 768 : i32
    %dma_wait3A_281 = tpu.memref_slice %arg9[%dma_wait3A_280] : memref<5120xi32, #tpu.memory_space<vmem>> -> memref<128xi32, #tpu.memory_space<vmem>>
    %dma_wait3A_282 = arith.constant 0 : i32
    %dma_wait3A_283 = arith.constant 0 : i32
    %dma_wait3A_284 = tpu.memref_slice %arg3[%dma_wait3A_282, %dma_wait3A_283] : memref<10000x32xf32, #tpu.memory_space<hbm>> -> memref<10000x32xf32, #tpu.memory_space<hbm>>
    tpu.wait_indirect_dma semaphore(%arg15 : memref<!tpu.dma_semaphore, #tpu.memory_space<semaphore_mem>>) src(%dma_wait3A_284 : memref<10000x32xf32, #tpu.memory_space<hbm>>) dst(%dma_wait3A_279 : memref<128x32xf32, #tpu.memory_space<vmem>>)
    %dma_wait3A_285 = arith.constant 384 : i32
    %dma_wait3A_286 = arith.constant 0 : i32
    %dma_wait3A_287 = tpu.memref_slice %arg11[%dma_wait3A_285, %dma_wait3A_286] : memref<512x32xf32, #tpu.memory_space<vmem>> -> memref<128x32xf32, #tpu.memory_space<vmem>>
    %dma_wait3A_288 = arith.constant 896 : i32
    %dma_wait3A_289 = tpu.memref_slice %arg8[%dma_wait3A_288] : memref<5120xi32, #tpu.memory_space<vmem>> -> memref<128xi32, #tpu.memory_space<vmem>>
    %dma_wait3A_290 = arith.constant 0 : i32
    %dma_wait3A_291 = arith.constant 0 : i32
    %dma_wait3A_292 = tpu.memref_slice %arg2[%dma_wait3A_290, %dma_wait3A_291] : memref<10000x32xf32, #tpu.memory_space<hbm>> -> memref<10000x32xf32, #tpu.memory_space<hbm>>
    tpu.wait_indirect_dma semaphore(%arg15 : memref<!tpu.dma_semaphore, #tpu.memory_space<semaphore_mem>>) src(%dma_wait3A_292 : memref<10000x32xf32, #tpu.memory_space<hbm>>) dst(%dma_wait3A_287 : memref<128x32xf32, #tpu.memory_space<vmem>>)
    %dma_wait3A_293 = arith.constant 384 : i32
    %dma_wait3A_294 = arith.constant 0 : i32
    %dma_wait3A_295 = tpu.memref_slice %arg13[%dma_wait3A_293, %dma_wait3A_294] : memref<512x32xf32, #tpu.memory_space<vmem>> -> memref<128x32xf32, #tpu.memory_space<vmem>>
    %dma_wait3A_296 = arith.constant 896 : i32
    %dma_wait3A_297 = tpu.memref_slice %arg9[%dma_wait3A_296] : memref<5120xi32, #tpu.memory_space<vmem>> -> memref<128xi32, #tpu.memory_space<vmem>>
    %dma_wait3A_298 = arith.constant 0 : i32
    %dma_wait3A_299 = arith.constant 0 : i32
    %dma_wait3A_300 = tpu.memref_slice %arg3[%dma_wait3A_298, %dma_wait3A_299] : memref<10000x32xf32, #tpu.memory_space<hbm>> -> memref<10000x32xf32, #tpu.memory_space<hbm>>
    tpu.wait_indirect_dma semaphore(%arg15 : memref<!tpu.dma_semaphore, #tpu.memory_space<semaphore_mem>>) src(%dma_wait3A_300 : memref<10000x32xf32, #tpu.memory_space<hbm>>) dst(%dma_wait3A_295 : memref<128x32xf32, #tpu.memory_space<vmem>>)
    %dma_start3A_301 = arith.constant 0 : i32
    %dma_start3A_302 = tpu.memref_slice %arg6[%add3A_172, %dma_start3A_301] : memref<163840x32xf32, #tpu.memory_space<hbm>> -> memref<512x32xf32, #tpu.memory_space<hbm>>
    %dma_start3A_303 = arith.constant 0 : i32
    %dma_start3A_304 = tpu.memref_slice %arg6[%add3A_172, %dma_start3A_303] : memref<163840x32xf32, #tpu.memory_space<hbm>> -> memref<512x32xf32, #tpu.memory_space<hbm>>
    tpu.enqueue_dma source(%arg11 : memref<512x32xf32, #tpu.memory_space<vmem>>) target(%dma_start3A_304 : memref<512x32xf32, #tpu.memory_space<hbm>>) target_semaphore(%arg17 : memref<!tpu.dma_semaphore, #tpu.memory_space<semaphore_mem>>)
    %dma_start3A_305 = arith.constant 0 : i32
    %dma_start3A_306 = tpu.memref_slice %arg7[%add3A_172, %dma_start3A_305] : memref<163840x32xf32, #tpu.memory_space<hbm>> -> memref<512x32xf32, #tpu.memory_space<hbm>>
    %dma_start3A_307 = arith.constant 0 : i32
    %dma_start3A_308 = tpu.memref_slice %arg7[%add3A_172, %dma_start3A_307] : memref<163840x32xf32, #tpu.memory_space<hbm>> -> memref<512x32xf32, #tpu.memory_space<hbm>>
    tpu.enqueue_dma source(%arg13 : memref<512x32xf32, #tpu.memory_space<vmem>>) target(%dma_start3A_308 : memref<512x32xf32, #tpu.memory_space<hbm>>) target_semaphore(%arg17 : memref<!tpu.dma_semaphore, #tpu.memory_space<semaphore_mem>>)
    %jit3A_309 = arith.constant 2 : i32
    %div3A_310 = arith.divsi %select_n3A_26, %jit3A_309 : i32
    %sign3A_311 = arith.constant 0 : i32
    %sign3A_312 = arith.cmpi sgt, %select_n3A_26, %sign3A_311 : i32
    %sign3A_313 = arith.extui %sign3A_312 : i1 to i32
    %sign3A_314 = arith.constant 0 : i32
    %sign3A_315 = arith.cmpi slt, %select_n3A_26, %sign3A_314 : i32
    %sign3A_316 = arith.extui %sign3A_315 : i1 to i32
    %sign3A_317 = arith.subi %sign3A_313, %sign3A_316 : i32
    %sign3A_318 = arith.constant 0 : i32
    %sign3A_319 = arith.cmpi sgt, %jit3A_309, %sign3A_318 : i32
    %sign3A_320 = arith.extui %sign3A_319 : i1 to i32
    %sign3A_321 = arith.constant 0 : i32
    %sign3A_322 = arith.cmpi slt, %jit3A_309, %sign3A_321 : i32
    %sign3A_323 = arith.extui %sign3A_322 : i1 to i32
    %sign3A_324 = arith.subi %sign3A_320, %sign3A_323 : i32
    %ne3A_325 = arith.cmpi ne, %sign3A_317, %sign3A_324 : i32
    %rem3A_326 = arith.remsi %select_n3A_26, %jit3A_309 : i32
    %ne3A_327 = arith.constant 0 : i32
    %ne3A_328 = arith.cmpi ne, %rem3A_326, %ne3A_327 : i32
    %and3A_329 = arith.andi %ne3A_325, %ne3A_328 : i1
    %sub3A_330 = arith.constant 1 : i32
    %sub3A_331 = arith.subi %div3A_310, %sub3A_330 : i32
    %select_n3A_332 = arith.select %and3A_329, %sub3A_331, %div3A_310 : i32
    %while3A = arith.constant 1 : i32
    %while3A_333 = arith.constant 0 : i32
    %while3A_334 = arith.subi %select_n3A_332, %while3A : i32
    %while3A_335 = arith.addi %while3A, %while3A_334 : i32
    %while3A_336 = arith.constant 1 : i32
    %while3A_337 = arith.divsi %while3A_334, %while3A_336 : i32
    %while3A_338 = arith.muli %while3A_337, %while3A_336 : i32
    %while3A_339 = arith.addi %while3A, %while3A_338 : i32
    %while3A_340 = arith.constant 1 : i32
    %while3A_341 = scf.for %while3A_360 = %while3A to %while3A_339 step %while3A_340 iter_args(%while3A_361 = %while3A_333) -> (i32)  : i32 {
      %mul3A_362 = arith.constant 2 : i32
      %mul3A_363 = arith.muli %mul3A_362, %while3A_360 : i32
      %mul3A_364 = arith.constant 512 : i32
      %mul3A_365 = arith.muli %mul3A_363, %mul3A_364 : i32
      %add3A_366 = arith.addi %select_n3A_8, %mul3A_365 : i32
      %mul3A_367 = arith.constant 512 : i32
      %mul3A_368 = arith.muli %mul3A_363, %mul3A_367 : i32
      %dma_wait3A_369 = arith.constant 0 : i32
      %dma_wait3A_370 = tpu.memref_slice %arg6[%add3A_366, %dma_wait3A_369] : memref<163840x32xf32, #tpu.memory_space<hbm>> -> memref<512x32xf32, #tpu.memory_space<hbm>>
      %dma_wait3A_371 = arith.constant 0 : i32
      %dma_wait3A_372 = tpu.memref_slice %arg6[%add3A_366, %dma_wait3A_371] : memref<163840x32xf32, #tpu.memory_space<hbm>> -> memref<512x32xf32, #tpu.memory_space<hbm>>
      tpu.wait_dma2 semaphore(%arg16 : memref<!tpu.dma_semaphore, #tpu.memory_space<semaphore_mem>>) src(%arg10 : memref<512x32xf32, #tpu.memory_space<vmem>>) dst(%dma_wait3A_372 : memref<512x32xf32, #tpu.memory_space<hbm>>)
      %dma_wait3A_373 = arith.constant 0 : i32
      %dma_wait3A_374 = tpu.memref_slice %arg7[%add3A_366, %dma_wait3A_373] : memref<163840x32xf32, #tpu.memory_space<hbm>> -> memref<512x32xf32, #tpu.memory_space<hbm>>
      %dma_wait3A_375 = arith.constant 0 : i32
      %dma_wait3A_376 = tpu.memref_slice %arg7[%add3A_366, %dma_wait3A_375] : memref<163840x32xf32, #tpu.memory_space<hbm>> -> memref<512x32xf32, #tpu.memory_space<hbm>>
      tpu.wait_dma2 semaphore(%arg16 : memref<!tpu.dma_semaphore, #tpu.memory_space<semaphore_mem>>) src(%arg12 : memref<512x32xf32, #tpu.memory_space<vmem>>) dst(%dma_wait3A_376 : memref<512x32xf32, #tpu.memory_space<hbm>>)
      %add3A_377 = arith.constant 0 : i32
      %add3A_378 = arith.addi %mul3A_368, %add3A_377 : i32
      %dma_start3A_379 = arith.constant 0 : i32
      %dma_start3A_380 = arith.constant 0 : i32
      %dma_start3A_381 = tpu.memref_slice %arg10[%dma_start3A_379, %dma_start3A_380] : memref<512x32xf32, #tpu.memory_space<vmem>> -> memref<128x32xf32, #tpu.memory_space<vmem>>
      %dma_start3A_382 = tpu.memref_slice %arg8[%add3A_378] : memref<5120xi32, #tpu.memory_space<vmem>> -> memref<128xi32, #tpu.memory_space<vmem>>
      %dma_start3A_383 = arith.constant 0 : i32
      %dma_start3A_384 = arith.constant 0 : i32
      %dma_start3A_385 = tpu.memref_slice %arg2[%dma_start3A_383, %dma_start3A_384] : memref<10000x32xf32, #tpu.memory_space<hbm>> -> memref<10000x32xf32, #tpu.memory_space<hbm>>
      tpu.enqueue_indirect_dma source(%dma_start3A_385 : memref<10000x32xf32, #tpu.memory_space<hbm>>) target(%dma_start3A_381 : memref<128x32xf32, #tpu.memory_space<vmem>>) offsets(%dma_start3A_382 : memref<128xi32, #tpu.memory_space<vmem>>) semaphore(%arg15 : memref<!tpu.dma_semaphore, #tpu.memory_space<semaphore_mem>>)
      %dma_start3A_386 = arith.constant 0 : i32
      %dma_start3A_387 = arith.constant 0 : i32
      %dma_start3A_388 = tpu.memref_slice %arg12[%dma_start3A_386, %dma_start3A_387] : memref<512x32xf32, #tpu.memory_space<vmem>> -> memref<128x32xf32, #tpu.memory_space<vmem>>
      %dma_start3A_389 = tpu.memref_slice %arg9[%add3A_378] : memref<5120xi32, #tpu.memory_space<vmem>> -> memref<128xi32, #tpu.memory_space<vmem>>
      %dma_start3A_390 = arith.constant 0 : i32
      %dma_start3A_391 = arith.constant 0 : i32
      %dma_start3A_392 = tpu.memref_slice %arg3[%dma_start3A_390, %dma_start3A_391] : memref<10000x32xf32, #tpu.memory_space<hbm>> -> memref<10000x32xf32, #tpu.memory_space<hbm>>
      tpu.enqueue_indirect_dma source(%dma_start3A_392 : memref<10000x32xf32, #tpu.memory_space<hbm>>) target(%dma_start3A_388 : memref<128x32xf32, #tpu.memory_space<vmem>>) offsets(%dma_start3A_389 : memref<128xi32, #tpu.memory_space<vmem>>) semaphore(%arg15 : memref<!tpu.dma_semaphore, #tpu.memory_space<semaphore_mem>>)
      %add3A_393 = arith.constant 128 : i32
      %add3A_394 = arith.addi %mul3A_368, %add3A_393 : i32
      %dma_start3A_395 = arith.constant 128 : i32
      %dma_start3A_396 = arith.constant 0 : i32
      %dma_start3A_397 = tpu.memref_slice %arg10[%dma_start3A_395, %dma_start3A_396] : memref<512x32xf32, #tpu.memory_space<vmem>> -> memref<128x32xf32, #tpu.memory_space<vmem>>
      %dma_start3A_398 = tpu.memref_slice %arg8[%add3A_394] : memref<5120xi32, #tpu.memory_space<vmem>> -> memref<128xi32, #tpu.memory_space<vmem>>
      %dma_start3A_399 = arith.constant 0 : i32
      %dma_start3A_400 = arith.constant 0 : i32
      %dma_start3A_401 = tpu.memref_slice %arg2[%dma_start3A_399, %dma_start3A_400] : memref<10000x32xf32, #tpu.memory_space<hbm>> -> memref<10000x32xf32, #tpu.memory_space<hbm>>
      tpu.enqueue_indirect_dma source(%dma_start3A_401 : memref<10000x32xf32, #tpu.memory_space<hbm>>) target(%dma_start3A_397 : memref<128x32xf32, #tpu.memory_space<vmem>>) offsets(%dma_start3A_398 : memref<128xi32, #tpu.memory_space<vmem>>) semaphore(%arg15 : memref<!tpu.dma_semaphore, #tpu.memory_space<semaphore_mem>>)
      %dma_start3A_402 = arith.constant 128 : i32
      %dma_start3A_403 = arith.constant 0 : i32
      %dma_start3A_404 = tpu.memref_slice %arg12[%dma_start3A_402, %dma_start3A_403] : memref<512x32xf32, #tpu.memory_space<vmem>> -> memref<128x32xf32, #tpu.memory_space<vmem>>
      %dma_start3A_405 = tpu.memref_slice %arg9[%add3A_394] : memref<5120xi32, #tpu.memory_space<vmem>> -> memref<128xi32, #tpu.memory_space<vmem>>
      %dma_start3A_406 = arith.constant 0 : i32
      %dma_start3A_407 = arith.constant 0 : i32
      %dma_start3A_408 = tpu.memref_slice %arg3[%dma_start3A_406, %dma_start3A_407] : memref<10000x32xf32, #tpu.memory_space<hbm>> -> memref<10000x32xf32, #tpu.memory_space<hbm>>
      tpu.enqueue_indirect_dma source(%dma_start3A_408 : memref<10000x32xf32, #tpu.memory_space<hbm>>) target(%dma_start3A_404 : memref<128x32xf32, #tpu.memory_space<vmem>>) offsets(%dma_start3A_405 : memref<128xi32, #tpu.memory_space<vmem>>) semaphore(%arg15 : memref<!tpu.dma_semaphore, #tpu.memory_space<semaphore_mem>>)
      %add3A_409 = arith.constant 256 : i32
      %add3A_410 = arith.addi %mul3A_368, %add3A_409 : i32
      %dma_start3A_411 = arith.constant 256 : i32
      %dma_start3A_412 = arith.constant 0 : i32
      %dma_start3A_413 = tpu.memref_slice %arg10[%dma_start3A_411, %dma_start3A_412] : memref<512x32xf32, #tpu.memory_space<vmem>> -> memref<128x32xf32, #tpu.memory_space<vmem>>
      %dma_start3A_414 = tpu.memref_slice %arg8[%add3A_410] : memref<5120xi32, #tpu.memory_space<vmem>> -> memref<128xi32, #tpu.memory_space<vmem>>
      %dma_start3A_415 = arith.constant 0 : i32
      %dma_start3A_416 = arith.constant 0 : i32
      %dma_start3A_417 = tpu.memref_slice %arg2[%dma_start3A_415, %dma_start3A_416] : memref<10000x32xf32, #tpu.memory_space<hbm>> -> memref<10000x32xf32, #tpu.memory_space<hbm>>
      tpu.enqueue_indirect_dma source(%dma_start3A_417 : memref<10000x32xf32, #tpu.memory_space<hbm>>) target(%dma_start3A_413 : memref<128x32xf32, #tpu.memory_space<vmem>>) offsets(%dma_start3A_414 : memref<128xi32, #tpu.memory_space<vmem>>) semaphore(%arg15 : memref<!tpu.dma_semaphore, #tpu.memory_space<semaphore_mem>>)
      %dma_start3A_418 = arith.constant 256 : i32
      %dma_start3A_419 = arith.constant 0 : i32
      %dma_start3A_420 = tpu.memref_slice %arg12[%dma_start3A_418, %dma_start3A_419] : memref<512x32xf32, #tpu.memory_space<vmem>> -> memref<128x32xf32, #tpu.memory_space<vmem>>
      %dma_start3A_421 = tpu.memref_slice %arg9[%add3A_410] : memref<5120xi32, #tpu.memory_space<vmem>> -> memref<128xi32, #tpu.memory_space<vmem>>
      %dma_start3A_422 = arith.constant 0 : i32
      %dma_start3A_423 = arith.constant 0 : i32
      %dma_start3A_424 = tpu.memref_slice %arg3[%dma_start3A_422, %dma_start3A_423] : memref<10000x32xf32, #tpu.memory_space<hbm>> -> memref<10000x32xf32, #tpu.memory_space<hbm>>
      tpu.enqueue_indirect_dma source(%dma_start3A_424 : memref<10000x32xf32, #tpu.memory_space<hbm>>) target(%dma_start3A_420 : memref<128x32xf32, #tpu.memory_space<vmem>>) offsets(%dma_start3A_421 : memref<128xi32, #tpu.memory_space<vmem>>) semaphore(%arg15 : memref<!tpu.dma_semaphore, #tpu.memory_space<semaphore_mem>>)
      %add3A_425 = arith.constant 384 : i32
      %add3A_426 = arith.addi %mul3A_368, %add3A_425 : i32
      %dma_start3A_427 = arith.constant 384 : i32
      %dma_start3A_428 = arith.constant 0 : i32
      %dma_start3A_429 = tpu.memref_slice %arg10[%dma_start3A_427, %dma_start3A_428] : memref<512x32xf32, #tpu.memory_space<vmem>> -> memref<128x32xf32, #tpu.memory_space<vmem>>
      %dma_start3A_430 = tpu.memref_slice %arg8[%add3A_426] : memref<5120xi32, #tpu.memory_space<vmem>> -> memref<128xi32, #tpu.memory_space<vmem>>
      %dma_start3A_431 = arith.constant 0 : i32
      %dma_start3A_432 = arith.constant 0 : i32
      %dma_start3A_433 = tpu.memref_slice %arg2[%dma_start3A_431, %dma_start3A_432] : memref<10000x32xf32, #tpu.memory_space<hbm>> -> memref<10000x32xf32, #tpu.memory_space<hbm>>
      tpu.enqueue_indirect_dma source(%dma_start3A_433 : memref<10000x32xf32, #tpu.memory_space<hbm>>) target(%dma_start3A_429 : memref<128x32xf32, #tpu.memory_space<vmem>>) offsets(%dma_start3A_430 : memref<128xi32, #tpu.memory_space<vmem>>) semaphore(%arg15 : memref<!tpu.dma_semaphore, #tpu.memory_space<semaphore_mem>>)
      %dma_start3A_434 = arith.constant 384 : i32
      %dma_start3A_435 = arith.constant 0 : i32
      %dma_start3A_436 = tpu.memref_slice %arg12[%dma_start3A_434, %dma_start3A_435] : memref<512x32xf32, #tpu.memory_space<vmem>> -> memref<128x32xf32, #tpu.memory_space<vmem>>
      %dma_start3A_437 = tpu.memref_slice %arg9[%add3A_426] : memref<5120xi32, #tpu.memory_space<vmem>> -> memref<128xi32, #tpu.memory_space<vmem>>
      %dma_start3A_438 = arith.constant 0 : i32
      %dma_start3A_439 = arith.constant 0 : i32
      %dma_start3A_440 = tpu.memref_slice %arg3[%dma_start3A_438, %dma_start3A_439] : memref<10000x32xf32, #tpu.memory_space<hbm>> -> memref<10000x32xf32, #tpu.memory_space<hbm>>
      tpu.enqueue_indirect_dma source(%dma_start3A_440 : memref<10000x32xf32, #tpu.memory_space<hbm>>) target(%dma_start3A_436 : memref<128x32xf32, #tpu.memory_space<vmem>>) offsets(%dma_start3A_437 : memref<128xi32, #tpu.memory_space<vmem>>) semaphore(%arg15 : memref<!tpu.dma_semaphore, #tpu.memory_space<semaphore_mem>>)
      %dma_wait3A_441 = arith.constant 0 : i32
      %dma_wait3A_442 = arith.constant 0 : i32
      %dma_wait3A_443 = tpu.memref_slice %arg10[%dma_wait3A_441, %dma_wait3A_442] : memref<512x32xf32, #tpu.memory_space<vmem>> -> memref<128x32xf32, #tpu.memory_space<vmem>>
      %dma_wait3A_444 = tpu.memref_slice %arg8[%add3A_378] : memref<5120xi32, #tpu.memory_space<vmem>> -> memref<128xi32, #tpu.memory_space<vmem>>
      %dma_wait3A_445 = arith.constant 0 : i32
      %dma_wait3A_446 = arith.constant 0 : i32
      %dma_wait3A_447 = tpu.memref_slice %arg2[%dma_wait3A_445, %dma_wait3A_446] : memref<10000x32xf32, #tpu.memory_space<hbm>> -> memref<10000x32xf32, #tpu.memory_space<hbm>>
      tpu.wait_indirect_dma semaphore(%arg15 : memref<!tpu.dma_semaphore, #tpu.memory_space<semaphore_mem>>) src(%dma_wait3A_447 : memref<10000x32xf32, #tpu.memory_space<hbm>>) dst(%dma_wait3A_443 : memref<128x32xf32, #tpu.memory_space<vmem>>)
      %dma_wait3A_448 = arith.constant 0 : i32
      %dma_wait3A_449 = arith.constant 0 : i32
      %dma_wait3A_450 = tpu.memref_slice %arg12[%dma_wait3A_448, %dma_wait3A_449] : memref<512x32xf32, #tpu.memory_space<vmem>> -> memref<128x32xf32, #tpu.memory_space<vmem>>
      %dma_wait3A_451 = tpu.memref_slice %arg9[%add3A_378] : memref<5120xi32, #tpu.memory_space<vmem>> -> memref<128xi32, #tpu.memory_space<vmem>>
      %dma_wait3A_452 = arith.constant 0 : i32
      %dma_wait3A_453 = arith.constant 0 : i32
      %dma_wait3A_454 = tpu.memref_slice %arg3[%dma_wait3A_452, %dma_wait3A_453] : memref<10000x32xf32, #tpu.memory_space<hbm>> -> memref<10000x32xf32, #tpu.memory_space<hbm>>
      tpu.wait_indirect_dma semaphore(%arg15 : memref<!tpu.dma_semaphore, #tpu.memory_space<semaphore_mem>>) src(%dma_wait3A_454 : memref<10000x32xf32, #tpu.memory_space<hbm>>) dst(%dma_wait3A_450 : memref<128x32xf32, #tpu.memory_space<vmem>>)
      %dma_wait3A_455 = arith.constant 128 : i32
      %dma_wait3A_456 = arith.constant 0 : i32
      %dma_wait3A_457 = tpu.memref_slice %arg10[%dma_wait3A_455, %dma_wait3A_456] : memref<512x32xf32, #tpu.memory_space<vmem>> -> memref<128x32xf32, #tpu.memory_space<vmem>>
      %dma_wait3A_458 = tpu.memref_slice %arg8[%add3A_394] : memref<5120xi32, #tpu.memory_space<vmem>> -> memref<128xi32, #tpu.memory_space<vmem>>
      %dma_wait3A_459 = arith.constant 0 : i32
      %dma_wait3A_460 = arith.constant 0 : i32
      %dma_wait3A_461 = tpu.memref_slice %arg2[%dma_wait3A_459, %dma_wait3A_460] : memref<10000x32xf32, #tpu.memory_space<hbm>> -> memref<10000x32xf32, #tpu.memory_space<hbm>>
      tpu.wait_indirect_dma semaphore(%arg15 : memref<!tpu.dma_semaphore, #tpu.memory_space<semaphore_mem>>) src(%dma_wait3A_461 : memref<10000x32xf32, #tpu.memory_space<hbm>>) dst(%dma_wait3A_457 : memref<128x32xf32, #tpu.memory_space<vmem>>)
      %dma_wait3A_462 = arith.constant 128 : i32
      %dma_wait3A_463 = arith.constant 0 : i32
      %dma_wait3A_464 = tpu.memref_slice %arg12[%dma_wait3A_462, %dma_wait3A_463] : memref<512x32xf32, #tpu.memory_space<vmem>> -> memref<128x32xf32, #tpu.memory_space<vmem>>
      %dma_wait3A_465 = tpu.memref_slice %arg9[%add3A_394] : memref<5120xi32, #tpu.memory_space<vmem>> -> memref<128xi32, #tpu.memory_space<vmem>>
      %dma_wait3A_466 = arith.constant 0 : i32
      %dma_wait3A_467 = arith.constant 0 : i32
      %dma_wait3A_468 = tpu.memref_slice %arg3[%dma_wait3A_466, %dma_wait3A_467] : memref<10000x32xf32, #tpu.memory_space<hbm>> -> memref<10000x32xf32, #tpu.memory_space<hbm>>
      tpu.wait_indirect_dma semaphore(%arg15 : memref<!tpu.dma_semaphore, #tpu.memory_space<semaphore_mem>>) src(%dma_wait3A_468 : memref<10000x32xf32, #tpu.memory_space<hbm>>) dst(%dma_wait3A_464 : memref<128x32xf32, #tpu.memory_space<vmem>>)
      %dma_wait3A_469 = arith.constant 256 : i32
      %dma_wait3A_470 = arith.constant 0 : i32
      %dma_wait3A_471 = tpu.memref_slice %arg10[%dma_wait3A_469, %dma_wait3A_470] : memref<512x32xf32, #tpu.memory_space<vmem>> -> memref<128x32xf32, #tpu.memory_space<vmem>>
      %dma_wait3A_472 = tpu.memref_slice %arg8[%add3A_410] : memref<5120xi32, #tpu.memory_space<vmem>> -> memref<128xi32, #tpu.memory_space<vmem>>
      %dma_wait3A_473 = arith.constant 0 : i32
      %dma_wait3A_474 = arith.constant 0 : i32
      %dma_wait3A_475 = tpu.memref_slice %arg2[%dma_wait3A_473, %dma_wait3A_474] : memref<10000x32xf32, #tpu.memory_space<hbm>> -> memref<10000x32xf32, #tpu.memory_space<hbm>>
      tpu.wait_indirect_dma semaphore(%arg15 : memref<!tpu.dma_semaphore, #tpu.memory_space<semaphore_mem>>) src(%dma_wait3A_475 : memref<10000x32xf32, #tpu.memory_space<hbm>>) dst(%dma_wait3A_471 : memref<128x32xf32, #tpu.memory_space<vmem>>)
      %dma_wait3A_476 = arith.constant 256 : i32
      %dma_wait3A_477 = arith.constant 0 : i32
      %dma_wait3A_478 = tpu.memref_slice %arg12[%dma_wait3A_476, %dma_wait3A_477] : memref<512x32xf32, #tpu.memory_space<vmem>> -> memref<128x32xf32, #tpu.memory_space<vmem>>
      %dma_wait3A_479 = tpu.memref_slice %arg9[%add3A_410] : memref<5120xi32, #tpu.memory_space<vmem>> -> memref<128xi32, #tpu.memory_space<vmem>>
      %dma_wait3A_480 = arith.constant 0 : i32
      %dma_wait3A_481 = arith.constant 0 : i32
      %dma_wait3A_482 = tpu.memref_slice %arg3[%dma_wait3A_480, %dma_wait3A_481] : memref<10000x32xf32, #tpu.memory_space<hbm>> -> memref<10000x32xf32, #tpu.memory_space<hbm>>
      tpu.wait_indirect_dma semaphore(%arg15 : memref<!tpu.dma_semaphore, #tpu.memory_space<semaphore_mem>>) src(%dma_wait3A_482 : memref<10000x32xf32, #tpu.memory_space<hbm>>) dst(%dma_wait3A_478 : memref<128x32xf32, #tpu.memory_space<vmem>>)
      %dma_wait3A_483 = arith.constant 384 : i32
      %dma_wait3A_484 = arith.constant 0 : i32
      %dma_wait3A_485 = tpu.memref_slice %arg10[%dma_wait3A_483, %dma_wait3A_484] : memref<512x32xf32, #tpu.memory_space<vmem>> -> memref<128x32xf32, #tpu.memory_space<vmem>>
      %dma_wait3A_486 = tpu.memref_slice %arg8[%add3A_426] : memref<5120xi32, #tpu.memory_space<vmem>> -> memref<128xi32, #tpu.memory_space<vmem>>
      %dma_wait3A_487 = arith.constant 0 : i32
      %dma_wait3A_488 = arith.constant 0 : i32
      %dma_wait3A_489 = tpu.memref_slice %arg2[%dma_wait3A_487, %dma_wait3A_488] : memref<10000x32xf32, #tpu.memory_space<hbm>> -> memref<10000x32xf32, #tpu.memory_space<hbm>>
      tpu.wait_indirect_dma semaphore(%arg15 : memref<!tpu.dma_semaphore, #tpu.memory_space<semaphore_mem>>) src(%dma_wait3A_489 : memref<10000x32xf32, #tpu.memory_space<hbm>>) dst(%dma_wait3A_485 : memref<128x32xf32, #tpu.memory_space<vmem>>)
      %dma_wait3A_490 = arith.constant 384 : i32
      %dma_wait3A_491 = arith.constant 0 : i32
      %dma_wait3A_492 = tpu.memref_slice %arg12[%dma_wait3A_490, %dma_wait3A_491] : memref<512x32xf32, #tpu.memory_space<vmem>> -> memref<128x32xf32, #tpu.memory_space<vmem>>
      %dma_wait3A_493 = tpu.memref_slice %arg9[%add3A_426] : memref<5120xi32, #tpu.memory_space<vmem>> -> memref<128xi32, #tpu.memory_space<vmem>>
      %dma_wait3A_494 = arith.constant 0 : i32
      %dma_wait3A_495 = arith.constant 0 : i32
      %dma_wait3A_496 = tpu.memref_slice %arg3[%dma_wait3A_494, %dma_wait3A_495] : memref<10000x32xf32, #tpu.memory_space<hbm>> -> memref<10000x32xf32, #tpu.memory_space<hbm>>
      tpu.wait_indirect_dma semaphore(%arg15 : memref<!tpu.dma_semaphore, #tpu.memory_space<semaphore_mem>>) src(%dma_wait3A_496 : memref<10000x32xf32, #tpu.memory_space<hbm>>) dst(%dma_wait3A_492 : memref<128x32xf32, #tpu.memory_space<vmem>>)
      %dma_start3A_497 = arith.constant 0 : i32
      %dma_start3A_498 = tpu.memref_slice %arg6[%add3A_366, %dma_start3A_497] : memref<163840x32xf32, #tpu.memory_space<hbm>> -> memref<512x32xf32, #tpu.memory_space<hbm>>
      %dma_start3A_499 = arith.constant 0 : i32
      %dma_start3A_500 = tpu.memref_slice %arg6[%add3A_366, %dma_start3A_499] : memref<163840x32xf32, #tpu.memory_space<hbm>> -> memref<512x32xf32, #tpu.memory_space<hbm>>
      tpu.enqueue_dma source(%arg10 : memref<512x32xf32, #tpu.memory_space<vmem>>) target(%dma_start3A_500 : memref<512x32xf32, #tpu.memory_space<hbm>>) target_semaphore(%arg16 : memref<!tpu.dma_semaphore, #tpu.memory_space<semaphore_mem>>)
      %dma_start3A_501 = arith.constant 0 : i32
      %dma_start3A_502 = tpu.memref_slice %arg7[%add3A_366, %dma_start3A_501] : memref<163840x32xf32, #tpu.memory_space<hbm>> -> memref<512x32xf32, #tpu.memory_space<hbm>>
      %dma_start3A_503 = arith.constant 0 : i32
      %dma_start3A_504 = tpu.memref_slice %arg7[%add3A_366, %dma_start3A_503] : memref<163840x32xf32, #tpu.memory_space<hbm>> -> memref<512x32xf32, #tpu.memory_space<hbm>>
      tpu.enqueue_dma source(%arg12 : memref<512x32xf32, #tpu.memory_space<vmem>>) target(%dma_start3A_504 : memref<512x32xf32, #tpu.memory_space<hbm>>) target_semaphore(%arg16 : memref<!tpu.dma_semaphore, #tpu.memory_space<semaphore_mem>>)
      %mul3A_505 = arith.constant 2 : i32
      %mul3A_506 = arith.muli %mul3A_505, %while3A_360 : i32
      %add3A_507 = arith.constant 1 : i32
      %add3A_508 = arith.addi %mul3A_506, %add3A_507 : i32
      %mul3A_509 = arith.constant 512 : i32
      %mul3A_510 = arith.muli %add3A_508, %mul3A_509 : i32
      %add3A_511 = arith.addi %select_n3A_8, %mul3A_510 : i32
      %mul3A_512 = arith.constant 512 : i32
      %mul3A_513 = arith.muli %add3A_508, %mul3A_512 : i32
      %dma_wait3A_514 = arith.constant 0 : i32
      %dma_wait3A_515 = tpu.memref_slice %arg6[%add3A_511, %dma_wait3A_514] : memref<163840x32xf32, #tpu.memory_space<hbm>> -> memref<512x32xf32, #tpu.memory_space<hbm>>
      %dma_wait3A_516 = arith.constant 0 : i32
      %dma_wait3A_517 = tpu.memref_slice %arg6[%add3A_511, %dma_wait3A_516] : memref<163840x32xf32, #tpu.memory_space<hbm>> -> memref<512x32xf32, #tpu.memory_space<hbm>>
      tpu.wait_dma2 semaphore(%arg17 : memref<!tpu.dma_semaphore, #tpu.memory_space<semaphore_mem>>) src(%arg11 : memref<512x32xf32, #tpu.memory_space<vmem>>) dst(%dma_wait3A_517 : memref<512x32xf32, #tpu.memory_space<hbm>>)
      %dma_wait3A_518 = arith.constant 0 : i32
      %dma_wait3A_519 = tpu.memref_slice %arg7[%add3A_511, %dma_wait3A_518] : memref<163840x32xf32, #tpu.memory_space<hbm>> -> memref<512x32xf32, #tpu.memory_space<hbm>>
      %dma_wait3A_520 = arith.constant 0 : i32
      %dma_wait3A_521 = tpu.memref_slice %arg7[%add3A_511, %dma_wait3A_520] : memref<163840x32xf32, #tpu.memory_space<hbm>> -> memref<512x32xf32, #tpu.memory_space<hbm>>
      tpu.wait_dma2 semaphore(%arg17 : memref<!tpu.dma_semaphore, #tpu.memory_space<semaphore_mem>>) src(%arg13 : memref<512x32xf32, #tpu.memory_space<vmem>>) dst(%dma_wait3A_521 : memref<512x32xf32, #tpu.memory_space<hbm>>)
      %add3A_522 = arith.constant 0 : i32
      %add3A_523 = arith.addi %mul3A_513, %add3A_522 : i32
      %dma_start3A_524 = arith.constant 0 : i32
      %dma_start3A_525 = arith.constant 0 : i32
      %dma_start3A_526 = tpu.memref_slice %arg11[%dma_start3A_524, %dma_start3A_525] : memref<512x32xf32, #tpu.memory_space<vmem>> -> memref<128x32xf32, #tpu.memory_space<vmem>>
      %dma_start3A_527 = tpu.memref_slice %arg8[%add3A_523] : memref<5120xi32, #tpu.memory_space<vmem>> -> memref<128xi32, #tpu.memory_space<vmem>>
      %dma_start3A_528 = arith.constant 0 : i32
      %dma_start3A_529 = arith.constant 0 : i32
      %dma_start3A_530 = tpu.memref_slice %arg2[%dma_start3A_528, %dma_start3A_529] : memref<10000x32xf32, #tpu.memory_space<hbm>> -> memref<10000x32xf32, #tpu.memory_space<hbm>>
      tpu.enqueue_indirect_dma source(%dma_start3A_530 : memref<10000x32xf32, #tpu.memory_space<hbm>>) target(%dma_start3A_526 : memref<128x32xf32, #tpu.memory_space<vmem>>) offsets(%dma_start3A_527 : memref<128xi32, #tpu.memory_space<vmem>>) semaphore(%arg15 : memref<!tpu.dma_semaphore, #tpu.memory_space<semaphore_mem>>)
      %dma_start3A_531 = arith.constant 0 : i32
      %dma_start3A_532 = arith.constant 0 : i32
      %dma_start3A_533 = tpu.memref_slice %arg13[%dma_start3A_531, %dma_start3A_532] : memref<512x32xf32, #tpu.memory_space<vmem>> -> memref<128x32xf32, #tpu.memory_space<vmem>>
      %dma_start3A_534 = tpu.memref_slice %arg9[%add3A_523] : memref<5120xi32, #tpu.memory_space<vmem>> -> memref<128xi32, #tpu.memory_space<vmem>>
      %dma_start3A_535 = arith.constant 0 : i32
      %dma_start3A_536 = arith.constant 0 : i32
      %dma_start3A_537 = tpu.memref_slice %arg3[%dma_start3A_535, %dma_start3A_536] : memref<10000x32xf32, #tpu.memory_space<hbm>> -> memref<10000x32xf32, #tpu.memory_space<hbm>>
      tpu.enqueue_indirect_dma source(%dma_start3A_537 : memref<10000x32xf32, #tpu.memory_space<hbm>>) target(%dma_start3A_533 : memref<128x32xf32, #tpu.memory_space<vmem>>) offsets(%dma_start3A_534 : memref<128xi32, #tpu.memory_space<vmem>>) semaphore(%arg15 : memref<!tpu.dma_semaphore, #tpu.memory_space<semaphore_mem>>)
      %add3A_538 = arith.constant 128 : i32
      %add3A_539 = arith.addi %mul3A_513, %add3A_538 : i32
      %dma_start3A_540 = arith.constant 128 : i32
      %dma_start3A_541 = arith.constant 0 : i32
      %dma_start3A_542 = tpu.memref_slice %arg11[%dma_start3A_540, %dma_start3A_541] : memref<512x32xf32, #tpu.memory_space<vmem>> -> memref<128x32xf32, #tpu.memory_space<vmem>>
      %dma_start3A_543 = tpu.memref_slice %arg8[%add3A_539] : memref<5120xi32, #tpu.memory_space<vmem>> -> memref<128xi32, #tpu.memory_space<vmem>>
      %dma_start3A_544 = arith.constant 0 : i32
      %dma_start3A_545 = arith.constant 0 : i32
      %dma_start3A_546 = tpu.memref_slice %arg2[%dma_start3A_544, %dma_start3A_545] : memref<10000x32xf32, #tpu.memory_space<hbm>> -> memref<10000x32xf32, #tpu.memory_space<hbm>>
      tpu.enqueue_indirect_dma source(%dma_start3A_546 : memref<10000x32xf32, #tpu.memory_space<hbm>>) target(%dma_start3A_542 : memref<128x32xf32, #tpu.memory_space<vmem>>) offsets(%dma_start3A_543 : memref<128xi32, #tpu.memory_space<vmem>>) semaphore(%arg15 : memref<!tpu.dma_semaphore, #tpu.memory_space<semaphore_mem>>)
      %dma_start3A_547 = arith.constant 128 : i32
      %dma_start3A_548 = arith.constant 0 : i32
      %dma_start3A_549 = tpu.memref_slice %arg13[%dma_start3A_547, %dma_start3A_548] : memref<512x32xf32, #tpu.memory_space<vmem>> -> memref<128x32xf32, #tpu.memory_space<vmem>>
      %dma_start3A_550 = tpu.memref_slice %arg9[%add3A_539] : memref<5120xi32, #tpu.memory_space<vmem>> -> memref<128xi32, #tpu.memory_space<vmem>>
      %dma_start3A_551 = arith.constant 0 : i32
      %dma_start3A_552 = arith.constant 0 : i32
      %dma_start3A_553 = tpu.memref_slice %arg3[%dma_start3A_551, %dma_start3A_552] : memref<10000x32xf32, #tpu.memory_space<hbm>> -> memref<10000x32xf32, #tpu.memory_space<hbm>>
      tpu.enqueue_indirect_dma source(%dma_start3A_553 : memref<10000x32xf32, #tpu.memory_space<hbm>>) target(%dma_start3A_549 : memref<128x32xf32, #tpu.memory_space<vmem>>) offsets(%dma_start3A_550 : memref<128xi32, #tpu.memory_space<vmem>>) semaphore(%arg15 : memref<!tpu.dma_semaphore, #tpu.memory_space<semaphore_mem>>)
      %add3A_554 = arith.constant 256 : i32
      %add3A_555 = arith.addi %mul3A_513, %add3A_554 : i32
      %dma_start3A_556 = arith.constant 256 : i32
      %dma_start3A_557 = arith.constant 0 : i32
      %dma_start3A_558 = tpu.memref_slice %arg11[%dma_start3A_556, %dma_start3A_557] : memref<512x32xf32, #tpu.memory_space<vmem>> -> memref<128x32xf32, #tpu.memory_space<vmem>>
      %dma_start3A_559 = tpu.memref_slice %arg8[%add3A_555] : memref<5120xi32, #tpu.memory_space<vmem>> -> memref<128xi32, #tpu.memory_space<vmem>>
      %dma_start3A_560 = arith.constant 0 : i32
      %dma_start3A_561 = arith.constant 0 : i32
      %dma_start3A_562 = tpu.memref_slice %arg2[%dma_start3A_560, %dma_start3A_561] : memref<10000x32xf32, #tpu.memory_space<hbm>> -> memref<10000x32xf32, #tpu.memory_space<hbm>>
      tpu.enqueue_indirect_dma source(%dma_start3A_562 : memref<10000x32xf32, #tpu.memory_space<hbm>>) target(%dma_start3A_558 : memref<128x32xf32, #tpu.memory_space<vmem>>) offsets(%dma_start3A_559 : memref<128xi32, #tpu.memory_space<vmem>>) semaphore(%arg15 : memref<!tpu.dma_semaphore, #tpu.memory_space<semaphore_mem>>)
      %dma_start3A_563 = arith.constant 256 : i32
      %dma_start3A_564 = arith.constant 0 : i32
      %dma_start3A_565 = tpu.memref_slice %arg13[%dma_start3A_563, %dma_start3A_564] : memref<512x32xf32, #tpu.memory_space<vmem>> -> memref<128x32xf32, #tpu.memory_space<vmem>>
      %dma_start3A_566 = tpu.memref_slice %arg9[%add3A_555] : memref<5120xi32, #tpu.memory_space<vmem>> -> memref<128xi32, #tpu.memory_space<vmem>>
      %dma_start3A_567 = arith.constant 0 : i32
      %dma_start3A_568 = arith.constant 0 : i32
      %dma_start3A_569 = tpu.memref_slice %arg3[%dma_start3A_567, %dma_start3A_568] : memref<10000x32xf32, #tpu.memory_space<hbm>> -> memref<10000x32xf32, #tpu.memory_space<hbm>>
      tpu.enqueue_indirect_dma source(%dma_start3A_569 : memref<10000x32xf32, #tpu.memory_space<hbm>>) target(%dma_start3A_565 : memref<128x32xf32, #tpu.memory_space<vmem>>) offsets(%dma_start3A_566 : memref<128xi32, #tpu.memory_space<vmem>>) semaphore(%arg15 : memref<!tpu.dma_semaphore, #tpu.memory_space<semaphore_mem>>)
      %add3A_570 = arith.constant 384 : i32
      %add3A_571 = arith.addi %mul3A_513, %add3A_570 : i32
      %dma_start3A_572 = arith.constant 384 : i32
      %dma_start3A_573 = arith.constant 0 : i32
      %dma_start3A_574 = tpu.memref_slice %arg11[%dma_start3A_572, %dma_start3A_573] : memref<512x32xf32, #tpu.memory_space<vmem>> -> memref<128x32xf32, #tpu.memory_space<vmem>>
      %dma_start3A_575 = tpu.memref_slice %arg8[%add3A_571] : memref<5120xi32, #tpu.memory_space<vmem>> -> memref<128xi32, #tpu.memory_space<vmem>>
      %dma_start3A_576 = arith.constant 0 : i32
      %dma_start3A_577 = arith.constant 0 : i32
      %dma_start3A_578 = tpu.memref_slice %arg2[%dma_start3A_576, %dma_start3A_577] : memref<10000x32xf32, #tpu.memory_space<hbm>> -> memref<10000x32xf32, #tpu.memory_space<hbm>>
      tpu.enqueue_indirect_dma source(%dma_start3A_578 : memref<10000x32xf32, #tpu.memory_space<hbm>>) target(%dma_start3A_574 : memref<128x32xf32, #tpu.memory_space<vmem>>) offsets(%dma_start3A_575 : memref<128xi32, #tpu.memory_space<vmem>>) semaphore(%arg15 : memref<!tpu.dma_semaphore, #tpu.memory_space<semaphore_mem>>)
      %dma_start3A_579 = arith.constant 384 : i32
      %dma_start3A_580 = arith.constant 0 : i32
      %dma_start3A_581 = tpu.memref_slice %arg13[%dma_start3A_579, %dma_start3A_580] : memref<512x32xf32, #tpu.memory_space<vmem>> -> memref<128x32xf32, #tpu.memory_space<vmem>>
      %dma_start3A_582 = tpu.memref_slice %arg9[%add3A_571] : memref<5120xi32, #tpu.memory_space<vmem>> -> memref<128xi32, #tpu.memory_space<vmem>>
      %dma_start3A_583 = arith.constant 0 : i32
      %dma_start3A_584 = arith.constant 0 : i32
      %dma_start3A_585 = tpu.memref_slice %arg3[%dma_start3A_583, %dma_start3A_584] : memref<10000x32xf32, #tpu.memory_space<hbm>> -> memref<10000x32xf32, #tpu.memory_space<hbm>>
      tpu.enqueue_indirect_dma source(%dma_start3A_585 : memref<10000x32xf32, #tpu.memory_space<hbm>>) target(%dma_start3A_581 : memref<128x32xf32, #tpu.memory_space<vmem>>) offsets(%dma_start3A_582 : memref<128xi32, #tpu.memory_space<vmem>>) semaphore(%arg15 : memref<!tpu.dma_semaphore, #tpu.memory_space<semaphore_mem>>)
      %dma_wait3A_586 = arith.constant 0 : i32
      %dma_wait3A_587 = arith.constant 0 : i32
      %dma_wait3A_588 = tpu.memref_slice %arg11[%dma_wait3A_586, %dma_wait3A_587] : memref<512x32xf32, #tpu.memory_space<vmem>> -> memref<128x32xf32, #tpu.memory_space<vmem>>
      %dma_wait3A_589 = tpu.memref_slice %arg8[%add3A_523] : memref<5120xi32, #tpu.memory_space<vmem>> -> memref<128xi32, #tpu.memory_space<vmem>>
      %dma_wait3A_590 = arith.constant 0 : i32
      %dma_wait3A_591 = arith.constant 0 : i32
      %dma_wait3A_592 = tpu.memref_slice %arg2[%dma_wait3A_590, %dma_wait3A_591] : memref<10000x32xf32, #tpu.memory_space<hbm>> -> memref<10000x32xf32, #tpu.memory_space<hbm>>
      tpu.wait_indirect_dma semaphore(%arg15 : memref<!tpu.dma_semaphore, #tpu.memory_space<semaphore_mem>>) src(%dma_wait3A_592 : memref<10000x32xf32, #tpu.memory_space<hbm>>) dst(%dma_wait3A_588 : memref<128x32xf32, #tpu.memory_space<vmem>>)
      %dma_wait3A_593 = arith.constant 0 : i32
      %dma_wait3A_594 = arith.constant 0 : i32
      %dma_wait3A_595 = tpu.memref_slice %arg13[%dma_wait3A_593, %dma_wait3A_594] : memref<512x32xf32, #tpu.memory_space<vmem>> -> memref<128x32xf32, #tpu.memory_space<vmem>>
      %dma_wait3A_596 = tpu.memref_slice %arg9[%add3A_523] : memref<5120xi32, #tpu.memory_space<vmem>> -> memref<128xi32, #tpu.memory_space<vmem>>
      %dma_wait3A_597 = arith.constant 0 : i32
      %dma_wait3A_598 = arith.constant 0 : i32
      %dma_wait3A_599 = tpu.memref_slice %arg3[%dma_wait3A_597, %dma_wait3A_598] : memref<10000x32xf32, #tpu.memory_space<hbm>> -> memref<10000x32xf32, #tpu.memory_space<hbm>>
      tpu.wait_indirect_dma semaphore(%arg15 : memref<!tpu.dma_semaphore, #tpu.memory_space<semaphore_mem>>) src(%dma_wait3A_599 : memref<10000x32xf32, #tpu.memory_space<hbm>>) dst(%dma_wait3A_595 : memref<128x32xf32, #tpu.memory_space<vmem>>)
      %dma_wait3A_600 = arith.constant 128 : i32
      %dma_wait3A_601 = arith.constant 0 : i32
      %dma_wait3A_602 = tpu.memref_slice %arg11[%dma_wait3A_600, %dma_wait3A_601] : memref<512x32xf32, #tpu.memory_space<vmem>> -> memref<128x32xf32, #tpu.memory_space<vmem>>
      %dma_wait3A_603 = tpu.memref_slice %arg8[%add3A_539] : memref<5120xi32, #tpu.memory_space<vmem>> -> memref<128xi32, #tpu.memory_space<vmem>>
      %dma_wait3A_604 = arith.constant 0 : i32
      %dma_wait3A_605 = arith.constant 0 : i32
      %dma_wait3A_606 = tpu.memref_slice %arg2[%dma_wait3A_604, %dma_wait3A_605] : memref<10000x32xf32, #tpu.memory_space<hbm>> -> memref<10000x32xf32, #tpu.memory_space<hbm>>
      tpu.wait_indirect_dma semaphore(%arg15 : memref<!tpu.dma_semaphore, #tpu.memory_space<semaphore_mem>>) src(%dma_wait3A_606 : memref<10000x32xf32, #tpu.memory_space<hbm>>) dst(%dma_wait3A_602 : memref<128x32xf32, #tpu.memory_space<vmem>>)
      %dma_wait3A_607 = arith.constant 128 : i32
      %dma_wait3A_608 = arith.constant 0 : i32
      %dma_wait3A_609 = tpu.memref_slice %arg13[%dma_wait3A_607, %dma_wait3A_608] : memref<512x32xf32, #tpu.memory_space<vmem>> -> memref<128x32xf32, #tpu.memory_space<vmem>>
      %dma_wait3A_610 = tpu.memref_slice %arg9[%add3A_539] : memref<5120xi32, #tpu.memory_space<vmem>> -> memref<128xi32, #tpu.memory_space<vmem>>
      %dma_wait3A_611 = arith.constant 0 : i32
      %dma_wait3A_612 = arith.constant 0 : i32
      %dma_wait3A_613 = tpu.memref_slice %arg3[%dma_wait3A_611, %dma_wait3A_612] : memref<10000x32xf32, #tpu.memory_space<hbm>> -> memref<10000x32xf32, #tpu.memory_space<hbm>>
      tpu.wait_indirect_dma semaphore(%arg15 : memref<!tpu.dma_semaphore, #tpu.memory_space<semaphore_mem>>) src(%dma_wait3A_613 : memref<10000x32xf32, #tpu.memory_space<hbm>>) dst(%dma_wait3A_609 : memref<128x32xf32, #tpu.memory_space<vmem>>)
      %dma_wait3A_614 = arith.constant 256 : i32
      %dma_wait3A_615 = arith.constant 0 : i32
      %dma_wait3A_616 = tpu.memref_slice %arg11[%dma_wait3A_614, %dma_wait3A_615] : memref<512x32xf32, #tpu.memory_space<vmem>> -> memref<128x32xf32, #tpu.memory_space<vmem>>
      %dma_wait3A_617 = tpu.memref_slice %arg8[%add3A_555] : memref<5120xi32, #tpu.memory_space<vmem>> -> memref<128xi32, #tpu.memory_space<vmem>>
      %dma_wait3A_618 = arith.constant 0 : i32
      %dma_wait3A_619 = arith.constant 0 : i32
      %dma_wait3A_620 = tpu.memref_slice %arg2[%dma_wait3A_618, %dma_wait3A_619] : memref<10000x32xf32, #tpu.memory_space<hbm>> -> memref<10000x32xf32, #tpu.memory_space<hbm>>
      tpu.wait_indirect_dma semaphore(%arg15 : memref<!tpu.dma_semaphore, #tpu.memory_space<semaphore_mem>>) src(%dma_wait3A_620 : memref<10000x32xf32, #tpu.memory_space<hbm>>) dst(%dma_wait3A_616 : memref<128x32xf32, #tpu.memory_space<vmem>>)
      %dma_wait3A_621 = arith.constant 256 : i32
      %dma_wait3A_622 = arith.constant 0 : i32
      %dma_wait3A_623 = tpu.memref_slice %arg13[%dma_wait3A_621, %dma_wait3A_622] : memref<512x32xf32, #tpu.memory_space<vmem>> -> memref<128x32xf32, #tpu.memory_space<vmem>>
      %dma_wait3A_624 = tpu.memref_slice %arg9[%add3A_555] : memref<5120xi32, #tpu.memory_space<vmem>> -> memref<128xi32, #tpu.memory_space<vmem>>
      %dma_wait3A_625 = arith.constant 0 : i32
      %dma_wait3A_626 = arith.constant 0 : i32
      %dma_wait3A_627 = tpu.memref_slice %arg3[%dma_wait3A_625, %dma_wait3A_626] : memref<10000x32xf32, #tpu.memory_space<hbm>> -> memref<10000x32xf32, #tpu.memory_space<hbm>>
      tpu.wait_indirect_dma semaphore(%arg15 : memref<!tpu.dma_semaphore, #tpu.memory_space<semaphore_mem>>) src(%dma_wait3A_627 : memref<10000x32xf32, #tpu.memory_space<hbm>>) dst(%dma_wait3A_623 : memref<128x32xf32, #tpu.memory_space<vmem>>)
      %dma_wait3A_628 = arith.constant 384 : i32
      %dma_wait3A_629 = arith.constant 0 : i32
      %dma_wait3A_630 = tpu.memref_slice %arg11[%dma_wait3A_628, %dma_wait3A_629] : memref<512x32xf32, #tpu.memory_space<vmem>> -> memref<128x32xf32, #tpu.memory_space<vmem>>
      %dma_wait3A_631 = tpu.memref_slice %arg8[%add3A_571] : memref<5120xi32, #tpu.memory_space<vmem>> -> memref<128xi32, #tpu.memory_space<vmem>>
      %dma_wait3A_632 = arith.constant 0 : i32
      %dma_wait3A_633 = arith.constant 0 : i32
      %dma_wait3A_634 = tpu.memref_slice %arg2[%dma_wait3A_632, %dma_wait3A_633] : memref<10000x32xf32, #tpu.memory_space<hbm>> -> memref<10000x32xf32, #tpu.memory_space<hbm>>
      tpu.wait_indirect_dma semaphore(%arg15 : memref<!tpu.dma_semaphore, #tpu.memory_space<semaphore_mem>>) src(%dma_wait3A_634 : memref<10000x32xf32, #tpu.memory_space<hbm>>) dst(%dma_wait3A_630 : memref<128x32xf32, #tpu.memory_space<vmem>>)
      %dma_wait3A_635 = arith.constant 384 : i32
      %dma_wait3A_636 = arith.constant 0 : i32
      %dma_wait3A_637 = tpu.memref_slice %arg13[%dma_wait3A_635, %dma_wait3A_636] : memref<512x32xf32, #tpu.memory_space<vmem>> -> memref<128x32xf32, #tpu.memory_space<vmem>>
      %dma_wait3A_638 = tpu.memref_slice %arg9[%add3A_571] : memref<5120xi32, #tpu.memory_space<vmem>> -> memref<128xi32, #tpu.memory_space<vmem>>
      %dma_wait3A_639 = arith.constant 0 : i32
      %dma_wait3A_640 = arith.constant 0 : i32
      %dma_wait3A_641 = tpu.memref_slice %arg3[%dma_wait3A_639, %dma_wait3A_640] : memref<10000x32xf32, #tpu.memory_space<hbm>> -> memref<10000x32xf32, #tpu.memory_space<hbm>>
      tpu.wait_indirect_dma semaphore(%arg15 : memref<!tpu.dma_semaphore, #tpu.memory_space<semaphore_mem>>) src(%dma_wait3A_641 : memref<10000x32xf32, #tpu.memory_space<hbm>>) dst(%dma_wait3A_637 : memref<128x32xf32, #tpu.memory_space<vmem>>)
      %dma_start3A_642 = arith.constant 0 : i32
      %dma_start3A_643 = tpu.memref_slice %arg6[%add3A_511, %dma_start3A_642] : memref<163840x32xf32, #tpu.memory_space<hbm>> -> memref<512x32xf32, #tpu.memory_space<hbm>>
      %dma_start3A_644 = arith.constant 0 : i32
      %dma_start3A_645 = tpu.memref_slice %arg6[%add3A_511, %dma_start3A_644] : memref<163840x32xf32, #tpu.memory_space<hbm>> -> memref<512x32xf32, #tpu.memory_space<hbm>>
      tpu.enqueue_dma source(%arg11 : memref<512x32xf32, #tpu.memory_space<vmem>>) target(%dma_start3A_645 : memref<512x32xf32, #tpu.memory_space<hbm>>) target_semaphore(%arg17 : memref<!tpu.dma_semaphore, #tpu.memory_space<semaphore_mem>>)
      %dma_start3A_646 = arith.constant 0 : i32
      %dma_start3A_647 = tpu.memref_slice %arg7[%add3A_511, %dma_start3A_646] : memref<163840x32xf32, #tpu.memory_space<hbm>> -> memref<512x32xf32, #tpu.memory_space<hbm>>
      %dma_start3A_648 = arith.constant 0 : i32
      %dma_start3A_649 = tpu.memref_slice %arg7[%add3A_511, %dma_start3A_648] : memref<163840x32xf32, #tpu.memory_space<hbm>> -> memref<512x32xf32, #tpu.memory_space<hbm>>
      tpu.enqueue_dma source(%arg13 : memref<512x32xf32, #tpu.memory_space<vmem>>) target(%dma_start3A_649 : memref<512x32xf32, #tpu.memory_space<hbm>>) target_semaphore(%arg17 : memref<!tpu.dma_semaphore, #tpu.memory_space<semaphore_mem>>)
      %while3A_650 = arith.constant 0 : i32
      scf.yield %while3A_650 : i32
    }
    %while3A_342 = arith.constant 1 : i32
    %while3A_343 = scf.for %while3A_360 = %while3A_339 to %while3A_335 step %while3A_342 iter_args(%while3A_361 = %while3A_341) -> (i32)  : i32 {
      %mul3A_362 = arith.constant 2 : i32
      %mul3A_363 = arith.muli %mul3A_362, %while3A_360 : i32
      %mul3A_364 = arith.constant 512 : i32
      %mul3A_365 = arith.muli %mul3A_363, %mul3A_364 : i32
      %add3A_366 = arith.addi %select_n3A_8, %mul3A_365 : i32
      %mul3A_367 = arith.constant 512 : i32
      %mul3A_368 = arith.muli %mul3A_363, %mul3A_367 : i32
      %dma_wait3A_369 = arith.constant 0 : i32
      %dma_wait3A_370 = tpu.memref_slice %arg6[%add3A_366, %dma_wait3A_369] : memref<163840x32xf32, #tpu.memory_space<hbm>> -> memref<512x32xf32, #tpu.memory_space<hbm>>
      %dma_wait3A_371 = arith.constant 0 : i32
      %dma_wait3A_372 = tpu.memref_slice %arg6[%add3A_366, %dma_wait3A_371] : memref<163840x32xf32, #tpu.memory_space<hbm>> -> memref<512x32xf32, #tpu.memory_space<hbm>>
      tpu.wait_dma2 semaphore(%arg16 : memref<!tpu.dma_semaphore, #tpu.memory_space<semaphore_mem>>) src(%arg10 : memref<512x32xf32, #tpu.memory_space<vmem>>) dst(%dma_wait3A_372 : memref<512x32xf32, #tpu.memory_space<hbm>>)
      %dma_wait3A_373 = arith.constant 0 : i32
      %dma_wait3A_374 = tpu.memref_slice %arg7[%add3A_366, %dma_wait3A_373] : memref<163840x32xf32, #tpu.memory_space<hbm>> -> memref<512x32xf32, #tpu.memory_space<hbm>>
      %dma_wait3A_375 = arith.constant 0 : i32
      %dma_wait3A_376 = tpu.memref_slice %arg7[%add3A_366, %dma_wait3A_375] : memref<163840x32xf32, #tpu.memory_space<hbm>> -> memref<512x32xf32, #tpu.memory_space<hbm>>
      tpu.wait_dma2 semaphore(%arg16 : memref<!tpu.dma_semaphore, #tpu.memory_space<semaphore_mem>>) src(%arg12 : memref<512x32xf32, #tpu.memory_space<vmem>>) dst(%dma_wait3A_376 : memref<512x32xf32, #tpu.memory_space<hbm>>)
      %add3A_377 = arith.constant 0 : i32
      %add3A_378 = arith.addi %mul3A_368, %add3A_377 : i32
      %dma_start3A_379 = arith.constant 0 : i32
      %dma_start3A_380 = arith.constant 0 : i32
      %dma_start3A_381 = tpu.memref_slice %arg10[%dma_start3A_379, %dma_start3A_380] : memref<512x32xf32, #tpu.memory_space<vmem>> -> memref<128x32xf32, #tpu.memory_space<vmem>>
      %dma_start3A_382 = tpu.memref_slice %arg8[%add3A_378] : memref<5120xi32, #tpu.memory_space<vmem>> -> memref<128xi32, #tpu.memory_space<vmem>>
      %dma_start3A_383 = arith.constant 0 : i32
      %dma_start3A_384 = arith.constant 0 : i32
      %dma_start3A_385 = tpu.memref_slice %arg2[%dma_start3A_383, %dma_start3A_384] : memref<10000x32xf32, #tpu.memory_space<hbm>> -> memref<10000x32xf32, #tpu.memory_space<hbm>>
      tpu.enqueue_indirect_dma source(%dma_start3A_385 : memref<10000x32xf32, #tpu.memory_space<hbm>>) target(%dma_start3A_381 : memref<128x32xf32, #tpu.memory_space<vmem>>) offsets(%dma_start3A_382 : memref<128xi32, #tpu.memory_space<vmem>>) semaphore(%arg15 : memref<!tpu.dma_semaphore, #tpu.memory_space<semaphore_mem>>)
      %dma_start3A_386 = arith.constant 0 : i32
      %dma_start3A_387 = arith.constant 0 : i32
      %dma_start3A_388 = tpu.memref_slice %arg12[%dma_start3A_386, %dma_start3A_387] : memref<512x32xf32, #tpu.memory_space<vmem>> -> memref<128x32xf32, #tpu.memory_space<vmem>>
      %dma_start3A_389 = tpu.memref_slice %arg9[%add3A_378] : memref<5120xi32, #tpu.memory_space<vmem>> -> memref<128xi32, #tpu.memory_space<vmem>>
      %dma_start3A_390 = arith.constant 0 : i32
      %dma_start3A_391 = arith.constant 0 : i32
      %dma_start3A_392 = tpu.memref_slice %arg3[%dma_start3A_390, %dma_start3A_391] : memref<10000x32xf32, #tpu.memory_space<hbm>> -> memref<10000x32xf32, #tpu.memory_space<hbm>>
      tpu.enqueue_indirect_dma source(%dma_start3A_392 : memref<10000x32xf32, #tpu.memory_space<hbm>>) target(%dma_start3A_388 : memref<128x32xf32, #tpu.memory_space<vmem>>) offsets(%dma_start3A_389 : memref<128xi32, #tpu.memory_space<vmem>>) semaphore(%arg15 : memref<!tpu.dma_semaphore, #tpu.memory_space<semaphore_mem>>)
      %add3A_393 = arith.constant 128 : i32
      %add3A_394 = arith.addi %mul3A_368, %add3A_393 : i32
      %dma_start3A_395 = arith.constant 128 : i32
      %dma_start3A_396 = arith.constant 0 : i32
      %dma_start3A_397 = tpu.memref_slice %arg10[%dma_start3A_395, %dma_start3A_396] : memref<512x32xf32, #tpu.memory_space<vmem>> -> memref<128x32xf32, #tpu.memory_space<vmem>>
      %dma_start3A_398 = tpu.memref_slice %arg8[%add3A_394] : memref<5120xi32, #tpu.memory_space<vmem>> -> memref<128xi32, #tpu.memory_space<vmem>>
      %dma_start3A_399 = arith.constant 0 : i32
      %dma_start3A_400 = arith.constant 0 : i32
      %dma_start3A_401 = tpu.memref_slice %arg2[%dma_start3A_399, %dma_start3A_400] : memref<10000x32xf32, #tpu.memory_space<hbm>> -> memref<10000x32xf32, #tpu.memory_space<hbm>>
      tpu.enqueue_indirect_dma source(%dma_start3A_401 : memref<10000x32xf32, #tpu.memory_space<hbm>>) target(%dma_start3A_397 : memref<128x32xf32, #tpu.memory_space<vmem>>) offsets(%dma_start3A_398 : memref<128xi32, #tpu.memory_space<vmem>>) semaphore(%arg15 : memref<!tpu.dma_semaphore, #tpu.memory_space<semaphore_mem>>)
      %dma_start3A_402 = arith.constant 128 : i32
      %dma_start3A_403 = arith.constant 0 : i32
      %dma_start3A_404 = tpu.memref_slice %arg12[%dma_start3A_402, %dma_start3A_403] : memref<512x32xf32, #tpu.memory_space<vmem>> -> memref<128x32xf32, #tpu.memory_space<vmem>>
      %dma_start3A_405 = tpu.memref_slice %arg9[%add3A_394] : memref<5120xi32, #tpu.memory_space<vmem>> -> memref<128xi32, #tpu.memory_space<vmem>>
      %dma_start3A_406 = arith.constant 0 : i32
      %dma_start3A_407 = arith.constant 0 : i32
      %dma_start3A_408 = tpu.memref_slice %arg3[%dma_start3A_406, %dma_start3A_407] : memref<10000x32xf32, #tpu.memory_space<hbm>> -> memref<10000x32xf32, #tpu.memory_space<hbm>>
      tpu.enqueue_indirect_dma source(%dma_start3A_408 : memref<10000x32xf32, #tpu.memory_space<hbm>>) target(%dma_start3A_404 : memref<128x32xf32, #tpu.memory_space<vmem>>) offsets(%dma_start3A_405 : memref<128xi32, #tpu.memory_space<vmem>>) semaphore(%arg15 : memref<!tpu.dma_semaphore, #tpu.memory_space<semaphore_mem>>)
      %add3A_409 = arith.constant 256 : i32
      %add3A_410 = arith.addi %mul3A_368, %add3A_409 : i32
      %dma_start3A_411 = arith.constant 256 : i32
      %dma_start3A_412 = arith.constant 0 : i32
      %dma_start3A_413 = tpu.memref_slice %arg10[%dma_start3A_411, %dma_start3A_412] : memref<512x32xf32, #tpu.memory_space<vmem>> -> memref<128x32xf32, #tpu.memory_space<vmem>>
      %dma_start3A_414 = tpu.memref_slice %arg8[%add3A_410] : memref<5120xi32, #tpu.memory_space<vmem>> -> memref<128xi32, #tpu.memory_space<vmem>>
      %dma_start3A_415 = arith.constant 0 : i32
      %dma_start3A_416 = arith.constant 0 : i32
      %dma_start3A_417 = tpu.memref_slice %arg2[%dma_start3A_415, %dma_start3A_416] : memref<10000x32xf32, #tpu.memory_space<hbm>> -> memref<10000x32xf32, #tpu.memory_space<hbm>>
      tpu.enqueue_indirect_dma source(%dma_start3A_417 : memref<10000x32xf32, #tpu.memory_space<hbm>>) target(%dma_start3A_413 : memref<128x32xf32, #tpu.memory_space<vmem>>) offsets(%dma_start3A_414 : memref<128xi32, #tpu.memory_space<vmem>>) semaphore(%arg15 : memref<!tpu.dma_semaphore, #tpu.memory_space<semaphore_mem>>)
      %dma_start3A_418 = arith.constant 256 : i32
      %dma_start3A_419 = arith.constant 0 : i32
      %dma_start3A_420 = tpu.memref_slice %arg12[%dma_start3A_418, %dma_start3A_419] : memref<512x32xf32, #tpu.memory_space<vmem>> -> memref<128x32xf32, #tpu.memory_space<vmem>>
      %dma_start3A_421 = tpu.memref_slice %arg9[%add3A_410] : memref<5120xi32, #tpu.memory_space<vmem>> -> memref<128xi32, #tpu.memory_space<vmem>>
      %dma_start3A_422 = arith.constant 0 : i32
      %dma_start3A_423 = arith.constant 0 : i32
      %dma_start3A_424 = tpu.memref_slice %arg3[%dma_start3A_422, %dma_start3A_423] : memref<10000x32xf32, #tpu.memory_space<hbm>> -> memref<10000x32xf32, #tpu.memory_space<hbm>>
      tpu.enqueue_indirect_dma source(%dma_start3A_424 : memref<10000x32xf32, #tpu.memory_space<hbm>>) target(%dma_start3A_420 : memref<128x32xf32, #tpu.memory_space<vmem>>) offsets(%dma_start3A_421 : memref<128xi32, #tpu.memory_space<vmem>>) semaphore(%arg15 : memref<!tpu.dma_semaphore, #tpu.memory_space<semaphore_mem>>)
      %add3A_425 = arith.constant 384 : i32
      %add3A_426 = arith.addi %mul3A_368, %add3A_425 : i32
      %dma_start3A_427 = arith.constant 384 : i32
      %dma_start3A_428 = arith.constant 0 : i32
      %dma_start3A_429 = tpu.memref_slice %arg10[%dma_start3A_427, %dma_start3A_428] : memref<512x32xf32, #tpu.memory_space<vmem>> -> memref<128x32xf32, #tpu.memory_space<vmem>>
      %dma_start3A_430 = tpu.memref_slice %arg8[%add3A_426] : memref<5120xi32, #tpu.memory_space<vmem>> -> memref<128xi32, #tpu.memory_space<vmem>>
      %dma_start3A_431 = arith.constant 0 : i32
      %dma_start3A_432 = arith.constant 0 : i32
      %dma_start3A_433 = tpu.memref_slice %arg2[%dma_start3A_431, %dma_start3A_432] : memref<10000x32xf32, #tpu.memory_space<hbm>> -> memref<10000x32xf32, #tpu.memory_space<hbm>>
      tpu.enqueue_indirect_dma source(%dma_start3A_433 : memref<10000x32xf32, #tpu.memory_space<hbm>>) target(%dma_start3A_429 : memref<128x32xf32, #tpu.memory_space<vmem>>) offsets(%dma_start3A_430 : memref<128xi32, #tpu.memory_space<vmem>>) semaphore(%arg15 : memref<!tpu.dma_semaphore, #tpu.memory_space<semaphore_mem>>)
      %dma_start3A_434 = arith.constant 384 : i32
      %dma_start3A_435 = arith.constant 0 : i32
      %dma_start3A_436 = tpu.memref_slice %arg12[%dma_start3A_434, %dma_start3A_435] : memref<512x32xf32, #tpu.memory_space<vmem>> -> memref<128x32xf32, #tpu.memory_space<vmem>>
      %dma_start3A_437 = tpu.memref_slice %arg9[%add3A_426] : memref<5120xi32, #tpu.memory_space<vmem>> -> memref<128xi32, #tpu.memory_space<vmem>>
      %dma_start3A_438 = arith.constant 0 : i32
      %dma_start3A_439 = arith.constant 0 : i32
      %dma_start3A_440 = tpu.memref_slice %arg3[%dma_start3A_438, %dma_start3A_439] : memref<10000x32xf32, #tpu.memory_space<hbm>> -> memref<10000x32xf32, #tpu.memory_space<hbm>>
      tpu.enqueue_indirect_dma source(%dma_start3A_440 : memref<10000x32xf32, #tpu.memory_space<hbm>>) target(%dma_start3A_436 : memref<128x32xf32, #tpu.memory_space<vmem>>) offsets(%dma_start3A_437 : memref<128xi32, #tpu.memory_space<vmem>>) semaphore(%arg15 : memref<!tpu.dma_semaphore, #tpu.memory_space<semaphore_mem>>)
      %dma_wait3A_441 = arith.constant 0 : i32
      %dma_wait3A_442 = arith.constant 0 : i32
      %dma_wait3A_443 = tpu.memref_slice %arg10[%dma_wait3A_441, %dma_wait3A_442] : memref<512x32xf32, #tpu.memory_space<vmem>> -> memref<128x32xf32, #tpu.memory_space<vmem>>
      %dma_wait3A_444 = tpu.memref_slice %arg8[%add3A_378] : memref<5120xi32, #tpu.memory_space<vmem>> -> memref<128xi32, #tpu.memory_space<vmem>>
      %dma_wait3A_445 = arith.constant 0 : i32
      %dma_wait3A_446 = arith.constant 0 : i32
      %dma_wait3A_447 = tpu.memref_slice %arg2[%dma_wait3A_445, %dma_wait3A_446] : memref<10000x32xf32, #tpu.memory_space<hbm>> -> memref<10000x32xf32, #tpu.memory_space<hbm>>
      tpu.wait_indirect_dma semaphore(%arg15 : memref<!tpu.dma_semaphore, #tpu.memory_space<semaphore_mem>>) src(%dma_wait3A_447 : memref<10000x32xf32, #tpu.memory_space<hbm>>) dst(%dma_wait3A_443 : memref<128x32xf32, #tpu.memory_space<vmem>>)
      %dma_wait3A_448 = arith.constant 0 : i32
      %dma_wait3A_449 = arith.constant 0 : i32
      %dma_wait3A_450 = tpu.memref_slice %arg12[%dma_wait3A_448, %dma_wait3A_449] : memref<512x32xf32, #tpu.memory_space<vmem>> -> memref<128x32xf32, #tpu.memory_space<vmem>>
      %dma_wait3A_451 = tpu.memref_slice %arg9[%add3A_378] : memref<5120xi32, #tpu.memory_space<vmem>> -> memref<128xi32, #tpu.memory_space<vmem>>
      %dma_wait3A_452 = arith.constant 0 : i32
      %dma_wait3A_453 = arith.constant 0 : i32
      %dma_wait3A_454 = tpu.memref_slice %arg3[%dma_wait3A_452, %dma_wait3A_453] : memref<10000x32xf32, #tpu.memory_space<hbm>> -> memref<10000x32xf32, #tpu.memory_space<hbm>>
      tpu.wait_indirect_dma semaphore(%arg15 : memref<!tpu.dma_semaphore, #tpu.memory_space<semaphore_mem>>) src(%dma_wait3A_454 : memref<10000x32xf32, #tpu.memory_space<hbm>>) dst(%dma_wait3A_450 : memref<128x32xf32, #tpu.memory_space<vmem>>)
      %dma_wait3A_455 = arith.constant 128 : i32
      %dma_wait3A_456 = arith.constant 0 : i32
      %dma_wait3A_457 = tpu.memref_slice %arg10[%dma_wait3A_455, %dma_wait3A_456] : memref<512x32xf32, #tpu.memory_space<vmem>> -> memref<128x32xf32, #tpu.memory_space<vmem>>
      %dma_wait3A_458 = tpu.memref_slice %arg8[%add3A_394] : memref<5120xi32, #tpu.memory_space<vmem>> -> memref<128xi32, #tpu.memory_space<vmem>>
      %dma_wait3A_459 = arith.constant 0 : i32
      %dma_wait3A_460 = arith.constant 0 : i32
      %dma_wait3A_461 = tpu.memref_slice %arg2[%dma_wait3A_459, %dma_wait3A_460] : memref<10000x32xf32, #tpu.memory_space<hbm>> -> memref<10000x32xf32, #tpu.memory_space<hbm>>
      tpu.wait_indirect_dma semaphore(%arg15 : memref<!tpu.dma_semaphore, #tpu.memory_space<semaphore_mem>>) src(%dma_wait3A_461 : memref<10000x32xf32, #tpu.memory_space<hbm>>) dst(%dma_wait3A_457 : memref<128x32xf32, #tpu.memory_space<vmem>>)
      %dma_wait3A_462 = arith.constant 128 : i32
      %dma_wait3A_463 = arith.constant 0 : i32
      %dma_wait3A_464 = tpu.memref_slice %arg12[%dma_wait3A_462, %dma_wait3A_463] : memref<512x32xf32, #tpu.memory_space<vmem>> -> memref<128x32xf32, #tpu.memory_space<vmem>>
      %dma_wait3A_465 = tpu.memref_slice %arg9[%add3A_394] : memref<5120xi32, #tpu.memory_space<vmem>> -> memref<128xi32, #tpu.memory_space<vmem>>
      %dma_wait3A_466 = arith.constant 0 : i32
      %dma_wait3A_467 = arith.constant 0 : i32
      %dma_wait3A_468 = tpu.memref_slice %arg3[%dma_wait3A_466, %dma_wait3A_467] : memref<10000x32xf32, #tpu.memory_space<hbm>> -> memref<10000x32xf32, #tpu.memory_space<hbm>>
      tpu.wait_indirect_dma semaphore(%arg15 : memref<!tpu.dma_semaphore, #tpu.memory_space<semaphore_mem>>) src(%dma_wait3A_468 : memref<10000x32xf32, #tpu.memory_space<hbm>>) dst(%dma_wait3A_464 : memref<128x32xf32, #tpu.memory_space<vmem>>)
      %dma_wait3A_469 = arith.constant 256 : i32
      %dma_wait3A_470 = arith.constant 0 : i32
      %dma_wait3A_471 = tpu.memref_slice %arg10[%dma_wait3A_469, %dma_wait3A_470] : memref<512x32xf32, #tpu.memory_space<vmem>> -> memref<128x32xf32, #tpu.memory_space<vmem>>
      %dma_wait3A_472 = tpu.memref_slice %arg8[%add3A_410] : memref<5120xi32, #tpu.memory_space<vmem>> -> memref<128xi32, #tpu.memory_space<vmem>>
      %dma_wait3A_473 = arith.constant 0 : i32
      %dma_wait3A_474 = arith.constant 0 : i32
      %dma_wait3A_475 = tpu.memref_slice %arg2[%dma_wait3A_473, %dma_wait3A_474] : memref<10000x32xf32, #tpu.memory_space<hbm>> -> memref<10000x32xf32, #tpu.memory_space<hbm>>
      tpu.wait_indirect_dma semaphore(%arg15 : memref<!tpu.dma_semaphore, #tpu.memory_space<semaphore_mem>>) src(%dma_wait3A_475 : memref<10000x32xf32, #tpu.memory_space<hbm>>) dst(%dma_wait3A_471 : memref<128x32xf32, #tpu.memory_space<vmem>>)
      %dma_wait3A_476 = arith.constant 256 : i32
      %dma_wait3A_477 = arith.constant 0 : i32
      %dma_wait3A_478 = tpu.memref_slice %arg12[%dma_wait3A_476, %dma_wait3A_477] : memref<512x32xf32, #tpu.memory_space<vmem>> -> memref<128x32xf32, #tpu.memory_space<vmem>>
      %dma_wait3A_479 = tpu.memref_slice %arg9[%add3A_410] : memref<5120xi32, #tpu.memory_space<vmem>> -> memref<128xi32, #tpu.memory_space<vmem>>
      %dma_wait3A_480 = arith.constant 0 : i32
      %dma_wait3A_481 = arith.constant 0 : i32
      %dma_wait3A_482 = tpu.memref_slice %arg3[%dma_wait3A_480, %dma_wait3A_481] : memref<10000x32xf32, #tpu.memory_space<hbm>> -> memref<10000x32xf32, #tpu.memory_space<hbm>>
      tpu.wait_indirect_dma semaphore(%arg15 : memref<!tpu.dma_semaphore, #tpu.memory_space<semaphore_mem>>) src(%dma_wait3A_482 : memref<10000x32xf32, #tpu.memory_space<hbm>>) dst(%dma_wait3A_478 : memref<128x32xf32, #tpu.memory_space<vmem>>)
      %dma_wait3A_483 = arith.constant 384 : i32
      %dma_wait3A_484 = arith.constant 0 : i32
      %dma_wait3A_485 = tpu.memref_slice %arg10[%dma_wait3A_483, %dma_wait3A_484] : memref<512x32xf32, #tpu.memory_space<vmem>> -> memref<128x32xf32, #tpu.memory_space<vmem>>
      %dma_wait3A_486 = tpu.memref_slice %arg8[%add3A_426] : memref<5120xi32, #tpu.memory_space<vmem>> -> memref<128xi32, #tpu.memory_space<vmem>>
      %dma_wait3A_487 = arith.constant 0 : i32
      %dma_wait3A_488 = arith.constant 0 : i32
      %dma_wait3A_489 = tpu.memref_slice %arg2[%dma_wait3A_487, %dma_wait3A_488] : memref<10000x32xf32, #tpu.memory_space<hbm>> -> memref<10000x32xf32, #tpu.memory_space<hbm>>
      tpu.wait_indirect_dma semaphore(%arg15 : memref<!tpu.dma_semaphore, #tpu.memory_space<semaphore_mem>>) src(%dma_wait3A_489 : memref<10000x32xf32, #tpu.memory_space<hbm>>) dst(%dma_wait3A_485 : memref<128x32xf32, #tpu.memory_space<vmem>>)
      %dma_wait3A_490 = arith.constant 384 : i32
      %dma_wait3A_491 = arith.constant 0 : i32
      %dma_wait3A_492 = tpu.memref_slice %arg12[%dma_wait3A_490, %dma_wait3A_491] : memref<512x32xf32, #tpu.memory_space<vmem>> -> memref<128x32xf32, #tpu.memory_space<vmem>>
      %dma_wait3A_493 = tpu.memref_slice %arg9[%add3A_426] : memref<5120xi32, #tpu.memory_space<vmem>> -> memref<128xi32, #tpu.memory_space<vmem>>
      %dma_wait3A_494 = arith.constant 0 : i32
      %dma_wait3A_495 = arith.constant 0 : i32
      %dma_wait3A_496 = tpu.memref_slice %arg3[%dma_wait3A_494, %dma_wait3A_495] : memref<10000x32xf32, #tpu.memory_space<hbm>> -> memref<10000x32xf32, #tpu.memory_space<hbm>>
      tpu.wait_indirect_dma semaphore(%arg15 : memref<!tpu.dma_semaphore, #tpu.memory_space<semaphore_mem>>) src(%dma_wait3A_496 : memref<10000x32xf32, #tpu.memory_space<hbm>>) dst(%dma_wait3A_492 : memref<128x32xf32, #tpu.memory_space<vmem>>)
      %dma_start3A_497 = arith.constant 0 : i32
      %dma_start3A_498 = tpu.memref_slice %arg6[%add3A_366, %dma_start3A_497] : memref<163840x32xf32, #tpu.memory_space<hbm>> -> memref<512x32xf32, #tpu.memory_space<hbm>>
      %dma_start3A_499 = arith.constant 0 : i32
      %dma_start3A_500 = tpu.memref_slice %arg6[%add3A_366, %dma_start3A_499] : memref<163840x32xf32, #tpu.memory_space<hbm>> -> memref<512x32xf32, #tpu.memory_space<hbm>>
      tpu.enqueue_dma source(%arg10 : memref<512x32xf32, #tpu.memory_space<vmem>>) target(%dma_start3A_500 : memref<512x32xf32, #tpu.memory_space<hbm>>) target_semaphore(%arg16 : memref<!tpu.dma_semaphore, #tpu.memory_space<semaphore_mem>>)
      %dma_start3A_501 = arith.constant 0 : i32
      %dma_start3A_502 = tpu.memref_slice %arg7[%add3A_366, %dma_start3A_501] : memref<163840x32xf32, #tpu.memory_space<hbm>> -> memref<512x32xf32, #tpu.memory_space<hbm>>
      %dma_start3A_503 = arith.constant 0 : i32
      %dma_start3A_504 = tpu.memref_slice %arg7[%add3A_366, %dma_start3A_503] : memref<163840x32xf32, #tpu.memory_space<hbm>> -> memref<512x32xf32, #tpu.memory_space<hbm>>
      tpu.enqueue_dma source(%arg12 : memref<512x32xf32, #tpu.memory_space<vmem>>) target(%dma_start3A_504 : memref<512x32xf32, #tpu.memory_space<hbm>>) target_semaphore(%arg16 : memref<!tpu.dma_semaphore, #tpu.memory_space<semaphore_mem>>)
      %mul3A_505 = arith.constant 2 : i32
      %mul3A_506 = arith.muli %mul3A_505, %while3A_360 : i32
      %add3A_507 = arith.constant 1 : i32
      %add3A_508 = arith.addi %mul3A_506, %add3A_507 : i32
      %mul3A_509 = arith.constant 512 : i32
      %mul3A_510 = arith.muli %add3A_508, %mul3A_509 : i32
      %add3A_511 = arith.addi %select_n3A_8, %mul3A_510 : i32
      %mul3A_512 = arith.constant 512 : i32
      %mul3A_513 = arith.muli %add3A_508, %mul3A_512 : i32
      %dma_wait3A_514 = arith.constant 0 : i32
      %dma_wait3A_515 = tpu.memref_slice %arg6[%add3A_511, %dma_wait3A_514] : memref<163840x32xf32, #tpu.memory_space<hbm>> -> memref<512x32xf32, #tpu.memory_space<hbm>>
      %dma_wait3A_516 = arith.constant 0 : i32
      %dma_wait3A_517 = tpu.memref_slice %arg6[%add3A_511, %dma_wait3A_516] : memref<163840x32xf32, #tpu.memory_space<hbm>> -> memref<512x32xf32, #tpu.memory_space<hbm>>
      tpu.wait_dma2 semaphore(%arg17 : memref<!tpu.dma_semaphore, #tpu.memory_space<semaphore_mem>>) src(%arg11 : memref<512x32xf32, #tpu.memory_space<vmem>>) dst(%dma_wait3A_517 : memref<512x32xf32, #tpu.memory_space<hbm>>)
      %dma_wait3A_518 = arith.constant 0 : i32
      %dma_wait3A_519 = tpu.memref_slice %arg7[%add3A_511, %dma_wait3A_518] : memref<163840x32xf32, #tpu.memory_space<hbm>> -> memref<512x32xf32, #tpu.memory_space<hbm>>
      %dma_wait3A_520 = arith.constant 0 : i32
      %dma_wait3A_521 = tpu.memref_slice %arg7[%add3A_511, %dma_wait3A_520] : memref<163840x32xf32, #tpu.memory_space<hbm>> -> memref<512x32xf32, #tpu.memory_space<hbm>>
      tpu.wait_dma2 semaphore(%arg17 : memref<!tpu.dma_semaphore, #tpu.memory_space<semaphore_mem>>) src(%arg13 : memref<512x32xf32, #tpu.memory_space<vmem>>) dst(%dma_wait3A_521 : memref<512x32xf32, #tpu.memory_space<hbm>>)
      %add3A_522 = arith.constant 0 : i32
      %add3A_523 = arith.addi %mul3A_513, %add3A_522 : i32
      %dma_start3A_524 = arith.constant 0 : i32
      %dma_start3A_525 = arith.constant 0 : i32
      %dma_start3A_526 = tpu.memref_slice %arg11[%dma_start3A_524, %dma_start3A_525] : memref<512x32xf32, #tpu.memory_space<vmem>> -> memref<128x32xf32, #tpu.memory_space<vmem>>
      %dma_start3A_527 = tpu.memref_slice %arg8[%add3A_523] : memref<5120xi32, #tpu.memory_space<vmem>> -> memref<128xi32, #tpu.memory_space<vmem>>
      %dma_start3A_528 = arith.constant 0 : i32
      %dma_start3A_529 = arith.constant 0 : i32
      %dma_start3A_530 = tpu.memref_slice %arg2[%dma_start3A_528, %dma_start3A_529] : memref<10000x32xf32, #tpu.memory_space<hbm>> -> memref<10000x32xf32, #tpu.memory_space<hbm>>
      tpu.enqueue_indirect_dma source(%dma_start3A_530 : memref<10000x32xf32, #tpu.memory_space<hbm>>) target(%dma_start3A_526 : memref<128x32xf32, #tpu.memory_space<vmem>>) offsets(%dma_start3A_527 : memref<128xi32, #tpu.memory_space<vmem>>) semaphore(%arg15 : memref<!tpu.dma_semaphore, #tpu.memory_space<semaphore_mem>>)
      %dma_start3A_531 = arith.constant 0 : i32
      %dma_start3A_532 = arith.constant 0 : i32
      %dma_start3A_533 = tpu.memref_slice %arg13[%dma_start3A_531, %dma_start3A_532] : memref<512x32xf32, #tpu.memory_space<vmem>> -> memref<128x32xf32, #tpu.memory_space<vmem>>
      %dma_start3A_534 = tpu.memref_slice %arg9[%add3A_523] : memref<5120xi32, #tpu.memory_space<vmem>> -> memref<128xi32, #tpu.memory_space<vmem>>
      %dma_start3A_535 = arith.constant 0 : i32
      %dma_start3A_536 = arith.constant 0 : i32
      %dma_start3A_537 = tpu.memref_slice %arg3[%dma_start3A_535, %dma_start3A_536] : memref<10000x32xf32, #tpu.memory_space<hbm>> -> memref<10000x32xf32, #tpu.memory_space<hbm>>
      tpu.enqueue_indirect_dma source(%dma_start3A_537 : memref<10000x32xf32, #tpu.memory_space<hbm>>) target(%dma_start3A_533 : memref<128x32xf32, #tpu.memory_space<vmem>>) offsets(%dma_start3A_534 : memref<128xi32, #tpu.memory_space<vmem>>) semaphore(%arg15 : memref<!tpu.dma_semaphore, #tpu.memory_space<semaphore_mem>>)
      %add3A_538 = arith.constant 128 : i32
      %add3A_539 = arith.addi %mul3A_513, %add3A_538 : i32
      %dma_start3A_540 = arith.constant 128 : i32
      %dma_start3A_541 = arith.constant 0 : i32
      %dma_start3A_542 = tpu.memref_slice %arg11[%dma_start3A_540, %dma_start3A_541] : memref<512x32xf32, #tpu.memory_space<vmem>> -> memref<128x32xf32, #tpu.memory_space<vmem>>
      %dma_start3A_543 = tpu.memref_slice %arg8[%add3A_539] : memref<5120xi32, #tpu.memory_space<vmem>> -> memref<128xi32, #tpu.memory_space<vmem>>
      %dma_start3A_544 = arith.constant 0 : i32
      %dma_start3A_545 = arith.constant 0 : i32
      %dma_start3A_546 = tpu.memref_slice %arg2[%dma_start3A_544, %dma_start3A_545] : memref<10000x32xf32, #tpu.memory_space<hbm>> -> memref<10000x32xf32, #tpu.memory_space<hbm>>
      tpu.enqueue_indirect_dma source(%dma_start3A_546 : memref<10000x32xf32, #tpu.memory_space<hbm>>) target(%dma_start3A_542 : memref<128x32xf32, #tpu.memory_space<vmem>>) offsets(%dma_start3A_543 : memref<128xi32, #tpu.memory_space<vmem>>) semaphore(%arg15 : memref<!tpu.dma_semaphore, #tpu.memory_space<semaphore_mem>>)
      %dma_start3A_547 = arith.constant 128 : i32
      %dma_start3A_548 = arith.constant 0 : i32
      %dma_start3A_549 = tpu.memref_slice %arg13[%dma_start3A_547, %dma_start3A_548] : memref<512x32xf32, #tpu.memory_space<vmem>> -> memref<128x32xf32, #tpu.memory_space<vmem>>
      %dma_start3A_550 = tpu.memref_slice %arg9[%add3A_539] : memref<5120xi32, #tpu.memory_space<vmem>> -> memref<128xi32, #tpu.memory_space<vmem>>
      %dma_start3A_551 = arith.constant 0 : i32
      %dma_start3A_552 = arith.constant 0 : i32
      %dma_start3A_553 = tpu.memref_slice %arg3[%dma_start3A_551, %dma_start3A_552] : memref<10000x32xf32, #tpu.memory_space<hbm>> -> memref<10000x32xf32, #tpu.memory_space<hbm>>
      tpu.enqueue_indirect_dma source(%dma_start3A_553 : memref<10000x32xf32, #tpu.memory_space<hbm>>) target(%dma_start3A_549 : memref<128x32xf32, #tpu.memory_space<vmem>>) offsets(%dma_start3A_550 : memref<128xi32, #tpu.memory_space<vmem>>) semaphore(%arg15 : memref<!tpu.dma_semaphore, #tpu.memory_space<semaphore_mem>>)
      %add3A_554 = arith.constant 256 : i32
      %add3A_555 = arith.addi %mul3A_513, %add3A_554 : i32
      %dma_start3A_556 = arith.constant 256 : i32
      %dma_start3A_557 = arith.constant 0 : i32
      %dma_start3A_558 = tpu.memref_slice %arg11[%dma_start3A_556, %dma_start3A_557] : memref<512x32xf32, #tpu.memory_space<vmem>> -> memref<128x32xf32, #tpu.memory_space<vmem>>
      %dma_start3A_559 = tpu.memref_slice %arg8[%add3A_555] : memref<5120xi32, #tpu.memory_space<vmem>> -> memref<128xi32, #tpu.memory_space<vmem>>
      %dma_start3A_560 = arith.constant 0 : i32
      %dma_start3A_561 = arith.constant 0 : i32
      %dma_start3A_562 = tpu.memref_slice %arg2[%dma_start3A_560, %dma_start3A_561] : memref<10000x32xf32, #tpu.memory_space<hbm>> -> memref<10000x32xf32, #tpu.memory_space<hbm>>
      tpu.enqueue_indirect_dma source(%dma_start3A_562 : memref<10000x32xf32, #tpu.memory_space<hbm>>) target(%dma_start3A_558 : memref<128x32xf32, #tpu.memory_space<vmem>>) offsets(%dma_start3A_559 : memref<128xi32, #tpu.memory_space<vmem>>) semaphore(%arg15 : memref<!tpu.dma_semaphore, #tpu.memory_space<semaphore_mem>>)
      %dma_start3A_563 = arith.constant 256 : i32
      %dma_start3A_564 = arith.constant 0 : i32
      %dma_start3A_565 = tpu.memref_slice %arg13[%dma_start3A_563, %dma_start3A_564] : memref<512x32xf32, #tpu.memory_space<vmem>> -> memref<128x32xf32, #tpu.memory_space<vmem>>
      %dma_start3A_566 = tpu.memref_slice %arg9[%add3A_555] : memref<5120xi32, #tpu.memory_space<vmem>> -> memref<128xi32, #tpu.memory_space<vmem>>
      %dma_start3A_567 = arith.constant 0 : i32
      %dma_start3A_568 = arith.constant 0 : i32
      %dma_start3A_569 = tpu.memref_slice %arg3[%dma_start3A_567, %dma_start3A_568] : memref<10000x32xf32, #tpu.memory_space<hbm>> -> memref<10000x32xf32, #tpu.memory_space<hbm>>
      tpu.enqueue_indirect_dma source(%dma_start3A_569 : memref<10000x32xf32, #tpu.memory_space<hbm>>) target(%dma_start3A_565 : memref<128x32xf32, #tpu.memory_space<vmem>>) offsets(%dma_start3A_566 : memref<128xi32, #tpu.memory_space<vmem>>) semaphore(%arg15 : memref<!tpu.dma_semaphore, #tpu.memory_space<semaphore_mem>>)
      %add3A_570 = arith.constant 384 : i32
      %add3A_571 = arith.addi %mul3A_513, %add3A_570 : i32
      %dma_start3A_572 = arith.constant 384 : i32
      %dma_start3A_573 = arith.constant 0 : i32
      %dma_start3A_574 = tpu.memref_slice %arg11[%dma_start3A_572, %dma_start3A_573] : memref<512x32xf32, #tpu.memory_space<vmem>> -> memref<128x32xf32, #tpu.memory_space<vmem>>
      %dma_start3A_575 = tpu.memref_slice %arg8[%add3A_571] : memref<5120xi32, #tpu.memory_space<vmem>> -> memref<128xi32, #tpu.memory_space<vmem>>
      %dma_start3A_576 = arith.constant 0 : i32
      %dma_start3A_577 = arith.constant 0 : i32
      %dma_start3A_578 = tpu.memref_slice %arg2[%dma_start3A_576, %dma_start3A_577] : memref<10000x32xf32, #tpu.memory_space<hbm>> -> memref<10000x32xf32, #tpu.memory_space<hbm>>
      tpu.enqueue_indirect_dma source(%dma_start3A_578 : memref<10000x32xf32, #tpu.memory_space<hbm>>) target(%dma_start3A_574 : memref<128x32xf32, #tpu.memory_space<vmem>>) offsets(%dma_start3A_575 : memref<128xi32, #tpu.memory_space<vmem>>) semaphore(%arg15 : memref<!tpu.dma_semaphore, #tpu.memory_space<semaphore_mem>>)
      %dma_start3A_579 = arith.constant 384 : i32
      %dma_start3A_580 = arith.constant 0 : i32
      %dma_start3A_581 = tpu.memref_slice %arg13[%dma_start3A_579, %dma_start3A_580] : memref<512x32xf32, #tpu.memory_space<vmem>> -> memref<128x32xf32, #tpu.memory_space<vmem>>
      %dma_start3A_582 = tpu.memref_slice %arg9[%add3A_571] : memref<5120xi32, #tpu.memory_space<vmem>> -> memref<128xi32, #tpu.memory_space<vmem>>
      %dma_start3A_583 = arith.constant 0 : i32
      %dma_start3A_584 = arith.constant 0 : i32
      %dma_start3A_585 = tpu.memref_slice %arg3[%dma_start3A_583, %dma_start3A_584] : memref<10000x32xf32, #tpu.memory_space<hbm>> -> memref<10000x32xf32, #tpu.memory_space<hbm>>
      tpu.enqueue_indirect_dma source(%dma_start3A_585 : memref<10000x32xf32, #tpu.memory_space<hbm>>) target(%dma_start3A_581 : memref<128x32xf32, #tpu.memory_space<vmem>>) offsets(%dma_start3A_582 : memref<128xi32, #tpu.memory_space<vmem>>) semaphore(%arg15 : memref<!tpu.dma_semaphore, #tpu.memory_space<semaphore_mem>>)
      %dma_wait3A_586 = arith.constant 0 : i32
      %dma_wait3A_587 = arith.constant 0 : i32
      %dma_wait3A_588 = tpu.memref_slice %arg11[%dma_wait3A_586, %dma_wait3A_587] : memref<512x32xf32, #tpu.memory_space<vmem>> -> memref<128x32xf32, #tpu.memory_space<vmem>>
      %dma_wait3A_589 = tpu.memref_slice %arg8[%add3A_523] : memref<5120xi32, #tpu.memory_space<vmem>> -> memref<128xi32, #tpu.memory_space<vmem>>
      %dma_wait3A_590 = arith.constant 0 : i32
      %dma_wait3A_591 = arith.constant 0 : i32
      %dma_wait3A_592 = tpu.memref_slice %arg2[%dma_wait3A_590, %dma_wait3A_591] : memref<10000x32xf32, #tpu.memory_space<hbm>> -> memref<10000x32xf32, #tpu.memory_space<hbm>>
      tpu.wait_indirect_dma semaphore(%arg15 : memref<!tpu.dma_semaphore, #tpu.memory_space<semaphore_mem>>) src(%dma_wait3A_592 : memref<10000x32xf32, #tpu.memory_space<hbm>>) dst(%dma_wait3A_588 : memref<128x32xf32, #tpu.memory_space<vmem>>)
      %dma_wait3A_593 = arith.constant 0 : i32
      %dma_wait3A_594 = arith.constant 0 : i32
      %dma_wait3A_595 = tpu.memref_slice %arg13[%dma_wait3A_593, %dma_wait3A_594] : memref<512x32xf32, #tpu.memory_space<vmem>> -> memref<128x32xf32, #tpu.memory_space<vmem>>
      %dma_wait3A_596 = tpu.memref_slice %arg9[%add3A_523] : memref<5120xi32, #tpu.memory_space<vmem>> -> memref<128xi32, #tpu.memory_space<vmem>>
      %dma_wait3A_597 = arith.constant 0 : i32
      %dma_wait3A_598 = arith.constant 0 : i32
      %dma_wait3A_599 = tpu.memref_slice %arg3[%dma_wait3A_597, %dma_wait3A_598] : memref<10000x32xf32, #tpu.memory_space<hbm>> -> memref<10000x32xf32, #tpu.memory_space<hbm>>
      tpu.wait_indirect_dma semaphore(%arg15 : memref<!tpu.dma_semaphore, #tpu.memory_space<semaphore_mem>>) src(%dma_wait3A_599 : memref<10000x32xf32, #tpu.memory_space<hbm>>) dst(%dma_wait3A_595 : memref<128x32xf32, #tpu.memory_space<vmem>>)
      %dma_wait3A_600 = arith.constant 128 : i32
      %dma_wait3A_601 = arith.constant 0 : i32
      %dma_wait3A_602 = tpu.memref_slice %arg11[%dma_wait3A_600, %dma_wait3A_601] : memref<512x32xf32, #tpu.memory_space<vmem>> -> memref<128x32xf32, #tpu.memory_space<vmem>>
      %dma_wait3A_603 = tpu.memref_slice %arg8[%add3A_539] : memref<5120xi32, #tpu.memory_space<vmem>> -> memref<128xi32, #tpu.memory_space<vmem>>
      %dma_wait3A_604 = arith.constant 0 : i32
      %dma_wait3A_605 = arith.constant 0 : i32
      %dma_wait3A_606 = tpu.memref_slice %arg2[%dma_wait3A_604, %dma_wait3A_605] : memref<10000x32xf32, #tpu.memory_space<hbm>> -> memref<10000x32xf32, #tpu.memory_space<hbm>>
      tpu.wait_indirect_dma semaphore(%arg15 : memref<!tpu.dma_semaphore, #tpu.memory_space<semaphore_mem>>) src(%dma_wait3A_606 : memref<10000x32xf32, #tpu.memory_space<hbm>>) dst(%dma_wait3A_602 : memref<128x32xf32, #tpu.memory_space<vmem>>)
      %dma_wait3A_607 = arith.constant 128 : i32
      %dma_wait3A_608 = arith.constant 0 : i32
      %dma_wait3A_609 = tpu.memref_slice %arg13[%dma_wait3A_607, %dma_wait3A_608] : memref<512x32xf32, #tpu.memory_space<vmem>> -> memref<128x32xf32, #tpu.memory_space<vmem>>
      %dma_wait3A_610 = tpu.memref_slice %arg9[%add3A_539] : memref<5120xi32, #tpu.memory_space<vmem>> -> memref<128xi32, #tpu.memory_space<vmem>>
      %dma_wait3A_611 = arith.constant 0 : i32
      %dma_wait3A_612 = arith.constant 0 : i32
      %dma_wait3A_613 = tpu.memref_slice %arg3[%dma_wait3A_611, %dma_wait3A_612] : memref<10000x32xf32, #tpu.memory_space<hbm>> -> memref<10000x32xf32, #tpu.memory_space<hbm>>
      tpu.wait_indirect_dma semaphore(%arg15 : memref<!tpu.dma_semaphore, #tpu.memory_space<semaphore_mem>>) src(%dma_wait3A_613 : memref<10000x32xf32, #tpu.memory_space<hbm>>) dst(%dma_wait3A_609 : memref<128x32xf32, #tpu.memory_space<vmem>>)
      %dma_wait3A_614 = arith.constant 256 : i32
      %dma_wait3A_615 = arith.constant 0 : i32
      %dma_wait3A_616 = tpu.memref_slice %arg11[%dma_wait3A_614, %dma_wait3A_615] : memref<512x32xf32, #tpu.memory_space<vmem>> -> memref<128x32xf32, #tpu.memory_space<vmem>>
      %dma_wait3A_617 = tpu.memref_slice %arg8[%add3A_555] : memref<5120xi32, #tpu.memory_space<vmem>> -> memref<128xi32, #tpu.memory_space<vmem>>
      %dma_wait3A_618 = arith.constant 0 : i32
      %dma_wait3A_619 = arith.constant 0 : i32
      %dma_wait3A_620 = tpu.memref_slice %arg2[%dma_wait3A_618, %dma_wait3A_619] : memref<10000x32xf32, #tpu.memory_space<hbm>> -> memref<10000x32xf32, #tpu.memory_space<hbm>>
      tpu.wait_indirect_dma semaphore(%arg15 : memref<!tpu.dma_semaphore, #tpu.memory_space<semaphore_mem>>) src(%dma_wait3A_620 : memref<10000x32xf32, #tpu.memory_space<hbm>>) dst(%dma_wait3A_616 : memref<128x32xf32, #tpu.memory_space<vmem>>)
      %dma_wait3A_621 = arith.constant 256 : i32
      %dma_wait3A_622 = arith.constant 0 : i32
      %dma_wait3A_623 = tpu.memref_slice %arg13[%dma_wait3A_621, %dma_wait3A_622] : memref<512x32xf32, #tpu.memory_space<vmem>> -> memref<128x32xf32, #tpu.memory_space<vmem>>
      %dma_wait3A_624 = tpu.memref_slice %arg9[%add3A_555] : memref<5120xi32, #tpu.memory_space<vmem>> -> memref<128xi32, #tpu.memory_space<vmem>>
      %dma_wait3A_625 = arith.constant 0 : i32
      %dma_wait3A_626 = arith.constant 0 : i32
      %dma_wait3A_627 = tpu.memref_slice %arg3[%dma_wait3A_625, %dma_wait3A_626] : memref<10000x32xf32, #tpu.memory_space<hbm>> -> memref<10000x32xf32, #tpu.memory_space<hbm>>
      tpu.wait_indirect_dma semaphore(%arg15 : memref<!tpu.dma_semaphore, #tpu.memory_space<semaphore_mem>>) src(%dma_wait3A_627 : memref<10000x32xf32, #tpu.memory_space<hbm>>) dst(%dma_wait3A_623 : memref<128x32xf32, #tpu.memory_space<vmem>>)
      %dma_wait3A_628 = arith.constant 384 : i32
      %dma_wait3A_629 = arith.constant 0 : i32
      %dma_wait3A_630 = tpu.memref_slice %arg11[%dma_wait3A_628, %dma_wait3A_629] : memref<512x32xf32, #tpu.memory_space<vmem>> -> memref<128x32xf32, #tpu.memory_space<vmem>>
      %dma_wait3A_631 = tpu.memref_slice %arg8[%add3A_571] : memref<5120xi32, #tpu.memory_space<vmem>> -> memref<128xi32, #tpu.memory_space<vmem>>
      %dma_wait3A_632 = arith.constant 0 : i32
      %dma_wait3A_633 = arith.constant 0 : i32
      %dma_wait3A_634 = tpu.memref_slice %arg2[%dma_wait3A_632, %dma_wait3A_633] : memref<10000x32xf32, #tpu.memory_space<hbm>> -> memref<10000x32xf32, #tpu.memory_space<hbm>>
      tpu.wait_indirect_dma semaphore(%arg15 : memref<!tpu.dma_semaphore, #tpu.memory_space<semaphore_mem>>) src(%dma_wait3A_634 : memref<10000x32xf32, #tpu.memory_space<hbm>>) dst(%dma_wait3A_630 : memref<128x32xf32, #tpu.memory_space<vmem>>)
      %dma_wait3A_635 = arith.constant 384 : i32
      %dma_wait3A_636 = arith.constant 0 : i32
      %dma_wait3A_637 = tpu.memref_slice %arg13[%dma_wait3A_635, %dma_wait3A_636] : memref<512x32xf32, #tpu.memory_space<vmem>> -> memref<128x32xf32, #tpu.memory_space<vmem>>
      %dma_wait3A_638 = tpu.memref_slice %arg9[%add3A_571] : memref<5120xi32, #tpu.memory_space<vmem>> -> memref<128xi32, #tpu.memory_space<vmem>>
      %dma_wait3A_639 = arith.constant 0 : i32
      %dma_wait3A_640 = arith.constant 0 : i32
      %dma_wait3A_641 = tpu.memref_slice %arg3[%dma_wait3A_639, %dma_wait3A_640] : memref<10000x32xf32, #tpu.memory_space<hbm>> -> memref<10000x32xf32, #tpu.memory_space<hbm>>
      tpu.wait_indirect_dma semaphore(%arg15 : memref<!tpu.dma_semaphore, #tpu.memory_space<semaphore_mem>>) src(%dma_wait3A_641 : memref<10000x32xf32, #tpu.memory_space<hbm>>) dst(%dma_wait3A_637 : memref<128x32xf32, #tpu.memory_space<vmem>>)
      %dma_start3A_642 = arith.constant 0 : i32
      %dma_start3A_643 = tpu.memref_slice %arg6[%add3A_511, %dma_start3A_642] : memref<163840x32xf32, #tpu.memory_space<hbm>> -> memref<512x32xf32, #tpu.memory_space<hbm>>
      %dma_start3A_644 = arith.constant 0 : i32
      %dma_start3A_645 = tpu.memref_slice %arg6[%add3A_511, %dma_start3A_644] : memref<163840x32xf32, #tpu.memory_space<hbm>> -> memref<512x32xf32, #tpu.memory_space<hbm>>
      tpu.enqueue_dma source(%arg11 : memref<512x32xf32, #tpu.memory_space<vmem>>) target(%dma_start3A_645 : memref<512x32xf32, #tpu.memory_space<hbm>>) target_semaphore(%arg17 : memref<!tpu.dma_semaphore, #tpu.memory_space<semaphore_mem>>)
      %dma_start3A_646 = arith.constant 0 : i32
      %dma_start3A_647 = tpu.memref_slice %arg7[%add3A_511, %dma_start3A_646] : memref<163840x32xf32, #tpu.memory_space<hbm>> -> memref<512x32xf32, #tpu.memory_space<hbm>>
      %dma_start3A_648 = arith.constant 0 : i32
      %dma_start3A_649 = tpu.memref_slice %arg7[%add3A_511, %dma_start3A_648] : memref<163840x32xf32, #tpu.memory_space<hbm>> -> memref<512x32xf32, #tpu.memory_space<hbm>>
      tpu.enqueue_dma source(%arg13 : memref<512x32xf32, #tpu.memory_space<vmem>>) target(%dma_start3A_649 : memref<512x32xf32, #tpu.memory_space<hbm>>) target_semaphore(%arg17 : memref<!tpu.dma_semaphore, #tpu.memory_space<semaphore_mem>>)
      %while3A_650 = arith.constant 0 : i32
      scf.yield %while3A_650 : i32
    }
    %dma_wait3A_344 = arith.constant 0 : i32
    %dma_wait3A_345 = tpu.memref_slice %arg6[%select_n3A_8, %dma_wait3A_344] : memref<163840x32xf32, #tpu.memory_space<hbm>> -> memref<512x32xf32, #tpu.memory_space<hbm>>
    %dma_wait3A_346 = arith.constant 0 : i32
    %dma_wait3A_347 = tpu.memref_slice %arg6[%select_n3A_8, %dma_wait3A_346] : memref<163840x32xf32, #tpu.memory_space<hbm>> -> memref<512x32xf32, #tpu.memory_space<hbm>>
    tpu.wait_dma2 semaphore(%arg16 : memref<!tpu.dma_semaphore, #tpu.memory_space<semaphore_mem>>) src(%arg10 : memref<512x32xf32, #tpu.memory_space<vmem>>) dst(%dma_wait3A_347 : memref<512x32xf32, #tpu.memory_space<hbm>>)
    %dma_wait3A_348 = arith.constant 0 : i32
    %dma_wait3A_349 = tpu.memref_slice %arg7[%select_n3A_8, %dma_wait3A_348] : memref<163840x32xf32, #tpu.memory_space<hbm>> -> memref<512x32xf32, #tpu.memory_space<hbm>>
    %dma_wait3A_350 = arith.constant 0 : i32
    %dma_wait3A_351 = tpu.memref_slice %arg7[%select_n3A_8, %dma_wait3A_350] : memref<163840x32xf32, #tpu.memory_space<hbm>> -> memref<512x32xf32, #tpu.memory_space<hbm>>
    tpu.wait_dma2 semaphore(%arg16 : memref<!tpu.dma_semaphore, #tpu.memory_space<semaphore_mem>>) src(%arg12 : memref<512x32xf32, #tpu.memory_space<vmem>>) dst(%dma_wait3A_351 : memref<512x32xf32, #tpu.memory_space<hbm>>)
    %dma_wait3A_352 = arith.constant 0 : i32
    %dma_wait3A_353 = tpu.memref_slice %arg6[%select_n3A_8, %dma_wait3A_352] : memref<163840x32xf32, #tpu.memory_space<hbm>> -> memref<512x32xf32, #tpu.memory_space<hbm>>
    %dma_wait3A_354 = arith.constant 0 : i32
    %dma_wait3A_355 = tpu.memref_slice %arg6[%select_n3A_8, %dma_wait3A_354] : memref<163840x32xf32, #tpu.memory_space<hbm>> -> memref<512x32xf32, #tpu.memory_space<hbm>>
    tpu.wait_dma2 semaphore(%arg17 : memref<!tpu.dma_semaphore, #tpu.memory_space<semaphore_mem>>) src(%arg11 : memref<512x32xf32, #tpu.memory_space<vmem>>) dst(%dma_wait3A_355 : memref<512x32xf32, #tpu.memory_space<hbm>>)
    %dma_wait3A_356 = arith.constant 0 : i32
    %dma_wait3A_357 = tpu.memref_slice %arg7[%select_n3A_8, %dma_wait3A_356] : memref<163840x32xf32, #tpu.memory_space<hbm>> -> memref<512x32xf32, #tpu.memory_space<hbm>>
    %dma_wait3A_358 = arith.constant 0 : i32
    %dma_wait3A_359 = tpu.memref_slice %arg7[%select_n3A_8, %dma_wait3A_358] : memref<163840x32xf32, #tpu.memory_space<hbm>> -> memref<512x32xf32, #tpu.memory_space<hbm>>
    tpu.wait_dma2 semaphore(%arg17 : memref<!tpu.dma_semaphore, #tpu.memory_space<semaphore_mem>>) src(%arg13 : memref<512x32xf32, #tpu.memory_space<vmem>>) dst(%dma_wait3A_359 : memref<512x32xf32, #tpu.memory_space<hbm>>)
    return
  }
}

module attributes {stable_mosaic.version = 14 : i64} {
  func.func @_precompute_body(%arg0: memref<2500x512xf32, #tpu.memory_space<vmem>>, %arg1: memref<512x128xf32, #tpu.memory_space<vmem>>, %arg2: memref<512x128xf32, #tpu.memory_space<vmem>>, %arg3: memref<1x128xf32, #tpu.memory_space<vmem>>, %arg4: memref<2500x128xf32, #tpu.memory_space<vmem>>, %arg5: memref<2500x128xf32, #tpu.memory_space<vmem>>) attributes {dimension_semantics = [], scalar_prefetch = 0 : i64, scratch_operands = 0 : i64, tpu.core_type = #tpu.core_type<tc>} {
    %get3A = arith.constant 0 : index
    %get3A_0 = arith.constant 0 : index
    %get3A_1 = vector.load %arg0[%get3A, %get3A_0] : memref<2500x512xf32, #tpu.memory_space<vmem>>, vector<2500x512xf32>
    %get3A_2 = arith.constant 0 : index
    %get3A_3 = arith.constant 0 : index
    %get3A_4 = vector.load %arg1[%get3A_2, %get3A_3] : memref<512x128xf32, #tpu.memory_space<vmem>>, vector<512x128xf32>
    %dot_general3A = arith.constant dense<0.000000e+00> : vector<2500x128xf32>
    %dot_general3A_5 = tpu.matmul %get3A_1, %get3A_4, %dot_general3A {dimension_numbers = #tpu.dot_dimension_numbers<[1], [0], [0], [1], [0, 0, 1, 1], [], []>, precision = #tpu.contract_precision<fp32>, transpose_lhs_hint = false} : vector<2500x512xf32>, vector<512x128xf32>, vector<2500x128xf32> -> vector<2500x128xf32>
    %swap3A = arith.constant 0 : index
    %swap3A_6 = arith.constant 0 : index
    %swap3A_7 = vector.load %arg4[%swap3A, %swap3A_6] : memref<2500x128xf32, #tpu.memory_space<vmem>>, vector<2500x128xf32>
    tpu.vector_store %arg4[%swap3A, %swap3A_6], %dot_general3A_5 {strides = array<i32>} : memref<2500x128xf32, #tpu.memory_space<vmem>>, vector<2500x128xf32>,
    %get3A_8 = arith.constant 0 : index
    %get3A_9 = arith.constant 0 : index
    %get3A_10 = vector.load %arg2[%get3A_8, %get3A_9] : memref<512x128xf32, #tpu.memory_space<vmem>>, vector<512x128xf32>
    %dot_general3A_11 = arith.constant dense<0.000000e+00> : vector<2500x128xf32>
    %dot_general3A_12 = tpu.matmul %get3A_1, %get3A_10, %dot_general3A_11 {dimension_numbers = #tpu.dot_dimension_numbers<[1], [0], [0], [1], [0, 0, 1, 1], [], []>, precision = #tpu.contract_precision<fp32>, transpose_lhs_hint = false} : vector<2500x512xf32>, vector<512x128xf32>, vector<2500x128xf32> -> vector<2500x128xf32>
    %get3A_13 = arith.constant 0 : index
    %get3A_14 = arith.constant 0 : index
    %get3A_15 = vector.load %arg3[%get3A_13, %get3A_14] : memref<1x128xf32, #tpu.memory_space<vmem>>, vector<1x128xf32>
    %add3A = vector.broadcast %get3A_15 : vector<1x128xf32> to vector<2500x128xf32>
    %add3A_16 = arith.addf %dot_general3A_12, %add3A : vector<2500x128xf32>
    %swap3A_17 = arith.constant 0 : index
    %swap3A_18 = arith.constant 0 : index
    %swap3A_19 = vector.load %arg5[%swap3A_17, %swap3A_18] : memref<2500x128xf32, #tpu.memory_space<vmem>>, vector<2500x128xf32>
    tpu.vector_store %arg5[%swap3A_17, %swap3A_18], %add3A_16 {strides = array<i32>} : memref<2500x128xf32, #tpu.memory_space<vmem>>, vector<2500x128xf32>,
    return
  }
}

module attributes {stable_mosaic.version = 14 : i64} {
  func.func @_edge_mlp_body(%arg0: i32, %arg1: memref<2048x128xf32, #tpu.memory_space<vmem>>, %arg2: memref<2048x128xf32, #tpu.memory_space<vmem>>, %arg3: memref<2048x128xf32, #tpu.memory_space<vmem>>, %arg4: memref<128x128xf32, #tpu.memory_space<vmem>>, %arg5: memref<1x128xf32, #tpu.memory_space<vmem>>, %arg6: memref<2048x128xf32, #tpu.memory_space<vmem>>) attributes {dimension_semantics = [#tpu.dimension_semantics<arbitrary>], iteration_bounds = array<i64: 20>, scalar_prefetch = 0 : i64, scratch_operands = 0 : i64, tpu.core_type = #tpu.core_type<tc>, window_params = [{transform_indices = @transform_0, window_bounds = array<i64: 2048, 128>}, {transform_indices = @transform_1, window_bounds = array<i64: 2048, 128>}, {transform_indices = @transform_2, window_bounds = array<i64: 2048, 128>}, {pipeline_mode = #tpu.pipeline_mode<synchronous>, transform_indices = @transform_3, window_bounds = array<i64: 128, 128>}, {pipeline_mode = #tpu.pipeline_mode<synchronous>, transform_indices = @transform_4, window_bounds = array<i64: 1, 128>}, {transform_indices = @transform_5, window_bounds = array<i64: 2048, 128>}]} {
    %get3A = arith.constant 0 : index
    %get3A_0 = arith.constant 0 : index
    %get3A_1 = vector.load %arg1[%get3A, %get3A_0] : memref<2048x128xf32, #tpu.memory_space<vmem>>, vector<2048x128xf32>
    %get3A_2 = arith.constant 0 : index
    %get3A_3 = arith.constant 0 : index
    %get3A_4 = vector.load %arg2[%get3A_2, %get3A_3] : memref<2048x128xf32, #tpu.memory_space<vmem>>, vector<2048x128xf32>
    %add3A = arith.addf %get3A_1, %get3A_4 : vector<2048x128xf32>
    %get3A_5 = arith.constant 0 : index
    %get3A_6 = arith.constant 0 : index
    %get3A_7 = vector.load %arg3[%get3A_5, %get3A_6] : memref<2048x128xf32, #tpu.memory_space<vmem>>, vector<2048x128xf32>
    %add3A_8 = arith.addf %add3A, %get3A_7 : vector<2048x128xf32>
    %logistic3A = arith.negf %add3A_8 : vector<2048x128xf32>
    %logistic3A_9 = math.exp %logistic3A : vector<2048x128xf32>
    %logistic3A_10 = arith.constant 1.000000e+00 : f32
    %logistic3A_11 = vector.broadcast %logistic3A_10 : f32 to vector<2048x128xf32>
    %logistic3A_12 = arith.addf %logistic3A_11, %logistic3A_9 : vector<2048x128xf32>
    %logistic3A_13 = arith.divf %logistic3A_11, %logistic3A_12 : vector<2048x128xf32>
    %get3A_14 = arith.constant 0 : index
    %get3A_15 = arith.constant 0 : index
    %get3A_16 = vector.load %arg4[%get3A_14, %get3A_15] : memref<128x128xf32, #tpu.memory_space<vmem>>, vector<128x128xf32>
    %dot_general3A = arith.constant dense<0.000000e+00> : vector<2048x128xf32>
    %dot_general3A_17 = tpu.matmul %logistic3A_13, %get3A_16, %dot_general3A {dimension_numbers = #tpu.dot_dimension_numbers<[1], [0], [0], [1], [0, 0, 1, 1], [], []>, precision = #tpu.contract_precision<fp32>, transpose_lhs_hint = false} : vector<2048x128xf32>, vector<128x128xf32>, vector<2048x128xf32> -> vector<2048x128xf32>
    %get3A_18 = arith.constant 0 : index
    %get3A_19 = arith.constant 0 : index
    %get3A_20 = vector.load %arg5[%get3A_18, %get3A_19] : memref<1x128xf32, #tpu.memory_space<vmem>>, vector<1x128xf32>
    %add3A_21 = vector.broadcast %get3A_20 : vector<1x128xf32> to vector<2048x128xf32>
    %add3A_22 = arith.addf %dot_general3A_17, %add3A_21 : vector<2048x128xf32>
    %logistic3A_23 = arith.negf %add3A_22 : vector<2048x128xf32>
    %logistic3A_24 = math.exp %logistic3A_23 : vector<2048x128xf32>
    %logistic3A_25 = arith.constant 1.000000e+00 : f32
    %logistic3A_26 = vector.broadcast %logistic3A_25 : f32 to vector<2048x128xf32>
    %logistic3A_27 = arith.addf %logistic3A_26, %logistic3A_24 : vector<2048x128xf32>
    %logistic3A_28 = arith.divf %logistic3A_26, %logistic3A_27 : vector<2048x128xf32>
    %swap3A = arith.constant 0 : index
    %swap3A_29 = arith.constant 0 : index
    %swap3A_30 = vector.load %arg6[%swap3A, %swap3A_29] : memref<2048x128xf32, #tpu.memory_space<vmem>>, vector<2048x128xf32>
    tpu.vector_store %arg6[%swap3A, %swap3A_29], %logistic3A_28 {strides = array<i32>} : memref<2048x128xf32, #tpu.memory_space<vmem>>, vector<2048x128xf32>,
    return
  }
  func.func @transform_0(%arg0: i32) -> (i32, i32) {
    %c0_i32 = arith.constant 0 : i32
    %c0_i32_0 = arith.constant 0 : i32
    return %arg0, %c0_i32 : i32, i32
  }
  func.func @transform_1(%arg0: i32) -> (i32, i32) {
    %c0_i32 = arith.constant 0 : i32
    %c0_i32_0 = arith.constant 0 : i32
    return %arg0, %c0_i32 : i32, i32
  }
  func.func @transform_2(%arg0: i32) -> (i32, i32) {
    %c0_i32 = arith.constant 0 : i32
    %c0_i32_0 = arith.constant 0 : i32
    return %arg0, %c0_i32 : i32, i32
  }
  func.func @transform_3(%arg0: i32) -> (i32, i32) {
    %c0_i32 = arith.constant 0 : i32
    %c0_i32_0 = arith.constant 0 : i32
    %c0_i32_1 = arith.constant 0 : i32
    return %c0_i32, %c0_i32_0 : i32, i32
  }
  func.func @transform_4(%arg0: i32) -> (i32, i32) {
    %c0_i32 = arith.constant 0 : i32
    %c0_i32_0 = arith.constant 0 : i32
    %c0_i32_1 = arith.constant 0 : i32
    return %c0_i32, %c0_i32_0 : i32, i32
  }
  func.func @transform_5(%arg0: i32) -> (i32, i32) {
    %c0_i32 = arith.constant 0 : i32
    %c0_i32_0 = arith.constant 0 : i32
    return %arg0, %c0_i32 : i32, i32
  }
}

module attributes {stable_mosaic.version = 14 : i64} {
  func.func @_node_mlp_body(%arg0: memref<10112x128xf32, #tpu.memory_space<vmem>>, %arg1: memref<128x512xf32, #tpu.memory_space<vmem>>, %arg2: memref<1x512xf32, #tpu.memory_space<vmem>>, %arg3: memref<2500x512xf32, #tpu.memory_space<vmem>>) attributes {dimension_semantics = [], scalar_prefetch = 0 : i64, scratch_operands = 0 : i64, tpu.core_type = #tpu.core_type<tc>} {
    %get3A = arith.constant 0 : index
    %get3A_0 = arith.constant 0 : index
    %get3A_1 = vector.load %arg0[%get3A, %get3A_0] : memref<10112x128xf32, #tpu.memory_space<vmem>>, vector<2500x128xf32>
    %get3A_2 = arith.constant 2528 : index
    %get3A_3 = arith.constant 0 : index
    %get3A_4 = vector.load %arg0[%get3A_2, %get3A_3] : memref<10112x128xf32, #tpu.memory_space<vmem>>, vector<2500x128xf32>
    %add3A = arith.addf %get3A_1, %get3A_4 : vector<2500x128xf32>
    %get3A_5 = arith.constant 5056 : index
    %get3A_6 = arith.constant 0 : index
    %get3A_7 = vector.load %arg0[%get3A_5, %get3A_6] : memref<10112x128xf32, #tpu.memory_space<vmem>>, vector<2500x128xf32>
    %sub3A = arith.subf %add3A, %get3A_7 : vector<2500x128xf32>
    %get3A_8 = arith.constant 7584 : index
    %get3A_9 = arith.constant 0 : index
    %get3A_10 = vector.load %arg0[%get3A_8, %get3A_9] : memref<10112x128xf32, #tpu.memory_space<vmem>>, vector<2500x128xf32>
    %sub3A_11 = arith.subf %sub3A, %get3A_10 : vector<2500x128xf32>
    %get3A_12 = arith.constant 0 : index
    %get3A_13 = arith.constant 0 : index
    %get3A_14 = vector.load %arg1[%get3A_12, %get3A_13] : memref<128x512xf32, #tpu.memory_space<vmem>>, vector<128x512xf32>
    %dot_general3A = arith.constant dense<0.000000e+00> : vector<2500x512xf32>
    %dot_general3A_15 = tpu.matmul %sub3A_11, %get3A_14, %dot_general3A {dimension_numbers = #tpu.dot_dimension_numbers<[1], [0], [0], [1], [0, 0, 1, 1], [], []>, precision = #tpu.contract_precision<fp32>, transpose_lhs_hint = false} : vector<2500x128xf32>, vector<128x512xf32>, vector<2500x512xf32> -> vector<2500x512xf32>
    %get3A_16 = arith.constant 0 : index
    %get3A_17 = arith.constant 0 : index
    %get3A_18 = vector.load %arg2[%get3A_16, %get3A_17] : memref<1x512xf32, #tpu.memory_space<vmem>>, vector<1x512xf32>
    %add3A_19 = vector.broadcast %get3A_18 : vector<1x512xf32> to vector<2500x512xf32>
    %add3A_20 = arith.addf %dot_general3A_15, %add3A_19 : vector<2500x512xf32>
    %logistic3A = arith.negf %add3A_20 : vector<2500x512xf32>
    %logistic3A_21 = math.exp %logistic3A : vector<2500x512xf32>
    %logistic3A_22 = arith.constant 1.000000e+00 : f32
    %logistic3A_23 = vector.broadcast %logistic3A_22 : f32 to vector<2500x512xf32>
    %logistic3A_24 = arith.addf %logistic3A_23, %logistic3A_21 : vector<2500x512xf32>
    %logistic3A_25 = arith.divf %logistic3A_23, %logistic3A_24 : vector<2500x512xf32>
    %swap3A = arith.constant 0 : index
    %swap3A_26 = arith.constant 0 : index
    %swap3A_27 = vector.load %arg3[%swap3A, %swap3A_26] : memref<2500x512xf32, #tpu.memory_space<vmem>>, vector<2500x512xf32>
    tpu.vector_store %arg3[%swap3A, %swap3A_26], %logistic3A_25 {strides = array<i32>} : memref<2500x512xf32, #tpu.memory_space<vmem>>, vector<2500x512xf32>,
    return
  }
}

</mosaic_0001>

<sc_bundles>
// kernel: kernel.10.cloned.1.call-start
scs
__scs_entry_jumppad:
0x0: {  	(pc) =	sbr.rel $0x88, $3  }
0x1: {  	(tag) =	ssettag $0x0;
	lr =	simm.s32 $0x1  }
0x2: {  	[smem:$0x3F98] =	sst lr;
	_ =	strace $0xD0000000  }
0x3: {  	_ = 	snop  }
0x4: {  	_ = 	snop  }
0x5: {  	_ = 	snop  }
0x6: {  	_ = 	snop  }
0x7: {  	_ = 	snop  }
__scs_overlays_trampoline_lowered:
0x8: {  	[smem:$0x3FA7] =	sst s0  }
0x9: {  	[smem:$0x3FA8] =	sst s1  }
0xa: {  	[smem:$0x3FA9] =	sst s2  }
0xb: {  	[smem:$0x3FAA] =	sst s3  }
0xc: {  	[smem:$0x3FAB] =	sst s4  }
0xd: {  	[smem:$0x3FAC] =	sst s5  }
0xe: {  	[smem:$0x3FAD] =	sst s6  }
0xf: {  	[smem:$0x3FAE] =	sst s7  }
0x10: {  	[smem:$0x3FAF] =	sst s8  }
0x11: {  	[smem:$0x3FB0] =	sst s9;
	s0 =	simm.s32 @!p0 $0x0  }
0x12: {  	s1 =	sld [smem:$0x3F96];
	s0 =	simm.s32 @p0 $0x1  }
0x13: {  	[smem:$0x3FB1] =	sst s0;
	s0 =	simm.s32 @!p1 $0x0  }
0x14: {  	s2 =	sld [smem:$0x3F95];
	s0 =	simm.s32 @p1 $0x1  }
0x15: {  	[smem:$0x3FB2] =	sst s0;
	s0 =	simm.s32 @!p2 $0x0  }
0x16: {  	s3 =	sld [smem:$0x3FDB];
	s0 =	simm.s32 @p2 $0x1  }
0x17: {  	s4 =	simm.s32 $0x1BF5;
	[smem:$0x3FB4] =	sst s0  }
0x18: {  	s0 =	sld [smem:$0x3F97];
	_ =	swait.ge [sflag:s4], $0x0  }
0x19: {  	s7 =	sld [smem:$0x3F98]  }
0x1a: {  	s8 =	sadd.s32 $0xFFFFE003, lr  }
0x1b: {  	s9 =	sadd.s32 $0xFFFFFEF7, lr;
	s5 =	simm.s32 $0xFFFFFFFF;
	p2 =	slt.u32 s8, $0xFFFFF086  }
0x1c: {  	p1 =	slt.u32 s9, $0xF7A;
	s5 =	simm.s32 @!p2 $0x0  }
0x1d: {  	s5 =	simm.s32 @p1 $0x1;
	p0 =	seq.s32 s7, s2  }
0x1e: {  	s7 =	smul.u32 @!p0 $0xF7A, s2;
	p2 =	seq.s32 @!p0 s5, $0x0  }
0x1f: {  	s9 =	smul.u32 $0xF7A, s1;
	s8 =	simm.s32 @!p0 $0x1BF5;
	p2 =	por !p2, p0  }
0x20: {  	[sflag:s8] =	ssyncset.s32 @!p0 $0xFFFFF086;
	s6 =	sadd.s32 @!p0 s3, s7;
	s7 =	simm.s32 @!p0 $0x108  }
0x21: {  	s3 =	sadd.s32 s3, s9;
	s6 =	sadd.s32 @!p0 $0x88, s6;
	s7 =	simm.s32 @p2 $0x1082  }
0x22: {  	[simem:s7], [sflag:s8] =	dma.local @!p0 [hbm:s6], $0xF7A  }
0x23: {  	s9 =	sor.u32 $0xD0000000, s2;
	s6 =	simm.s32 $0x108;
	_ =	swait.ge @!p0 [sflag:s8], $0x0  }
0x24: {  	s3 =	sadd.s32 $0x88, s3;
	s6 =	simm.s32 @!p1 $0x1082;
	[sflag:s4] =	ssyncset.s32 $0xFFFFF086  }
0x25: {  	[simem:s6], [sflag:s4] =	dma.local [hbm:s3], $0xF7A  }
0x26: {  	[smem:$0x3F98] =	sst s1;
	(tag) =	ssettag s2;
	_ =	strace s9  }
0x27: {  	s1 =	sld [smem:$0x3FA8]  }
0x28: {  	s2 =	sld [smem:$0x3FA9]  }
0x29: {  	s4 =	sld [smem:$0x3FAB]  }
0x2a: {  	p0 =	seq.s32 s5, $0x0;
	s5 =	sld [smem:$0x3FAC]  }
0x2b: {  	s6 =	sld [smem:$0x3FAD]  }
0x2c: {  	s7 =	sld [smem:$0x3FAE]  }
0x2d: {  	s3 =	simm.s32 $0x108;
	s8 =	sld [smem:$0x3FAF]  }
0x2e: {  	s3 =	simm.s32 @!p0 $0x1082;
	s9 =	sld [smem:$0x3FB0]  }
0x2f: {  	lr =	sadd.s32 s0, s3;
	s0 =	sld [smem:$0x3FA7]  }
0x30: {  	s3 =	sld [smem:$0x3FAA]  }
0x31: {  	[smem:$0x3FB3] =	sst s10  }
0x32: {  	s10 =	sld [smem:$0x3FB1];
	_ =	sdelay $0x3  }
0x33: {  	p0 =	seq.s32 s10, $0x1;
	s10 =	sld [smem:$0x3FB3];
	_ =	sdelay $0x3  }
0x34: {  	[smem:$0x3FB3] =	sst s10  }
0x35: {  	s10 =	sld [smem:$0x3FB2];
	_ =	sdelay $0x3  }
0x36: {  	p1 =	seq.s32 s10, $0x1;
	s10 =	sld [smem:$0x3FB3];
	_ =	sdelay $0x3  }
0x37: {  	[smem:$0x3FB3] =	sst s10  }
0x38: {  	s10 =	sld [smem:$0x3FB4]  }
0x39: {  	_ = 	snop;
	(pc) =	sbr.ind lr, $3  }
0x3a: {  	_ = 	snop  }
0x3b: {  	_ = 	snop  }
0x3c: {  	p2 =	seq.s32 s10, $0x1;
	s10 =	sld [smem:$0x3FB3]  }
0x3d: {  	_ =	shalt  }
0x3e: {  	_ =	shalt  }
0x3f: {  	_ =	shalt  }
0x40: {  	_ =	shalt  }
0x41: {  	_ =	shalt  }
0x42: {  	_ =	shalt  }
0x43: {  	_ =	shalt  }
0x44: {  	_ =	shalt  }
0x45: {  	_ =	shalt  }
0x46: {  	_ =	shalt  }
0x47: {  	_ =	shalt  }
0x48: {  	_ =	shalt  }
0x49: {  	_ =	shalt  }
0x4a: {  	_ =	shalt  }
0x4b: {  	_ =	shalt  }
0x4c: {  	_ =	shalt  }
0x4d: {  	_ =	shalt  }
0x4e: {  	_ =	shalt  }
0x4f: {  	_ =	shalt  }
0x50: {  	_ =	shalt  }
0x51: {  	_ =	shalt  }
0x52: {  	_ =	shalt  }
0x53: {  	_ =	shalt  }
0x54: {  	_ =	shalt  }
0x55: {  	_ =	shalt  }
0x56: {  	_ =	shalt  }
0x57: {  	_ =	shalt  }
0x58: {  	_ =	shalt  }
0x59: {  	_ =	shalt  }
0x5a: {  	_ =	shalt  }
0x5b: {  	_ =	shalt  }
0x5c: {  	_ =	shalt  }
0x5d: {  	_ =	shalt  }
0x5e: {  	_ =	shalt  }
0x5f: {  	_ =	shalt  }
0x60: {  	_ =	shalt  }
0x61: {  	_ =	shalt  }
0x62: {  	_ =	shalt  }
0x63: {  	_ =	shalt  }
0x64: {  	_ =	shalt  }
0x65: {  	_ =	shalt  }
0x66: {  	_ =	shalt  }
0x67: {  	_ =	shalt  }
0x68: {  	_ =	shalt  }
0x69: {  	_ =	shalt  }
0x6a: {  	_ =	shalt  }
0x6b: {  	_ =	shalt  }
0x6c: {  	_ =	shalt  }
0x6d: {  	_ =	shalt  }
0x6e: {  	_ =	shalt  }
0x6f: {  	_ =	shalt  }
0x70: {  	_ =	shalt  }
0x71: {  	_ =	shalt  }
0x72: {  	_ =	shalt  }
0x73: {  	_ =	shalt  }
0x74: {  	_ =	shalt  }
0x75: {  	_ =	shalt  }
0x76: {  	_ =	shalt  }
0x77: {  	_ =	shalt  }
0x78: {  	_ =	shalt  }
0x79: {  	_ =	shalt  }
0x7a: {  	_ =	shalt  }
0x7b: {  	_ =	shalt  }
0x7c: {  	_ =	shalt  }
0x7d: {  	_ =	shalt  }
0x7e: {  	_ =	shalt  }
0x7f: {  	_ =	shalt  }
0x80: {  	_ =	shalt  }
0x81: {  	_ =	shalt  }
0x82: {  	_ =	shalt  }
0x83: {  	_ =	shalt  }
0x84: {  	_ =	shalt  }
0x85: {  	_ =	shalt  }
0x86: {  	_ =	shalt  }
0x87: {  	_ =	shalt  }
.Lfunc_end0:
.L_simem_size_0:
called_computation.1_lowered:
.L_overlay_start_0:
0x88: {  	s2 =	sld [smem:$0x3FD9]  }
0x89: {  	s3 =	sld [smem:$0x3FFE];
	_ =	sdelay $0x1  }
0x8a: {  	s1 =	srdreg.scid  }
0x8b: {  	s0 =	sand.u32 $0x1, s1  }
0x8c: {  	s17 =	sshll.u32 s0, $0xA;
	s2 =	sadd.s32 s3, s2  }
0x8d: {  	s2 =	sadd.s32 s2, s17  }
0x8e: {  	[smem:$0x3FBF] =	sst s2  }
0x8f: {  	_ = 	snop  }
0x90: {  	s2 =	sld [smem:$0x3FD0];
	(tm) =	ssettm $0x1  }
0x91: {  	s18 =	sld [smem:$0x3FFB];
	_ =	sdelay $0x3  }
0x92: {  	_ =	strace s18  }
0x93: {  	s3 =	sld [smem:$0x3FFC];
	_ =	sdelay $0x3  }
0x94: {  	_ =	strace s3  }
0x95: {  	s3 =	sld [smem:$0x3FFD];
	_ =	sdelay $0x3  }
0x96: {  	_ =	strace s3  }
0x97: {  	_ =	strace $0x8FFFFFFF  }
0x98: {  	s19 =	sld [smem:$0x3FDB];
	_ =	sdelay $0x1  }
0x99: {  	s4 =	simm.s32 $_scs_section_size  }
0x9a: {  	s5 =	simm.s32 $_size__tile_overlayer_lowered;
	s6 =	simm.s32 $_tile_overlayer_lowered  }
0x9b: {  	s22 =	simm.s32 $0x1BFF;
	s21 =	sshll.u32 s6, $0x1;
	s3 =	sadd.s32 s4, s19  }
0x9c: {  	s7 =	simm.s32 $0x0;
	s20 =	sshll.u32 s5, $0x1;
	s5 =	sadd.s32 s21, s3  }
0x9d: {  	[timem:s7], [sflag:s22] =	dma.local [hbm:s5], s20  }
0x9e: {  	_ =	swait.ge [sflag:s22], s20  }
0x9f: {  	s4 =	ssub.s32 $0x0, s20;
	[sflag:s22] =	ssyncset.done $0x0  }
0xa0: {  	[sflag:s22] =	ssyncadd.s32 s4;
	_ =	sdelay $0x1  }
0xa1: {  	s23 =	simm.s32 $0x1B8B  }
0xa2: {  	_ =	swait.ge [sflag:s23], $0x1  }
0xa3: {  	[sflag:s23] =	ssyncset.done $0x0  }
0xa4: {  	s25 =	simm.s32 $0x1B8E;
	s24 =	sld [smem:$0x3FFE];
	[sflag:s23] =	ssyncadd.s32 $0xFFFFFFFF  }
0xa5: {  	s26 =	simm.s32 $execute0_lowered;
	[smem:$0x3FD2] =	sst s25  }
0xa6: {  	s5 =	sshll.u32 s26, $0x1;
	_ =	strace $0x80000049;
	[dreg:$0x1] =	wrdreg $0xFFFFFFFF  }
0xa7: {  	s28 =	simm.s32 $_size_execute0_lowered;
	s3 =	sadd.s32 s3, s5;
	[dreg:$0x0] =	wrdreg $0x0  }
0xa8: {  	s5 =	sshll.u32 s28, $0x1;
	[dreg:$0x2] =	wrdreg s3  }
0xa9: {  	[dreg:$0x3] =	wrdreg s5  }
0xaa: {  	[dreg:$0x4] =	wrdreg $0xC0  }
0xab: {  	_ =	task [dreg:s7], $0x5FFFF  }
0xac: {  	[dreg:$0x1] =	wrdreg $0xFFFFFFFF  }
0xad: {  	[dreg:$0x0] =	wrdreg $0x60  }
0xae: {  	[dreg:$0x2] =	wrdreg s24  }
0xaf: {  	[dreg:$0x3] =	wrdreg s2  }
0xb0: {  	[dreg:$0x4] =	wrdreg $0xF7000  }
0xb1: {  	[dreg:$0x5] =	wrdreg $0x146000  }
0xb2: {  	[dreg:$0x6] =	wrdreg $0x9  }
0xb3: {  	_ =	task.clear_ibuf [dreg:s7], $0x7FFFF;
	_ =	strace $0x90000049  }
0xb4: {  	s29 =	simm.s32 $0x9;
	_ =	strace $0x8000004B  }
0xb5: {  	_ =	swait.ge [sflag:s29], $0x1  }
0xb6: {  	[sflag:s29] =	ssyncadd.s32 $0xFFFFFFFF  }
0xb7: {  	_ =	strace $0x9000004B  }
0xb8: {  	_ =	sfence  }
0xb9: {  	s30 =	sld [smem:$0x0];
	_ =	sdelay $0x2  }
0xba: {  	s31 =	sshll.u32 s1, $0xD;
	s1 =	sshrl.u32 s1, $0x2  }
0xbb: {  	s3 =	sand.u32 $0x4000, s31;
	s1 =	sadd.s32 s1, s30  }
0xbc: {  	s0 =	sor.u32 s3, s0;
	s1 =	sshll.u32 s1, $0x11  }
0xbd: {  	s0 =	sor.u32 s1, s0  }
0xbe: {  	s0 =	sadd.s32 $0x8F2B, s0  }
0xbf: {  	[sflag:s0] =	ssyncadd.remote.s32 $0x1  }
0xc0: {  	_ =	sfence.sel $0xFFFF  }
0xc1: {  	[dreg:$0x0] =	wrdreg $0xFFFFFFFF;
	(pc) =	sbr.abs _section_cstart, $3  }
0xc2: {  	[dreg:$0x1] =	wrdreg $0xFFFFFFFF  }
0xc3: {  	_ =	task.clear_ibuf [dreg:s7], $0x2FFFF;
	_ =	strace $0x9FFFFFFF  }
0xc4: {  	(tm) =	ssettm $0x7FFFFFFF  }
0xc5: {  	_ =	shalt  }
tec
execute0_lowered:
.L_overlay_start_1:
0x0: {  	(tag) =	ssettag $0x1  }
0x1: {  	s0 =	rddreg [dreg:$0x0];
	s1 =	srdreg.scid  }
0x2: {  	s11 =	stileid.u32;
	s3 =	rddreg [dreg:$0x2]  }
0x3: {  	s4 =	rddreg [dreg:$0x3];
	s5 =	simm.s32 $0x0;
	s18 =	simm.s32 $0xA800  }
0x4: {  	s19 =	simm.s32 $0x5;
	s20 =	simm.s32 $0x1;
	s21 =	simm.s32 $0x2800  }
0x5: {  	s28 =	simm.s32 $0x5800;
	s29 =	simm.s32 $0x2;
	s30 =	simm.s32 $0x4  }
0x6: {  	s31 =	simm.s32 $0x7800;
	s1 =	sand.u32 $0x1, s1;
	s8 =	smul.u32 $0x278, s11  }
0x7: {  	s2 =	sshll.u32 s11, $0x1;
	[smem:$0x7FF] =	sst s5;
	s23 =	smul.u32 $0x4F00, s11  }
0x8: {  	s6 =	sadd.s32 $0x15A00, s0;
	s2 =	sor.u32 s1, s2;
	s9 =	smul.u32 $0x2780, s1  }
0x9: {  	_ =	strace $0x8000004A;
	s1 =	ssub.s32 $0x2, s1;
	s7 =	smul.u32 $0x280, s2  }
0xa: {  	s22 =	sshrl.u32 s1, $0x1;
	s10 =	smul.u32 $0x5000, s2;
	s11 =	sadd.s32 s23, s4  }
0xb: {  	s13 =	smul.u32 $0x28000, s2;
	s2 =	simm.s32 $0x8800;
	s8 =	sadd.s32 s8, s9  }
0xc: {  	s1 =	ssub.s32 s1, s22;
	s22 =	simm.s32 $0x6800;
	s7 =	sadd.s32 s7, s0  }
0xd: {  	s8 =	sshll.u32 s8, $0x2;
	s9 =	sadd.s32 s6, s10;
	s10 =	sadd.s32 s23, s3  }
0xe: {  	s16 =	smax.u32 s1, $0x1;
	s23 =	simm.s32 $0x3;
	s24 =	sadd.s32 $0x10A00, s7  }
0xf: {  	s1 =	simm.s32 $0x0;
	s7 =	sadd.s32 $0xBA00, s7;
	[dreg:$0x5] =	wrdreg s24  }
0x10: {  	s0 =	sadd.s32 s8, s0;
	s25 =	sadd.s32 $0x800, s9;
	[dreg:$0x6] =	wrdreg s7  }
0x11: {  	[dreg:$0x7] =	wrdreg s25;
	s26 =	sadd.s32 $0xB5A00, s0;
	s0 =	sadd.s32 $0xC9600, s0  }
0x12: {  	s24 =	simm.s32 $0x80;
	s25 =	simm.s32 $0x3800;
	[dreg:$0x8] =	wrdreg s26  }
0x13: {  	[dreg:$0x9] =	wrdreg s0;
	s26 =	simm.s32 $0x4800;
	s0 =	simm.s32 $0x9800  }
.LBB2_1:
0x14: {  	s7 =	rddreg [dreg:$0x5]  }
0x15: {  	[tilespmem:s5], [sflag:$0x1] =	stream.linear.gather [hbm4b:s7+s5], $0x1400, $0x38;
	[tilespmem:$0x19500] =	vst v63  }
0x16: {  	s12 =	rddreg [dreg:$0x6];
	s8 =	simm.s32 $0x1400  }
0x17: {  	[tilespmem:s8], [sflag:$0x1] =	stream.linear.gather [hbm4b:s12+s5], $0x1400, $0x38;
	[tilespmem:$0x19500] =	vst v63  }
0x18: {  	s14 =	rddreg [dreg:$0x1]  }
0x19: {  	[tilespmem:s18], [sflag:$0x5] =	stream.linear.gather [hbm4b:s14+s5], $0x4F00, $0x38;
	[tilespmem:$0x19500] =	vst v63  }
0x1a: {  	_ =	swait.ge [sflag:s19], $0x4F00  }
0x1b: {  	[sflag:s19] =	ssyncset.done $0x0  }
0x1c: {  	[sflag:s19] =	ssyncadd.s32 $0xFFFFB100  }
0x1d: {  	[spmem:s10] =	stream.linear.scatter [tilespmem:s18], [sflag:$0x5], $0x4F00, $0x38;
	[tilespmem:$0x19500] =	vst v63  }
0x1e: {  	_ =	swait.ge [sflag:s19], $0x4F00  }
0x1f: {  	[sflag:s19] =	ssyncset.done $0x0  }
0x20: {  	[sflag:s19] =	ssyncadd.s32 $0xFFFFB100  }
0x21: {  	[spmem:s11] =	stream.linear.scatter [tilespmem:s18], [sflag:$0x5], $0x4F00, $0x38;
	[tilespmem:$0x19500] =	vst v63  }
0x22: {  	_ =	swait.ge [sflag:s19], $0x4F00  }
0x23: {  	[sflag:s19] =	ssyncset.done $0x0  }
0x24: {  	[sflag:s19] =	ssyncadd.s32 $0xFFFFB100  }
0x25: {  	_ =	swait.ge [sflag:s20], $0x1400  }
0x26: {  	[sflag:s20] =	ssyncset.done $0x0  }
0x27: {  	[sflag:s20] =	ssyncadd.s32 $0xFFFFEC00  }
0x28: {  	_ =	swait.ge [sflag:s20], $0x1400  }
0x29: {  	[sflag:s20] =	ssyncset.done $0x0  }
0x2a: {  	[sflag:s20] =	ssyncadd.s32 $0xFFFFEC00  }
0x2b: {  	[bflag:$0x0] =	sbarrier.arrive $0xFFFF  }
0x2c: {  	[tilespmem:s21], [sflag:$0x3] =	stream.linear.gather [hbm4b:s9+s5], $0x4000, $0x38;
	[tilespmem:$0x19500] =	vst v63  }
0x2d: {  	s15 =	rddreg [dreg:$0x7]  }
0x2e: {  	[tilespmem:s22], [sflag:$0x4] =	stream.linear.gather [hbm4b:s15+s5], $0x4000, $0x38;
	[tilespmem:$0x19500] =	vst v63  }
0x2f: {  	_ =	swait.ge [sflag:s23], $0x4000  }
0x30: {  	[sflag:s23] =	ssyncset.done $0x0  }
0x31: {  	s17 =	simm.s32 $0x0;
	[sflag:s23] =	ssyncadd.s32 $0xFFFFC000  }
0x32: {  	[spmem:s3] =	stream.indirect.scatter.add.f32 [tilespmem:s21], [sflag:$0x2], $0x20, s17, s24, $0xb8;
	[tilespmem:$0x19500] =	vst v63  }
0x33: {  	s8 =	simm.s32 $0x1400  }
0x34: {  	[spmem:s4] =	stream.indirect.scatter.add.f32 [tilespmem:s21], [sflag:$0x2], $0x20, s8, s24, $0xb8;
	[tilespmem:$0x19500] =	vst v63  }
0x35: {  	s12 =	simm.s32 $0x80  }
0x36: {  	[spmem:s3] =	stream.indirect.scatter.add.f32 [tilespmem:s25], [sflag:$0x2], $0x20, s12, s24, $0xb8;
	[tilespmem:$0x19500] =	vst v63  }
0x37: {  	s14 =	simm.s32 $0x1480  }
0x38: {  	[spmem:s4] =	stream.indirect.scatter.add.f32 [tilespmem:s25], [sflag:$0x2], $0x20, s14, s24, $0xb8;
	[tilespmem:$0x19500] =	vst v63  }
0x39: {  	s15 =	simm.s32 $0x100  }
0x3a: {  	[spmem:s3] =	stream.indirect.scatter.add.f32 [tilespmem:s26], [sflag:$0x2], $0x20, s15, s24, $0xb8;
	[tilespmem:$0x19500] =	vst v63  }
0x3b: {  	s17 =	simm.s32 $0x1500  }
0x3c: {  	[spmem:s4] =	stream.indirect.scatter.add.f32 [tilespmem:s26], [sflag:$0x2], $0x20, s17, s24, $0xb8;
	[tilespmem:$0x19500] =	vst v63  }
0x3d: {  	s8 =	simm.s32 $0x180  }
0x3e: {  	[spmem:s3] =	stream.indirect.scatter.add.f32 [tilespmem:s28], [sflag:$0x2], $0x20, s8, s24, $0xb8;
	[tilespmem:$0x19500] =	vst v63  }
0x3f: {  	s12 =	simm.s32 $0x1580  }
0x40: {  	[spmem:s4] =	stream.indirect.scatter.add.f32 [tilespmem:s28], [sflag:$0x2], $0x20, s12, s24, $0xb8;
	[tilespmem:$0x19500] =	vst v63  }
0x41: {  	_ =	swait.ge [sflag:s29], $0x1000  }
0x42: {  	[sflag:s29] =	ssyncset.done $0x0  }
0x43: {  	[sflag:s29] =	ssyncadd.s32 $0xFFFFF000  }
0x44: {  	_ =	swait.ge [sflag:s29], $0x1000  }
0x45: {  	[sflag:s29] =	ssyncset.done $0x0  }
0x46: {  	[sflag:s29] =	ssyncadd.s32 $0xFFFFF000  }
0x47: {  	_ =	swait.ge [sflag:s29], $0x1000  }
0x48: {  	[sflag:s29] =	ssyncset.done $0x0  }
0x49: {  	[sflag:s29] =	ssyncadd.s32 $0xFFFFF000  }
0x4a: {  	_ =	swait.ge [sflag:s29], $0x1000  }
0x4b: {  	[sflag:s29] =	ssyncset.done $0x0  }
0x4c: {  	[sflag:s29] =	ssyncadd.s32 $0xFFFFF000  }
0x4d: {  	_ =	swait.ge [sflag:s29], $0x1000  }
0x4e: {  	[sflag:s29] =	ssyncset.done $0x0  }
0x4f: {  	[sflag:s29] =	ssyncadd.s32 $0xFFFFF000  }
0x50: {  	_ =	swait.ge [sflag:s29], $0x1000  }
0x51: {  	[sflag:s29] =	ssyncset.done $0x0  }
0x52: {  	[sflag:s29] =	ssyncadd.s32 $0xFFFFF000  }
0x53: {  	_ =	swait.ge [sflag:s29], $0x1000  }
0x54: {  	p0 =	por $0x0, $0x0;
	s7 =	simm.s32 $0x8000;
	[sflag:s29] =	ssyncset.done $0x0  }
0x55: {  	s7 =	simm.s32 @p0 $0x4;
	[sflag:s29] =	ssyncadd.s32 $0xFFFFF000  }
0x56: {  	s7 =	sadd.s32 s13, s7;
	_ =	swait.ge [sflag:s29], $0x1000  }
0x57: {  	s7 =	sshrl.u32 s7, $0x3;
	[sflag:s29] =	ssyncset.done $0x0  }
0x58: {  	s7 =	sadd.s32 s6, s7;
	[sflag:s29] =	ssyncadd.s32 $0xFFFFF000  }
0x59: {  	[tilespmem:s21], [sflag:$0x3] =	stream.linear.gather [hbm4b:s7+s5], $0x4000, $0x38;
	[tilespmem:$0x19500] =	vst v63  }
0x5a: {  	_ =	swait.ge [sflag:s30], $0x4000  }
0x5b: {  	[sflag:s30] =	ssyncset.done $0x0  }
0x5c: {  	s14 =	simm.s32 $0x200;
	[sflag:s30] =	ssyncadd.s32 $0xFFFFC000  }
0x5d: {  	[spmem:s3] =	stream.indirect.scatter.add.f32 [tilespmem:s22], [sflag:$0x2], $0x20, s14, s24, $0xb8;
	[tilespmem:$0x19500] =	vst v63  }
0x5e: {  	s15 =	simm.s32 $0x1600  }
0x5f: {  	[spmem:s4] =	stream.indirect.scatter.add.f32 [tilespmem:s22], [sflag:$0x2], $0x20, s15, s24, $0xb8;
	[tilespmem:$0x19500] =	vst v63  }
0x60: {  	s17 =	simm.s32 $0x280  }
0x61: {  	[spmem:s3] =	stream.indirect.scatter.add.f32 [tilespmem:s31], [sflag:$0x2], $0x20, s17, s24, $0xb8;
	[tilespmem:$0x19500] =	vst v63  }
0x62: {  	s8 =	simm.s32 $0x1680  }
0x63: {  	[spmem:s4] =	stream.indirect.scatter.add.f32 [tilespmem:s31], [sflag:$0x2], $0x20, s8, s24, $0xb8;
	[tilespmem:$0x19500] =	vst v63  }
0x64: {  	s12 =	simm.s32 $0x300  }
0x65: {  	[spmem:s3] =	stream.indirect.scatter.add.f32 [tilespmem:s2], [sflag:$0x2], $0x20, s12, s24, $0xb8;
	[tilespmem:$0x19500] =	vst v63  }
0x66: {  	s14 =	simm.s32 $0x1700  }
0x67: {  	[spmem:s4] =	stream.indirect.scatter.add.f32 [tilespmem:s2], [sflag:$0x2], $0x20, s14, s24, $0xb8;
	[tilespmem:$0x19500] =	vst v63  }
0x68: {  	s15 =	simm.s32 $0x380  }
0x69: {  	[spmem:s3] =	stream.indirect.scatter.add.f32 [tilespmem:s0], [sflag:$0x2], $0x20, s15, s24, $0xb8;
	[tilespmem:$0x19500] =	vst v63  }
0x6a: {  	s17 =	simm.s32 $0x1780  }
0x6b: {  	[spmem:s4] =	stream.indirect.scatter.add.f32 [tilespmem:s0], [sflag:$0x2], $0x20, s17, s24, $0xb8;
	[tilespmem:$0x19500] =	vst v63  }
0x6c: {  	_ =	swait.ge [sflag:s29], $0x1000  }
0x6d: {  	[sflag:s29] =	ssyncset.done $0x0  }
0x6e: {  	[sflag:s29] =	ssyncadd.s32 $0xFFFFF000  }
0x6f: {  	_ =	swait.ge [sflag:s29], $0x1000  }
0x70: {  	[sflag:s29] =	ssyncset.done $0x0  }
0x71: {  	[sflag:s29] =	ssyncadd.s32 $0xFFFFF000  }
0x72: {  	_ =	swait.ge [sflag:s29], $0x1000  }
0x73: {  	[sflag:s29] =	ssyncset.done $0x0  }
0x74: {  	[sflag:s29] =	ssyncadd.s32 $0xFFFFF000  }
0x75: {  	_ =	swait.ge [sflag:s29], $0x1000  }
0x76: {  	[sflag:s29] =	ssyncset.done $0x0  }
0x77: {  	[sflag:s29] =	ssyncadd.s32 $0xFFFFF000  }
0x78: {  	_ =	swait.ge [sflag:s29], $0x1000  }
0x79: {  	[sflag:s29] =	ssyncset.done $0x0  }
0x7a: {  	[sflag:s29] =	ssyncadd.s32 $0xFFFFF000  }
0x7b: {  	_ =	swait.ge [sflag:s29], $0x1000  }
0x7c: {  	[sflag:s29] =	ssyncset.done $0x0  }
0x7d: {  	[sflag:s29] =	ssyncadd.s32 $0xFFFFF000  }
0x7e: {  	s7 =	simm.s32 $0xC000;
	_ =	swait.ge [sflag:s29], $0x1000  }
0x7f: {  	s7 =	simm.s32 @p0 $0x4000;
	[sflag:s29] =	ssyncset.done $0x0  }
0x80: {  	s7 =	sadd.s32 s13, s7;
	[sflag:s29] =	ssyncadd.s32 $0xFFFFF000  }
0x81: {  	s7 =	sshrl.u32 s7, $0x3;
	_ =	swait.ge [sflag:s29], $0x1000  }
0x82: {  	s8 =	sadd.s32 s6, s7;
	[sflag:s29] =	ssyncset.done $0x0  }
0x83: {  	s7 =	simm.s32 $0x14000;
	s17 =	simm.s32 $0x1000;
	[sflag:s29] =	ssyncadd.s32 $0xFFFFF000  }
.LBB2_2:
0x84: {  	[tilespmem:s22], [sflag:$0x4] =	stream.linear.gather [hbm4b:s8+s5], $0x4000, $0x38;
	[tilespmem:$0x19500] =	vst v63  }
0x85: {  	s12 =	smov.u32 s17  }
0x86: {  	p0 =	sne.s32 s17, $0x4000;
	s17 =	sadd.s32 $0x1000, s17;
	_ =	swait.ge [sflag:s23], $0x4000  }
0x87: {  	[sflag:s23] =	ssyncset.done $0x0  }
0x88: {  	s8 =	sshra.s32 s12, $0x2;
	[sflag:s23] =	ssyncadd.s32 $0xFFFFC000  }
0x89: {  	[spmem:s3] =	stream.indirect.scatter.add.f32 [tilespmem:s21], [sflag:$0x2], $0x20, s8, s24, $0xb8;
	[tilespmem:$0x19500] =	vst v63  }
0x8a: {  	s14 =	sadd.s32 $0x1400, s8  }
0x8b: {  	[spmem:s4] =	stream.indirect.scatter.add.f32 [tilespmem:s21], [sflag:$0x2], $0x20, s14, s24, $0xb8;
	[tilespmem:$0x19500] =	vst v63  }
0x8c: {  	s14 =	sadd.s32 $0x80, s8  }
0x8d: {  	[spmem:s3] =	stream.indirect.scatter.add.f32 [tilespmem:s25], [sflag:$0x2], $0x20, s14, s24, $0xb8;
	[tilespmem:$0x19500] =	vst v63  }
0x8e: {  	s14 =	sadd.s32 $0x1480, s8  }
0x8f: {  	[spmem:s4] =	stream.indirect.scatter.add.f32 [tilespmem:s25], [sflag:$0x2], $0x20, s14, s24, $0xb8;
	[tilespmem:$0x19500] =	vst v63  }
0x90: {  	s14 =	sadd.s32 $0x100, s8  }
0x91: {  	[spmem:s3] =	stream.indirect.scatter.add.f32 [tilespmem:s26], [sflag:$0x2], $0x20, s14, s24, $0xb8;
	[tilespmem:$0x19500] =	vst v63  }
0x92: {  	s14 =	sadd.s32 $0x1500, s8  }
0x93: {  	[spmem:s4] =	stream.indirect.scatter.add.f32 [tilespmem:s26], [sflag:$0x2], $0x20, s14, s24, $0xb8;
	[tilespmem:$0x19500] =	vst v63  }
0x94: {  	s14 =	sadd.s32 $0x180, s8  }
0x95: {  	[spmem:s3] =	stream.indirect.scatter.add.f32 [tilespmem:s28], [sflag:$0x2], $0x20, s14, s24, $0xb8;
	[tilespmem:$0x19500] =	vst v63  }
0x96: {  	s14 =	sadd.s32 $0x1580, s8  }
0x97: {  	[spmem:s4] =	stream.indirect.scatter.add.f32 [tilespmem:s28], [sflag:$0x2], $0x20, s14, s24, $0xb8;
	[tilespmem:$0x19500] =	vst v63  }
0x98: {  	_ =	swait.ge [sflag:s29], $0x1000  }
0x99: {  	[sflag:s29] =	ssyncset.done $0x0  }
0x9a: {  	[sflag:s29] =	ssyncadd.s32 $0xFFFFF000  }
0x9b: {  	_ =	swait.ge [sflag:s29], $0x1000  }
0x9c: {  	[sflag:s29] =	ssyncset.done $0x0  }
0x9d: {  	[sflag:s29] =	ssyncadd.s32 $0xFFFFF000  }
0x9e: {  	_ =	swait.ge [sflag:s29], $0x1000  }
0x9f: {  	[sflag:s29] =	ssyncset.done $0x0  }
0xa0: {  	[sflag:s29] =	ssyncadd.s32 $0xFFFFF000  }
0xa1: {  	_ =	swait.ge [sflag:s29], $0x1000  }
0xa2: {  	[sflag:s29] =	ssyncset.done $0x0  }
0xa3: {  	[sflag:s29] =	ssyncadd.s32 $0xFFFFF000  }
0xa4: {  	_ =	swait.ge [sflag:s29], $0x1000  }
0xa5: {  	[sflag:s29] =	ssyncset.done $0x0  }
0xa6: {  	[sflag:s29] =	ssyncadd.s32 $0xFFFFF000  }
0xa7: {  	_ =	swait.ge [sflag:s29], $0x1000  }
0xa8: {  	[sflag:s29] =	ssyncset.done $0x0  }
0xa9: {  	[sflag:s29] =	ssyncadd.s32 $0xFFFFF000  }
0xaa: {  	p1 =	seq.s32 s12, $0x4000;
	_ =	swait.ge [sflag:s29], $0x1000  }
0xab: {  	s12 =	sadd.s32 $0xFFFFC000, s7;
	s14 =	smov.u32 s7;
	[sflag:s29] =	ssyncset.done $0x0  }
0xac: {  	s12 =	simm.s32 @p1 $0x4;
	s14 =	simm.s32 @p1 $0x4000;
	[sflag:s29] =	ssyncadd.s32 $0xFFFFF000  }
0xad: {  	s12 =	sadd.s32 s13, s12;
	s14 =	sadd.s32 s13, s14;
	_ =	swait.ge [sflag:s29], $0x1000  }
0xae: {  	s15 =	sshrl.u32 s12, $0x3;
	s12 =	sshrl.u32 s14, $0x3;
	[sflag:s29] =	ssyncset.done $0x0  }
0xaf: {  	s14 =	sadd.s32 s6, s15;
	[sflag:s29] =	ssyncadd.s32 $0xFFFFF000  }
0xb0: {  	[tilespmem:s21], [sflag:$0x3] =	stream.linear.gather [hbm4b:s14+s5], $0x4000, $0x38;
	[tilespmem:$0x19500] =	vst v63  }
0xb1: {  	_ =	swait.ge [sflag:s30], $0x4000  }
0xb2: {  	[sflag:s30] =	ssyncset.done $0x0  }
0xb3: {  	s14 =	sadd.s32 $0x200, s8;
	[sflag:s30] =	ssyncadd.s32 $0xFFFFC000  }
0xb4: {  	[spmem:s3] =	stream.indirect.scatter.add.f32 [tilespmem:s22], [sflag:$0x2], $0x20, s14, s24, $0xb8;
	[tilespmem:$0x19500] =	vst v63  }
0xb5: {  	s14 =	sadd.s32 $0x1600, s8  }
0xb6: {  	[spmem:s4] =	stream.indirect.scatter.add.f32 [tilespmem:s22], [sflag:$0x2], $0x20, s14, s24, $0xb8;
	[tilespmem:$0x19500] =	vst v63  }
0xb7: {  	s14 =	sadd.s32 $0x280, s8  }
0xb8: {  	[spmem:s3] =	stream.indirect.scatter.add.f32 [tilespmem:s31], [sflag:$0x2], $0x20, s14, s24, $0xb8;
	[tilespmem:$0x19500] =	vst v63  }
0xb9: {  	s14 =	sadd.s32 $0x1680, s8  }
0xba: {  	[spmem:s4] =	stream.indirect.scatter.add.f32 [tilespmem:s31], [sflag:$0x2], $0x20, s14, s24, $0xb8;
	[tilespmem:$0x19500] =	vst v63  }
0xbb: {  	s14 =	sadd.s32 $0x300, s8  }
0xbc: {  	[spmem:s3] =	stream.indirect.scatter.add.f32 [tilespmem:s2], [sflag:$0x2], $0x20, s14, s24, $0xb8;
	[tilespmem:$0x19500] =	vst v63  }
0xbd: {  	s14 =	sadd.s32 $0x1700, s8  }
0xbe: {  	[spmem:s4] =	stream.indirect.scatter.add.f32 [tilespmem:s2], [sflag:$0x2], $0x20, s14, s24, $0xb8;
	[tilespmem:$0x19500] =	vst v63  }
0xbf: {  	s14 =	sadd.s32 $0x380, s8  }
0xc0: {  	[spmem:s3] =	stream.indirect.scatter.add.f32 [tilespmem:s0], [sflag:$0x2], $0x20, s14, s24, $0xb8;
	[tilespmem:$0x19500] =	vst v63  }
0xc1: {  	s8 =	sadd.s32 $0x1780, s8  }
0xc2: {  	[spmem:s4] =	stream.indirect.scatter.add.f32 [tilespmem:s0], [sflag:$0x2], $0x20, s8, s24, $0xb8;
	[tilespmem:$0x19500] =	vst v63  }
0xc3: {  	_ =	swait.ge [sflag:s29], $0x1000  }
0xc4: {  	[sflag:s29] =	ssyncset.done $0x0  }
0xc5: {  	[sflag:s29] =	ssyncadd.s32 $0xFFFFF000  }
0xc6: {  	_ =	swait.ge [sflag:s29], $0x1000  }
0xc7: {  	[sflag:s29] =	ssyncset.done $0x0  }
0xc8: {  	[sflag:s29] =	ssyncadd.s32 $0xFFFFF000  }
0xc9: {  	_ =	swait.ge [sflag:s29], $0x1000  }
0xca: {  	[sflag:s29] =	ssyncset.done $0x0  }
0xcb: {  	[sflag:s29] =	ssyncadd.s32 $0xFFFFF000  }
0xcc: {  	_ =	swait.ge [sflag:s29], $0x1000  }
0xcd: {  	[sflag:s29] =	ssyncset.done $0x0  }
0xce: {  	[sflag:s29] =	ssyncadd.s32 $0xFFFFF000  }
0xcf: {  	_ =	swait.ge [sflag:s29], $0x1000  }
0xd0: {  	[sflag:s29] =	ssyncset.done $0x0  }
0xd1: {  	[sflag:s29] =	ssyncadd.s32 $0xFFFFF000  }
0xd2: {  	_ =	swait.ge [sflag:s29], $0x1000  }
0xd3: {  	[sflag:s29] =	ssyncset.done $0x0  }
0xd4: {  	[sflag:s29] =	ssyncadd.s32 $0xFFFFF000  }
0xd5: {  	_ =	swait.ge [sflag:s29], $0x1000  }
.Ltmp0:
0xd6: {  	[sflag:s29] =	ssyncset.done $0x0;
	(pc) =	sbr.rel @p0 .LBB2_2-.Ltmp0, $4  }
0xd7: {  	[sflag:s29] =	ssyncadd.s32 $0xFFFFF000  }
0xd8: {  	_ =	swait.ge [sflag:s29], $0x1000  }
0xd9: {  	[sflag:s29] =	ssyncset.done $0x0  }
0xda: {  	s7 =	sadd.s32 $0x8000, s7;
	s8 =	sadd.s32 s6, s12;
	[sflag:s29] =	ssyncadd.s32 $0xFFFFF000  }
0xdb: {  	[tilespmem:s22], [sflag:$0x4] =	stream.linear.gather [hbm4b:s8+s5], $0x4000, $0x38;
	[tilespmem:$0x19500] =	vst v63  }
0xdc: {  	_ =	swait.ge [sflag:s23], $0x4000  }
0xdd: {  	[sflag:s23] =	ssyncset.done $0x0  }
0xde: {  	[sflag:s23] =	ssyncadd.s32 $0xFFFFC000  }
0xdf: {  	_ =	swait.ge [sflag:s30], $0x4000  }
0xe0: {  	[sflag:s30] =	ssyncset.done $0x0  }
0xe1: {  	[sflag:s30] =	ssyncadd.s32 $0xFFFFC000  }
0xe2: {  	[bflag:$0x0] =	sbarrier.arrive $0xFFFF  }
0xe3: {  	[tilespmem:s18], [sflag:$0x5] =	stream.linear.gather [spmem:s10], $0x4F00, $0x38;
	[tilespmem:$0x19500] =	vst v63  }
0xe4: {  	_ =	swait.ge [sflag:s19], $0x4F00  }
0xe5: {  	[sflag:s19] =	ssyncset.done $0x0  }
0xe6: {  	s7 =	rddreg [dreg:$0x8];
	[sflag:s19] =	ssyncadd.s32 $0xFFFFB100  }
0xe7: {  	[hbm4b:s7+s5] =	stream.linear.scatter [tilespmem:s18], [sflag:$0x5], $0x4F00, $0x38;
	[tilespmem:$0x19500] =	vst v63  }
0xe8: {  	_ =	swait.ge [sflag:s19], $0x4F00  }
0xe9: {  	[sflag:s19] =	ssyncset.done $0x0  }
0xea: {  	[sflag:s19] =	ssyncadd.s32 $0xFFFFB100  }
0xeb: {  	[tilespmem:s18], [sflag:$0x5] =	stream.linear.gather [spmem:s11], $0x4F00, $0x38;
	[tilespmem:$0x19500] =	vst v63  }
0xec: {  	s1 =	sadd.s32 $0x1, s1;
	_ =	swait.ge [sflag:s19], $0x4F00  }
0xed: {  	p0 =	sne.s32 s1, s16;
	[sflag:s19] =	ssyncset.done $0x0  }
.Ltmp1:
0xee: {  	s17 =	rddreg [dreg:$0x9];
	[sflag:s19] =	ssyncadd.s32 $0xFFFFB100;
	(pc) =	sbr.rel @p0 .LBB2_1-.Ltmp1, $4  }
0xef: {  	[hbm4b:s17+s5] =	stream.linear.scatter [tilespmem:s18], [sflag:$0x5], $0x4F00, $0x38;
	[tilespmem:$0x19500] =	vst v63  }
0xf0: {  	_ =	swait.ge [sflag:s19], $0x4F00  }
0xf1: {  	[sflag:s19] =	ssyncset.done $0x0  }
0xf2: {  	[sflag:s19] =	ssyncadd.s32 $0xFFFFB100  }
0xf3: {  	_ =	sfence.sel $0x180000  }
0xf4: {  	[bflag:$0x0] =	sbarrier.arrive $0xFFFF  }
0xf5: {  	_ =	strace $0x9000004A  }
0xf6: {  	s0 =	stileid.u32;
	[bflag:$0x2] =	sbarrier.arrive $0xFFFF  }
0xf7: {  	p0 =	sne.s32 s0, $0x0;
	s0 =	rddreg [dreg:$0x4]  }
0xf8: {  	s0 =	sadd.s32 @!p0 $0x100000, s0  }
0xf9: {  	[sflag:s0] =	ssyncadd.tile.s32 @!p0 $0x1;
	_ =	shalt  }
.Lfunc_end2:
_tile_overlayer_lowered:
.L_overlay_start_2:
0xfa: {  	(tag) =	ssettag $0x2  }
0xfb: {  	s0 =	rddreg [dreg:$0x0];
	s2 =	stileid.u32  }
0xfc: {  	s1 =	rddreg [dreg:$0x1];
	p0 =	sne.s32 s2, $0x0  }
0xfd: {  	s3 =	rddreg [dreg:$0x2];
	[bflag:$0x3] =	sbarrier.arrive $0xFFFF;
	s2 =	simm.s32 @!p0 $0x1C05  }
0xfe: {  	[timem:s3], [sflag:s2] =	dma.local @!p0 [hbm:s0], s1  }
0xff: {  	s0 =	simm.s32 @!p0 $0x5  }
0x100: {  	_ =	swait.ge @!p0 [sflag:s0], s1  }
0x101: {  	s1 =	ssub.s32 @!p0 $0x0, s1;
	[sflag:s0] =	ssyncset.done @!p0 $0x0  }
0x102: {  	[sflag:s0] =	ssyncadd.s32 @!p0 s1  }
0x103: {  	[bflag:$0x3] =	sbarrier.arrive $0xFFFF  }
0x104: {  	_ =	shalt  }

// kernel: kernel.7.cloned.1.call-start
scs
__scs_entry_jumppad:
0x0: {  	(pc) =	sbr.rel $0x88, $3  }
0x1: {  	(tag) =	ssettag $0x0;
	lr =	simm.s32 $0x1  }
0x2: {  	[smem:$0x3F98] =	sst lr;
	_ =	strace $0xD0000000  }
0x3: {  	_ = 	snop  }
0x4: {  	_ = 	snop  }
0x5: {  	_ = 	snop  }
0x6: {  	_ = 	snop  }
0x7: {  	_ = 	snop  }
__scs_overlays_trampoline_lowered:
0x8: {  	[smem:$0x3FA7] =	sst s0  }
0x9: {  	[smem:$0x3FA8] =	sst s1  }
0xa: {  	[smem:$0x3FA9] =	sst s2  }
0xb: {  	[smem:$0x3FAA] =	sst s3  }
0xc: {  	[smem:$0x3FAB] =	sst s4  }
0xd: {  	[smem:$0x3FAC] =	sst s5  }
0xe: {  	[smem:$0x3FAD] =	sst s6  }
0xf: {  	[smem:$0x3FAE] =	sst s7  }
0x10: {  	[smem:$0x3FAF] =	sst s8  }
0x11: {  	[smem:$0x3FB0] =	sst s9;
	s0 =	simm.s32 @!p0 $0x0  }
0x12: {  	s1 =	sld [smem:$0x3F96];
	s0 =	simm.s32 @p0 $0x1  }
0x13: {  	[smem:$0x3FB1] =	sst s0;
	s0 =	simm.s32 @!p1 $0x0  }
0x14: {  	s2 =	sld [smem:$0x3F95];
	s0 =	simm.s32 @p1 $0x1  }
0x15: {  	[smem:$0x3FB2] =	sst s0;
	s0 =	simm.s32 @!p2 $0x0  }
0x16: {  	s3 =	sld [smem:$0x3FDB];
	s0 =	simm.s32 @p2 $0x1  }
0x17: {  	s4 =	simm.s32 $0x1BF5;
	[smem:$0x3FB4] =	sst s0  }
0x18: {  	s0 =	sld [smem:$0x3F97];
	_ =	swait.ge [sflag:s4], $0x0  }
0x19: {  	s7 =	sld [smem:$0x3F98]  }
0x1a: {  	s8 =	sadd.s32 $0xFFFFE003, lr  }
0x1b: {  	s9 =	sadd.s32 $0xFFFFFEF7, lr;
	s5 =	simm.s32 $0xFFFFFFFF;
	p2 =	slt.u32 s8, $0xFFFFF086  }
0x1c: {  	p1 =	slt.u32 s9, $0xF7A;
	s5 =	simm.s32 @!p2 $0x0  }
0x1d: {  	s5 =	simm.s32 @p1 $0x1;
	p0 =	seq.s32 s7, s2  }
0x1e: {  	s7 =	smul.u32 @!p0 $0xF7A, s2;
	p2 =	seq.s32 @!p0 s5, $0x0  }
0x1f: {  	s9 =	smul.u32 $0xF7A, s1;
	s8 =	simm.s32 @!p0 $0x1BF5;
	p2 =	por !p2, p0  }
0x20: {  	[sflag:s8] =	ssyncset.s32 @!p0 $0xFFFFF086;
	s6 =	sadd.s32 @!p0 s3, s7;
	s7 =	simm.s32 @!p0 $0x108  }
0x21: {  	s3 =	sadd.s32 s3, s9;
	s6 =	sadd.s32 @!p0 $0x88, s6;
	s7 =	simm.s32 @p2 $0x1082  }
0x22: {  	[simem:s7], [sflag:s8] =	dma.local @!p0 [hbm:s6], $0xF7A  }
0x23: {  	s9 =	sor.u32 $0xD0000000, s2;
	s6 =	simm.s32 $0x108;
	_ =	swait.ge @!p0 [sflag:s8], $0x0  }
0x24: {  	s3 =	sadd.s32 $0x88, s3;
	s6 =	simm.s32 @!p1 $0x1082;
	[sflag:s4] =	ssyncset.s32 $0xFFFFF086  }
0x25: {  	[simem:s6], [sflag:s4] =	dma.local [hbm:s3], $0xF7A  }
0x26: {  	[smem:$0x3F98] =	sst s1;
	(tag) =	ssettag s2;
	_ =	strace s9  }
0x27: {  	s1 =	sld [smem:$0x3FA8]  }
0x28: {  	s2 =	sld [smem:$0x3FA9]  }
0x29: {  	s4 =	sld [smem:$0x3FAB]  }
0x2a: {  	p0 =	seq.s32 s5, $0x0;
	s5 =	sld [smem:$0x3FAC]  }
0x2b: {  	s6 =	sld [smem:$0x3FAD]  }
0x2c: {  	s7 =	sld [smem:$0x3FAE]  }
0x2d: {  	s3 =	simm.s32 $0x108;
	s8 =	sld [smem:$0x3FAF]  }
0x2e: {  	s3 =	simm.s32 @!p0 $0x1082;
	s9 =	sld [smem:$0x3FB0]  }
0x2f: {  	lr =	sadd.s32 s0, s3;
	s0 =	sld [smem:$0x3FA7]  }
0x30: {  	s3 =	sld [smem:$0x3FAA]  }
0x31: {  	[smem:$0x3FB3] =	sst s10  }
0x32: {  	s10 =	sld [smem:$0x3FB1];
	_ =	sdelay $0x3  }
0x33: {  	p0 =	seq.s32 s10, $0x1;
	s10 =	sld [smem:$0x3FB3];
	_ =	sdelay $0x3  }
0x34: {  	[smem:$0x3FB3] =	sst s10  }
0x35: {  	s10 =	sld [smem:$0x3FB2];
	_ =	sdelay $0x3  }
0x36: {  	p1 =	seq.s32 s10, $0x1;
	s10 =	sld [smem:$0x3FB3];
	_ =	sdelay $0x3  }
0x37: {  	[smem:$0x3FB3] =	sst s10  }
0x38: {  	s10 =	sld [smem:$0x3FB4]  }
0x39: {  	_ = 	snop;
	(pc) =	sbr.ind lr, $3  }
0x3a: {  	_ = 	snop  }
0x3b: {  	_ = 	snop  }
0x3c: {  	p2 =	seq.s32 s10, $0x1;
	s10 =	sld [smem:$0x3FB3]  }
0x3d: {  	_ =	shalt  }
0x3e: {  	_ =	shalt  }
0x3f: {  	_ =	shalt  }
0x40: {  	_ =	shalt  }
0x41: {  	_ =	shalt  }
0x42: {  	_ =	shalt  }
0x43: {  	_ =	shalt  }
0x44: {  	_ =	shalt  }
0x45: {  	_ =	shalt  }
0x46: {  	_ =	shalt  }
0x47: {  	_ =	shalt  }
0x48: {  	_ =	shalt  }
0x49: {  	_ =	shalt  }
0x4a: {  	_ =	shalt  }
0x4b: {  	_ =	shalt  }
0x4c: {  	_ =	shalt  }
0x4d: {  	_ =	shalt  }
0x4e: {  	_ =	shalt  }
0x4f: {  	_ =	shalt  }
0x50: {  	_ =	shalt  }
0x51: {  	_ =	shalt  }
0x52: {  	_ =	shalt  }
0x53: {  	_ =	shalt  }
0x54: {  	_ =	shalt  }
0x55: {  	_ =	shalt  }
0x56: {  	_ =	shalt  }
0x57: {  	_ =	shalt  }
0x58: {  	_ =	shalt  }
0x59: {  	_ =	shalt  }
0x5a: {  	_ =	shalt  }
0x5b: {  	_ =	shalt  }
0x5c: {  	_ =	shalt  }
0x5d: {  	_ =	shalt  }
0x5e: {  	_ =	shalt  }
0x5f: {  	_ =	shalt  }
0x60: {  	_ =	shalt  }
0x61: {  	_ =	shalt  }
0x62: {  	_ =	shalt  }
0x63: {  	_ =	shalt  }
0x64: {  	_ =	shalt  }
0x65: {  	_ =	shalt  }
0x66: {  	_ =	shalt  }
0x67: {  	_ =	shalt  }
0x68: {  	_ =	shalt  }
0x69: {  	_ =	shalt  }
0x6a: {  	_ =	shalt  }
0x6b: {  	_ =	shalt  }
0x6c: {  	_ =	shalt  }
0x6d: {  	_ =	shalt  }
0x6e: {  	_ =	shalt  }
0x6f: {  	_ =	shalt  }
0x70: {  	_ =	shalt  }
0x71: {  	_ =	shalt  }
0x72: {  	_ =	shalt  }
0x73: {  	_ =	shalt  }
0x74: {  	_ =	shalt  }
0x75: {  	_ =	shalt  }
0x76: {  	_ =	shalt  }
0x77: {  	_ =	shalt  }
0x78: {  	_ =	shalt  }
0x79: {  	_ =	shalt  }
0x7a: {  	_ =	shalt  }
0x7b: {  	_ =	shalt  }
0x7c: {  	_ =	shalt  }
0x7d: {  	_ =	shalt  }
0x7e: {  	_ =	shalt  }
0x7f: {  	_ =	shalt  }
0x80: {  	_ =	shalt  }
0x81: {  	_ =	shalt  }
0x82: {  	_ =	shalt  }
0x83: {  	_ =	shalt  }
0x84: {  	_ =	shalt  }
0x85: {  	_ =	shalt  }
0x86: {  	_ =	shalt  }
0x87: {  	_ =	shalt  }
.Lfunc_end0:
.L_simem_size_0:
called_computation_lowered:
.L_overlay_start_0:
0x88: {  	s2 =	sld [smem:$0x3FD9]  }
0x89: {  	s3 =	sld [smem:$0x3FFE];
	_ =	sdelay $0x1  }
0x8a: {  	s1 =	srdreg.scid  }
0x8b: {  	s0 =	sand.u32 $0x1, s1  }
0x8c: {  	s17 =	sshll.u32 s0, $0xA;
	s2 =	sadd.s32 s3, s2  }
0x8d: {  	s2 =	sadd.s32 s2, s17  }
0x8e: {  	[smem:$0x3FBF] =	sst s2  }
0x8f: {  	_ = 	snop  }
0x90: {  	s2 =	sld [smem:$0x3FD0];
	(tm) =	ssettm $0x1  }
0x91: {  	s18 =	sld [smem:$0x3FFB];
	_ =	sdelay $0x3  }
0x92: {  	_ =	strace s18  }
0x93: {  	s3 =	sld [smem:$0x3FFC];
	_ =	sdelay $0x3  }
0x94: {  	_ =	strace s3  }
0x95: {  	s3 =	sld [smem:$0x3FFD];
	_ =	sdelay $0x3  }
0x96: {  	_ =	strace s3  }
0x97: {  	_ =	strace $0x8FFFFFFF  }
0x98: {  	s19 =	sld [smem:$0x3FDB];
	_ =	sdelay $0x1  }
0x99: {  	s4 =	simm.s32 $_scs_section_size  }
0x9a: {  	s5 =	simm.s32 $_size__tile_overlayer_lowered;
	s6 =	simm.s32 $_tile_overlayer_lowered  }
0x9b: {  	s22 =	simm.s32 $0x1BFF;
	s21 =	sshll.u32 s6, $0x1;
	s3 =	sadd.s32 s4, s19  }
0x9c: {  	s7 =	simm.s32 $0x0;
	s20 =	sshll.u32 s5, $0x1;
	s5 =	sadd.s32 s21, s3  }
0x9d: {  	[timem:s7], [sflag:s22] =	dma.local [hbm:s5], s20  }
0x9e: {  	_ =	swait.ge [sflag:s22], s20  }
0x9f: {  	s4 =	ssub.s32 $0x0, s20;
	[sflag:s22] =	ssyncset.done $0x0  }
0xa0: {  	[sflag:s22] =	ssyncadd.s32 s4;
	_ =	sdelay $0x1  }
0xa1: {  	s23 =	simm.s32 $0x1B8B  }
0xa2: {  	_ =	swait.ge [sflag:s23], $0x1  }
0xa3: {  	[sflag:s23] =	ssyncset.done $0x0  }
0xa4: {  	s25 =	simm.s32 $0x1B8E;
	s24 =	sld [smem:$0x3FFE];
	[sflag:s23] =	ssyncadd.s32 $0xFFFFFFFF  }
0xa5: {  	s26 =	simm.s32 $execute0_lowered;
	[smem:$0x3FD2] =	sst s25  }
0xa6: {  	s5 =	sshll.u32 s26, $0x1;
	_ =	strace $0x80000046;
	[dreg:$0x1] =	wrdreg $0xFFFFFFFF  }
0xa7: {  	s28 =	simm.s32 $_size_execute0_lowered;
	s3 =	sadd.s32 s3, s5;
	[dreg:$0x0] =	wrdreg $0x0  }
0xa8: {  	s5 =	sshll.u32 s28, $0x1;
	[dreg:$0x2] =	wrdreg s3  }
0xa9: {  	[dreg:$0x3] =	wrdreg s5  }
0xaa: {  	[dreg:$0x4] =	wrdreg $0xC0  }
0xab: {  	_ =	task [dreg:s7], $0x5FFFF  }
0xac: {  	[dreg:$0x1] =	wrdreg $0xFFFFFFFF  }
0xad: {  	[dreg:$0x0] =	wrdreg $0x60  }
0xae: {  	[dreg:$0x2] =	wrdreg s2  }
0xaf: {  	[dreg:$0x3] =	wrdreg s24  }
0xb0: {  	[dreg:$0x4] =	wrdreg $0x9  }
0xb1: {  	_ =	task.clear_ibuf [dreg:s7], $0x5FFFF;
	_ =	strace $0x90000046  }
0xb2: {  	s29 =	simm.s32 $0x9;
	_ =	strace $0x80000048  }
0xb3: {  	_ =	swait.ge [sflag:s29], $0x1  }
0xb4: {  	[sflag:s29] =	ssyncadd.s32 $0xFFFFFFFF  }
0xb5: {  	_ =	strace $0x90000048  }
0xb6: {  	_ =	sfence  }
0xb7: {  	s30 =	sld [smem:$0x0];
	_ =	sdelay $0x2  }
0xb8: {  	s31 =	sshll.u32 s1, $0xD;
	s1 =	sshrl.u32 s1, $0x2  }
0xb9: {  	s3 =	sand.u32 $0x4000, s31;
	s1 =	sadd.s32 s1, s30  }
0xba: {  	s0 =	sor.u32 s3, s0;
	s1 =	sshll.u32 s1, $0x11  }
0xbb: {  	s0 =	sor.u32 s1, s0  }
0xbc: {  	s0 =	sadd.s32 $0x8F2B, s0  }
0xbd: {  	[sflag:s0] =	ssyncadd.remote.s32 $0x1  }
0xbe: {  	_ =	sfence.sel $0xFFFF  }
0xbf: {  	[dreg:$0x0] =	wrdreg $0xFFFFFFFF;
	(pc) =	sbr.abs _section_cstart, $3  }
0xc0: {  	[dreg:$0x1] =	wrdreg $0xFFFFFFFF  }
0xc1: {  	_ =	task.clear_ibuf [dreg:s7], $0x2FFFF;
	_ =	strace $0x9FFFFFFF  }
0xc2: {  	(tm) =	ssettm $0x7FFFFFFF  }
0xc3: {  	_ =	shalt  }
tec
execute0_lowered:
.L_overlay_start_1:
0x0: {  	(tag) =	ssettag $0x1  }
0x1: {  	s2 =	rddreg [dreg:$0x0]  }
0x2: {  	s0 =	rddreg [dreg:$0x1]  }
0x3: {  	s3 =	stileid.u32;
	s1 =	srdreg.scid  }
0x4: {  	s14 =	simm.s32 $0x80;
	s15 =	simm.s32 $0x2800;
	s16 =	simm.s32 $0xA800  }
0x5: {  	s17 =	simm.s32 $0x3800;
	s19 =	simm.s32 $0xB800;
	s21 =	simm.s32 $0x4800  }
0x6: {  	s23 =	simm.s32 $0xC800;
	s28 =	simm.s32 $0xD800;
	s29 =	simm.s32 $0x2  }
0x7: {  	s31 =	simm.s32 $0x6800;
	s20 =	simm.s32 $0x7800;
	s30 =	simm.s32 $0x8800  }
0x8: {  	s18 =	simm.s32 $0x10800;
	s22 =	simm.s32 $0x11800;
	s4 =	smul.u32 $0x1400, s3  }
0x9: {  	s1 =	sand.u32 $0x1, s1;
	s3 =	simm.s32 $0x0;
	s9 =	sadd.s32 $0x1F800, s0  }
0xa: {  	p0 =	seq.s32 s1, $0x0;
	[smem:$0x7FF] =	sst s3;
	s1 =	ssub.s32 $0x2, s1  }
0xb: {  	s5 =	sadd.s32 $0x14000, s4;
	_ =	strace $0x80000047;
	s7 =	sshrl.u32 s1, $0x1  }
0xc: {  	s5 =	smov.u32 @p0 s4;
	s4 =	sadd.s32 $0x15A00, s0;
	s1 =	ssub.s32 s1, s7  }
0xd: {  	s6 =	sshrl.u32 s5, $0x3;
	s5 =	sshll.u32 s5, $0x2;
	s26 =	smax.u32 s1, $0x1  }
0xe: {  	s1 =	simm.s32 $0x3;
	s6 =	sadd.s32 s6, s0;
	s0 =	sadd.s32 $0xBF800, s0  }
0xf: {  	s7 =	sadd.s32 s9, s5;
	[dreg:$0x7] =	wrdreg s26;
	s24 =	sadd.s32 $0x1A00, s6  }
0x10: {  	s26 =	simm.s32 $0x9800;
	s6 =	sadd.s32 $0x6A00, s6;
	[dreg:$0x3] =	wrdreg s24  }
0x11: {  	s8 =	sadd.s32 s0, s5;
	s5 =	sor.u32 $0x800, s5;
	[dreg:$0x4] =	wrdreg s6  }
0x12: {  	s25 =	sadd.s32 s9, s5;
	s0 =	sadd.s32 s0, s5;
	s24 =	simm.s32 $0xF800  }
0x13: {  	s5 =	simm.s32 $0x4;
	s6 =	simm.s32 $0x0;
	[dreg:$0x5] =	wrdreg s25  }
0x14: {  	[dreg:$0x6] =	wrdreg s0;
	s25 =	simm.s32 $0x5800;
	s0 =	simm.s32 $0xE800  }
.LBB2_1:
0x15: {  	s9 =	rddreg [dreg:$0x3]  }
0x16: {  	[tilespmem:s3], [sflag:$0x1] =	stream.linear.gather [hbm4b:s9+s3], $0x1400, $0x38;
	[tilespmem:$0x12800] =	vst v63  }
0x17: {  	s11 =	rddreg [dreg:$0x4];
	s10 =	simm.s32 $0x1400;
	s12 =	simm.s32 $0x1  }
0x18: {  	[tilespmem:s10], [sflag:$0x1] =	stream.linear.gather [hbm4b:s11+s3], $0x1400, $0x38;
	[tilespmem:$0x12800] =	vst v63  }
0x19: {  	_ =	swait.ge [sflag:s12], $0x1400  }
0x1a: {  	[sflag:s12] =	ssyncset.done $0x0  }
0x1b: {  	[sflag:s12] =	ssyncadd.s32 $0xFFFFEC00  }
0x1c: {  	_ =	swait.ge [sflag:s12], $0x1400  }
0x1d: {  	[sflag:s12] =	ssyncset.done $0x0  }
0x1e: {  	[sflag:s12] =	ssyncadd.s32 $0xFFFFEC00  }
0x1f: {  	[tilespmem:s15], [sflag:$0x2] =	stream.indirect.gather [hbm4b:s2+s14], $0x20, s3, s14, $0xb8;
	[tilespmem:$0x12800] =	vst v63  }
0x20: {  	_ = 	snop  }
0x21: {  	[tilespmem:s16], [sflag:$0x2] =	stream.indirect.gather [hbm4b:s4+s14], $0x20, s10, s14, $0xb8;
	[tilespmem:$0x12800] =	vst v63  }
0x22: {  	_ = 	snop  }
0x23: {  	[tilespmem:s17], [sflag:$0x2] =	stream.indirect.gather [hbm4b:s2+s14], $0x20, s14, s14, $0xb8;
	[tilespmem:$0x12800] =	vst v63  }
0x24: {  	s13 =	simm.s32 $0x1480  }
0x25: {  	[tilespmem:s19], [sflag:$0x2] =	stream.indirect.gather [hbm4b:s4+s14], $0x20, s13, s14, $0xb8;
	[tilespmem:$0x12800] =	vst v63  }
0x26: {  	s10 =	simm.s32 $0x100  }
0x27: {  	[tilespmem:s21], [sflag:$0x2] =	stream.indirect.gather [hbm4b:s2+s14], $0x20, s10, s14, $0xb8;
	[tilespmem:$0x12800] =	vst v63  }
0x28: {  	s11 =	simm.s32 $0x1500  }
0x29: {  	[tilespmem:s23], [sflag:$0x2] =	stream.indirect.gather [hbm4b:s4+s14], $0x20, s11, s14, $0xb8;
	[tilespmem:$0x12800] =	vst v63  }
0x2a: {  	s12 =	simm.s32 $0x180  }
0x2b: {  	[tilespmem:s25], [sflag:$0x2] =	stream.indirect.gather [hbm4b:s2+s14], $0x20, s12, s14, $0xb8;
	[tilespmem:$0x12800] =	vst v63  }
0x2c: {  	s13 =	simm.s32 $0x1580  }
0x2d: {  	[tilespmem:s28], [sflag:$0x2] =	stream.indirect.gather [hbm4b:s4+s14], $0x20, s13, s14, $0xb8;
	[tilespmem:$0x12800] =	vst v63  }
0x2e: {  	_ =	swait.ge [sflag:s29], $0x1000  }
0x2f: {  	[sflag:s29] =	ssyncset.done $0x0  }
0x30: {  	[sflag:s29] =	ssyncadd.s32 $0xFFFFF000  }
0x31: {  	_ =	swait.ge [sflag:s29], $0x1000  }
0x32: {  	[sflag:s29] =	ssyncset.done $0x0  }
0x33: {  	[sflag:s29] =	ssyncadd.s32 $0xFFFFF000  }
0x34: {  	_ =	swait.ge [sflag:s29], $0x1000  }
0x35: {  	[sflag:s29] =	ssyncset.done $0x0  }
0x36: {  	[sflag:s29] =	ssyncadd.s32 $0xFFFFF000  }
0x37: {  	_ =	swait.ge [sflag:s29], $0x1000  }
0x38: {  	[sflag:s29] =	ssyncset.done $0x0  }
0x39: {  	[sflag:s29] =	ssyncadd.s32 $0xFFFFF000  }
0x3a: {  	_ =	swait.ge [sflag:s29], $0x1000  }
0x3b: {  	[sflag:s29] =	ssyncset.done $0x0  }
0x3c: {  	[sflag:s29] =	ssyncadd.s32 $0xFFFFF000  }
0x3d: {  	_ =	swait.ge [sflag:s29], $0x1000  }
0x3e: {  	[sflag:s29] =	ssyncset.done $0x0  }
0x3f: {  	[sflag:s29] =	ssyncadd.s32 $0xFFFFF000  }
0x40: {  	_ =	swait.ge [sflag:s29], $0x1000  }
0x41: {  	[sflag:s29] =	ssyncset.done $0x0  }
0x42: {  	[sflag:s29] =	ssyncadd.s32 $0xFFFFF000  }
0x43: {  	_ =	swait.ge [sflag:s29], $0x1000  }
0x44: {  	[sflag:s29] =	ssyncset.done $0x0  }
0x45: {  	[sflag:s29] =	ssyncadd.s32 $0xFFFFF000  }
0x46: {  	[hbm4b:s7+s3] =	stream.linear.scatter [tilespmem:s15], [sflag:$0x3], $0x4000, $0x38;
	[tilespmem:$0x12800] =	vst v63  }
0x47: {  	_ = 	snop  }
0x48: {  	[hbm4b:s8+s3] =	stream.linear.scatter [tilespmem:s16], [sflag:$0x3], $0x4000, $0x38;
	[tilespmem:$0x12800] =	vst v63  }
0x49: {  	s10 =	simm.s32 $0x200  }
0x4a: {  	[tilespmem:s31], [sflag:$0x2] =	stream.indirect.gather [hbm4b:s2+s14], $0x20, s10, s14, $0xb8;
	[tilespmem:$0x12800] =	vst v63  }
0x4b: {  	s11 =	simm.s32 $0x1600  }
0x4c: {  	[tilespmem:s0], [sflag:$0x2] =	stream.indirect.gather [hbm4b:s4+s14], $0x20, s11, s14, $0xb8;
	[tilespmem:$0x12800] =	vst v63  }
0x4d: {  	s12 =	simm.s32 $0x280  }
0x4e: {  	[tilespmem:s20], [sflag:$0x2] =	stream.indirect.gather [hbm4b:s2+s14], $0x20, s12, s14, $0xb8;
	[tilespmem:$0x12800] =	vst v63  }
0x4f: {  	s13 =	simm.s32 $0x1680  }
0x50: {  	[tilespmem:s24], [sflag:$0x2] =	stream.indirect.gather [hbm4b:s4+s14], $0x20, s13, s14, $0xb8;
	[tilespmem:$0x12800] =	vst v63  }
0x51: {  	s10 =	simm.s32 $0x300  }
0x52: {  	[tilespmem:s30], [sflag:$0x2] =	stream.indirect.gather [hbm4b:s2+s14], $0x20, s10, s14, $0xb8;
	[tilespmem:$0x12800] =	vst v63  }
0x53: {  	s11 =	simm.s32 $0x1700  }
0x54: {  	[tilespmem:s18], [sflag:$0x2] =	stream.indirect.gather [hbm4b:s4+s14], $0x20, s11, s14, $0xb8;
	[tilespmem:$0x12800] =	vst v63  }
0x55: {  	s12 =	simm.s32 $0x380  }
0x56: {  	[tilespmem:s26], [sflag:$0x2] =	stream.indirect.gather [hbm4b:s2+s14], $0x20, s12, s14, $0xb8;
	[tilespmem:$0x12800] =	vst v63  }
0x57: {  	s13 =	simm.s32 $0x1780  }
0x58: {  	[tilespmem:s22], [sflag:$0x2] =	stream.indirect.gather [hbm4b:s4+s14], $0x20, s13, s14, $0xb8;
	[tilespmem:$0x12800] =	vst v63  }
0x59: {  	_ =	swait.ge [sflag:s29], $0x1000  }
0x5a: {  	[sflag:s29] =	ssyncset.done $0x0  }
0x5b: {  	[sflag:s29] =	ssyncadd.s32 $0xFFFFF000  }
0x5c: {  	_ =	swait.ge [sflag:s29], $0x1000  }
0x5d: {  	[sflag:s29] =	ssyncset.done $0x0  }
0x5e: {  	[sflag:s29] =	ssyncadd.s32 $0xFFFFF000  }
0x5f: {  	_ =	swait.ge [sflag:s29], $0x1000  }
0x60: {  	[sflag:s29] =	ssyncset.done $0x0  }
0x61: {  	[sflag:s29] =	ssyncadd.s32 $0xFFFFF000  }
0x62: {  	_ =	swait.ge [sflag:s29], $0x1000  }
0x63: {  	[sflag:s29] =	ssyncset.done $0x0  }
0x64: {  	[sflag:s29] =	ssyncadd.s32 $0xFFFFF000  }
0x65: {  	_ =	swait.ge [sflag:s29], $0x1000  }
0x66: {  	[sflag:s29] =	ssyncset.done $0x0  }
0x67: {  	[sflag:s29] =	ssyncadd.s32 $0xFFFFF000  }
0x68: {  	_ =	swait.ge [sflag:s29], $0x1000  }
0x69: {  	[sflag:s29] =	ssyncset.done $0x0  }
0x6a: {  	[sflag:s29] =	ssyncadd.s32 $0xFFFFF000  }
0x6b: {  	_ =	swait.ge [sflag:s29], $0x1000  }
0x6c: {  	[sflag:s29] =	ssyncset.done $0x0  }
0x6d: {  	[sflag:s29] =	ssyncadd.s32 $0xFFFFF000  }
0x6e: {  	_ =	swait.ge [sflag:s29], $0x1000  }
0x6f: {  	[sflag:s29] =	ssyncset.done $0x0  }
0x70: {  	s10 =	rddreg [dreg:$0x5];
	[sflag:s29] =	ssyncadd.s32 $0xFFFFF000  }
0x71: {  	[hbm4b:s10+s3] =	stream.linear.scatter [tilespmem:s31], [sflag:$0x4], $0x4000, $0x38;
	[tilespmem:$0x12800] =	vst v63  }
0x72: {  	s11 =	rddreg [dreg:$0x6]  }
0x73: {  	[hbm4b:s11+s3] =	stream.linear.scatter [tilespmem:s0], [sflag:$0x4], $0x4000, $0x38;
	[tilespmem:$0x12800] =	vst v63  }
0x74: {  	_ =	swait.ge [sflag:s1], $0x4000  }
0x75: {  	[sflag:s1] =	ssyncset.done $0x0  }
0x76: {  	[sflag:s1] =	ssyncadd.s32 $0xFFFFC000  }
0x77: {  	_ =	swait.ge [sflag:s1], $0x4000  }
0x78: {  	[sflag:s1] =	ssyncset.done $0x0  }
0x79: {  	s12 =	simm.s32 $0x400;
	[sflag:s1] =	ssyncadd.s32 $0xFFFFC000  }
0x7a: {  	[tilespmem:s15], [sflag:$0x2] =	stream.indirect.gather [hbm4b:s2+s14], $0x20, s12, s14, $0xb8;
	[tilespmem:$0x12800] =	vst v63  }
0x7b: {  	s13 =	simm.s32 $0x1800  }
0x7c: {  	[tilespmem:s16], [sflag:$0x2] =	stream.indirect.gather [hbm4b:s4+s14], $0x20, s13, s14, $0xb8;
	[tilespmem:$0x12800] =	vst v63  }
0x7d: {  	s10 =	simm.s32 $0x480  }
0x7e: {  	[tilespmem:s17], [sflag:$0x2] =	stream.indirect.gather [hbm4b:s2+s14], $0x20, s10, s14, $0xb8;
	[tilespmem:$0x12800] =	vst v63  }
0x7f: {  	s11 =	simm.s32 $0x1880  }
0x80: {  	[tilespmem:s19], [sflag:$0x2] =	stream.indirect.gather [hbm4b:s4+s14], $0x20, s11, s14, $0xb8;
	[tilespmem:$0x12800] =	vst v63  }
0x81: {  	s12 =	simm.s32 $0x500  }
0x82: {  	[tilespmem:s21], [sflag:$0x2] =	stream.indirect.gather [hbm4b:s2+s14], $0x20, s12, s14, $0xb8;
	[tilespmem:$0x12800] =	vst v63  }
0x83: {  	s13 =	simm.s32 $0x1900  }
0x84: {  	[tilespmem:s23], [sflag:$0x2] =	stream.indirect.gather [hbm4b:s4+s14], $0x20, s13, s14, $0xb8;
	[tilespmem:$0x12800] =	vst v63  }
0x85: {  	s10 =	simm.s32 $0x580  }
0x86: {  	[tilespmem:s25], [sflag:$0x2] =	stream.indirect.gather [hbm4b:s2+s14], $0x20, s10, s14, $0xb8;
	[tilespmem:$0x12800] =	vst v63  }
0x87: {  	s11 =	simm.s32 $0x1980  }
0x88: {  	[tilespmem:s28], [sflag:$0x2] =	stream.indirect.gather [hbm4b:s4+s14], $0x20, s11, s14, $0xb8;
	[tilespmem:$0x12800] =	vst v63  }
0x89: {  	_ =	swait.ge [sflag:s29], $0x1000  }
0x8a: {  	[sflag:s29] =	ssyncset.done $0x0  }
0x8b: {  	[sflag:s29] =	ssyncadd.s32 $0xFFFFF000  }
0x8c: {  	_ =	swait.ge [sflag:s29], $0x1000  }
0x8d: {  	[sflag:s29] =	ssyncset.done $0x0  }
0x8e: {  	[sflag:s29] =	ssyncadd.s32 $0xFFFFF000  }
0x8f: {  	_ =	swait.ge [sflag:s29], $0x1000  }
0x90: {  	[sflag:s29] =	ssyncset.done $0x0  }
0x91: {  	[sflag:s29] =	ssyncadd.s32 $0xFFFFF000  }
0x92: {  	_ =	swait.ge [sflag:s29], $0x1000  }
0x93: {  	[sflag:s29] =	ssyncset.done $0x0  }
0x94: {  	[sflag:s29] =	ssyncadd.s32 $0xFFFFF000  }
0x95: {  	_ =	swait.ge [sflag:s29], $0x1000  }
0x96: {  	[sflag:s29] =	ssyncset.done $0x0  }
0x97: {  	[sflag:s29] =	ssyncadd.s32 $0xFFFFF000  }
0x98: {  	_ =	swait.ge [sflag:s29], $0x1000  }
0x99: {  	[sflag:s29] =	ssyncset.done $0x0  }
0x9a: {  	[sflag:s29] =	ssyncadd.s32 $0xFFFFF000  }
0x9b: {  	_ =	swait.ge [sflag:s29], $0x1000  }
0x9c: {  	[sflag:s29] =	ssyncset.done $0x0  }
0x9d: {  	[sflag:s29] =	ssyncadd.s32 $0xFFFFF000  }
0x9e: {  	_ =	swait.ge [sflag:s29], $0x1000  }
0x9f: {  	s9 =	sadd.s32 $0x0, s7;
	[sflag:s29] =	ssyncset.done $0x0  }
0xa0: {  	s12 =	sadd.s32 $0x1000, s9;
	s11 =	sadd.s32 $0x0, s8;
	[sflag:s29] =	ssyncadd.s32 $0xFFFFF000  }
0xa1: {  	[hbm4b:s12+s3] =	stream.linear.scatter [tilespmem:s15], [sflag:$0x3], $0x4000, $0x38;
	[tilespmem:$0x12800] =	vst v63  }
0xa2: {  	s13 =	sadd.s32 $0x1000, s11  }
0xa3: {  	[hbm4b:s13+s3] =	stream.linear.scatter [tilespmem:s16], [sflag:$0x3], $0x4000, $0x38;
	[tilespmem:$0x12800] =	vst v63  }
0xa4: {  	_ =	swait.ge [sflag:s5], $0x4000  }
0xa5: {  	[sflag:s5] =	ssyncset.done $0x0  }
0xa6: {  	[sflag:s5] =	ssyncadd.s32 $0xFFFFC000  }
0xa7: {  	_ =	swait.ge [sflag:s5], $0x4000  }
0xa8: {  	[sflag:s5] =	ssyncset.done $0x0  }
0xa9: {  	s12 =	simm.s32 $0x600;
	[sflag:s5] =	ssyncadd.s32 $0xFFFFC000  }
0xaa: {  	[tilespmem:s31], [sflag:$0x2] =	stream.indirect.gather [hbm4b:s2+s14], $0x20, s12, s14, $0xb8;
	[tilespmem:$0x12800] =	vst v63  }
0xab: {  	s13 =	simm.s32 $0x1A00  }
0xac: {  	[tilespmem:s0], [sflag:$0x2] =	stream.indirect.gather [hbm4b:s4+s14], $0x20, s13, s14, $0xb8;
	[tilespmem:$0x12800] =	vst v63  }
0xad: {  	s12 =	simm.s32 $0x680  }
0xae: {  	[tilespmem:s20], [sflag:$0x2] =	stream.indirect.gather [hbm4b:s2+s14], $0x20, s12, s14, $0xb8;
	[tilespmem:$0x12800] =	vst v63  }
0xaf: {  	s13 =	simm.s32 $0x1A80  }
0xb0: {  	[tilespmem:s24], [sflag:$0x2] =	stream.indirect.gather [hbm4b:s4+s14], $0x20, s13, s14, $0xb8;
	[tilespmem:$0x12800] =	vst v63  }
0xb1: {  	s12 =	simm.s32 $0x700  }
0xb2: {  	[tilespmem:s30], [sflag:$0x2] =	stream.indirect.gather [hbm4b:s2+s14], $0x20, s12, s14, $0xb8;
	[tilespmem:$0x12800] =	vst v63  }
0xb3: {  	s13 =	simm.s32 $0x1B00  }
0xb4: {  	[tilespmem:s18], [sflag:$0x2] =	stream.indirect.gather [hbm4b:s4+s14], $0x20, s13, s14, $0xb8;
	[tilespmem:$0x12800] =	vst v63  }
0xb5: {  	s12 =	simm.s32 $0x780  }
0xb6: {  	[tilespmem:s26], [sflag:$0x2] =	stream.indirect.gather [hbm4b:s2+s14], $0x20, s12, s14, $0xb8;
	[tilespmem:$0x12800] =	vst v63  }
0xb7: {  	s13 =	simm.s32 $0x1B80  }
0xb8: {  	[tilespmem:s22], [sflag:$0x2] =	stream.indirect.gather [hbm4b:s4+s14], $0x20, s13, s14, $0xb8;
	[tilespmem:$0x12800] =	vst v63  }
0xb9: {  	_ =	swait.ge [sflag:s29], $0x1000  }
0xba: {  	[sflag:s29] =	ssyncset.done $0x0  }
0xbb: {  	[sflag:s29] =	ssyncadd.s32 $0xFFFFF000  }
0xbc: {  	_ =	swait.ge [sflag:s29], $0x1000  }
0xbd: {  	[sflag:s29] =	ssyncset.done $0x0  }
0xbe: {  	[sflag:s29] =	ssyncadd.s32 $0xFFFFF000  }
0xbf: {  	_ =	swait.ge [sflag:s29], $0x1000  }
0xc0: {  	[sflag:s29] =	ssyncset.done $0x0  }
0xc1: {  	[sflag:s29] =	ssyncadd.s32 $0xFFFFF000  }
0xc2: {  	_ =	swait.ge [sflag:s29], $0x1000  }
0xc3: {  	[sflag:s29] =	ssyncset.done $0x0  }
0xc4: {  	[sflag:s29] =	ssyncadd.s32 $0xFFFFF000  }
0xc5: {  	_ =	swait.ge [sflag:s29], $0x1000  }
0xc6: {  	[sflag:s29] =	ssyncset.done $0x0  }
0xc7: {  	[sflag:s29] =	ssyncadd.s32 $0xFFFFF000  }
0xc8: {  	_ =	swait.ge [sflag:s29], $0x1000  }
0xc9: {  	[sflag:s29] =	ssyncset.done $0x0  }
0xca: {  	[sflag:s29] =	ssyncadd.s32 $0xFFFFF000  }
0xcb: {  	_ =	swait.ge [sflag:s29], $0x1000  }
0xcc: {  	[sflag:s29] =	ssyncset.done $0x0  }
0xcd: {  	[sflag:s29] =	ssyncadd.s32 $0xFFFFF000  }
0xce: {  	_ =	swait.ge [sflag:s29], $0x1000  }
0xcf: {  	[sflag:s29] =	ssyncset.done $0x0  }
0xd0: {  	s9 =	sadd.s32 $0x1800, s9;
	[sflag:s29] =	ssyncadd.s32 $0xFFFFF000  }
0xd1: {  	[hbm4b:s9+s3] =	stream.linear.scatter [tilespmem:s31], [sflag:$0x4], $0x4000, $0x38;
	[tilespmem:$0x12800] =	vst v63  }
0xd2: {  	s12 =	simm.s32 $0x1000;
	s9 =	sadd.s32 $0x1800, s11  }
.LBB2_2:
0xd3: {  	[hbm4b:s9+s3] =	stream.linear.scatter [tilespmem:s0], [sflag:$0x4], $0x4000, $0x38;
	[tilespmem:$0x12800] =	vst v63  }
0xd4: {  	s10 =	smov.u32 s12  }
0xd5: {  	p0 =	sne.s32 s12, $0x3000;
	s12 =	sadd.s32 $0x1000, s12;
	_ =	swait.ge [sflag:s1], $0x4000  }
0xd6: {  	[sflag:s1] =	ssyncset.done $0x0  }
0xd7: {  	[sflag:s1] =	ssyncadd.s32 $0xFFFFC000  }
0xd8: {  	_ =	swait.ge [sflag:s1], $0x4000  }
0xd9: {  	s9 =	sshra.s32 s10, $0x2;
	[sflag:s1] =	ssyncset.done $0x0  }
0xda: {  	s11 =	sadd.s32 $0x400, s9;
	[sflag:s1] =	ssyncadd.s32 $0xFFFFC000  }
0xdb: {  	[tilespmem:s15], [sflag:$0x2] =	stream.indirect.gather [hbm4b:s2+s14], $0x20, s11, s14, $0xb8;
	[tilespmem:$0x12800] =	vst v63  }
0xdc: {  	s11 =	sadd.s32 $0x1800, s9  }
0xdd: {  	[tilespmem:s16], [sflag:$0x2] =	stream.indirect.gather [hbm4b:s4+s14], $0x20, s11, s14, $0xb8;
	[tilespmem:$0x12800] =	vst v63  }
0xde: {  	s11 =	sadd.s32 $0x480, s9  }
0xdf: {  	[tilespmem:s17], [sflag:$0x2] =	stream.indirect.gather [hbm4b:s2+s14], $0x20, s11, s14, $0xb8;
	[tilespmem:$0x12800] =	vst v63  }
0xe0: {  	s11 =	sadd.s32 $0x1880, s9  }
0xe1: {  	[tilespmem:s19], [sflag:$0x2] =	stream.indirect.gather [hbm4b:s4+s14], $0x20, s11, s14, $0xb8;
	[tilespmem:$0x12800] =	vst v63  }
0xe2: {  	s11 =	sadd.s32 $0x500, s9  }
0xe3: {  	[tilespmem:s21], [sflag:$0x2] =	stream.indirect.gather [hbm4b:s2+s14], $0x20, s11, s14, $0xb8;
	[tilespmem:$0x12800] =	vst v63  }
0xe4: {  	s11 =	sadd.s32 $0x1900, s9  }
0xe5: {  	[tilespmem:s23], [sflag:$0x2] =	stream.indirect.gather [hbm4b:s4+s14], $0x20, s11, s14, $0xb8;
	[tilespmem:$0x12800] =	vst v63  }
0xe6: {  	s11 =	sadd.s32 $0x580, s9  }
0xe7: {  	[tilespmem:s25], [sflag:$0x2] =	stream.indirect.gather [hbm4b:s2+s14], $0x20, s11, s14, $0xb8;
	[tilespmem:$0x12800] =	vst v63  }
0xe8: {  	s11 =	sadd.s32 $0x1980, s9  }
0xe9: {  	[tilespmem:s28], [sflag:$0x2] =	stream.indirect.gather [hbm4b:s4+s14], $0x20, s11, s14, $0xb8;
	[tilespmem:$0x12800] =	vst v63  }
0xea: {  	_ =	swait.ge [sflag:s29], $0x1000  }
0xeb: {  	[sflag:s29] =	ssyncset.done $0x0  }
0xec: {  	[sflag:s29] =	ssyncadd.s32 $0xFFFFF000  }
0xed: {  	_ =	swait.ge [sflag:s29], $0x1000  }
0xee: {  	[sflag:s29] =	ssyncset.done $0x0  }
0xef: {  	[sflag:s29] =	ssyncadd.s32 $0xFFFFF000  }
0xf0: {  	_ =	swait.ge [sflag:s29], $0x1000  }
0xf1: {  	[sflag:s29] =	ssyncset.done $0x0  }
0xf2: {  	[sflag:s29] =	ssyncadd.s32 $0xFFFFF000  }
0xf3: {  	_ =	swait.ge [sflag:s29], $0x1000  }
0xf4: {  	[sflag:s29] =	ssyncset.done $0x0  }
0xf5: {  	[sflag:s29] =	ssyncadd.s32 $0xFFFFF000  }
0xf6: {  	_ =	swait.ge [sflag:s29], $0x1000  }
0xf7: {  	[sflag:s29] =	ssyncset.done $0x0  }
0xf8: {  	[sflag:s29] =	ssyncadd.s32 $0xFFFFF000  }
0xf9: {  	_ =	swait.ge [sflag:s29], $0x1000  }
0xfa: {  	[sflag:s29] =	ssyncset.done $0x0  }
0xfb: {  	[sflag:s29] =	ssyncadd.s32 $0xFFFFF000  }
0xfc: {  	_ =	swait.ge [sflag:s29], $0x1000  }
0xfd: {  	[sflag:s29] =	ssyncset.done $0x0  }
0xfe: {  	[sflag:s29] =	ssyncadd.s32 $0xFFFFF000  }
0xff: {  	_ =	swait.ge [sflag:s29], $0x1000  }
0x100: {  	s11 =	sadd.s32 s10, s7;
	[sflag:s29] =	ssyncset.done $0x0  }
0x101: {  	s10 =	sadd.s32 s10, s8;
	s13 =	sadd.s32 $0x1000, s11;
	[sflag:s29] =	ssyncadd.s32 $0xFFFFF000  }
0x102: {  	[hbm4b:s13+s3] =	stream.linear.scatter [tilespmem:s15], [sflag:$0x3], $0x4000, $0x38;
	[tilespmem:$0x12800] =	vst v63  }
0x103: {  	s13 =	sadd.s32 $0x1000, s10  }
0x104: {  	[hbm4b:s13+s3] =	stream.linear.scatter [tilespmem:s16], [sflag:$0x3], $0x4000, $0x38;
	[tilespmem:$0x12800] =	vst v63  }
0x105: {  	_ =	swait.ge [sflag:s5], $0x4000  }
0x106: {  	[sflag:s5] =	ssyncset.done $0x0  }
0x107: {  	[sflag:s5] =	ssyncadd.s32 $0xFFFFC000  }
0x108: {  	_ =	swait.ge [sflag:s5], $0x4000  }
0x109: {  	[sflag:s5] =	ssyncset.done $0x0  }
0x10a: {  	s13 =	sadd.s32 $0x600, s9;
	[sflag:s5] =	ssyncadd.s32 $0xFFFFC000  }
0x10b: {  	[tilespmem:s31], [sflag:$0x2] =	stream.indirect.gather [hbm4b:s2+s14], $0x20, s13, s14, $0xb8;
	[tilespmem:$0x12800] =	vst v63  }
0x10c: {  	s13 =	sadd.s32 $0x1A00, s9  }
0x10d: {  	[tilespmem:s0], [sflag:$0x2] =	stream.indirect.gather [hbm4b:s4+s14], $0x20, s13, s14, $0xb8;
	[tilespmem:$0x12800] =	vst v63  }
0x10e: {  	s13 =	sadd.s32 $0x680, s9  }
0x10f: {  	[tilespmem:s20], [sflag:$0x2] =	stream.indirect.gather [hbm4b:s2+s14], $0x20, s13, s14, $0xb8;
	[tilespmem:$0x12800] =	vst v63  }
0x110: {  	s13 =	sadd.s32 $0x1A80, s9  }
0x111: {  	[tilespmem:s24], [sflag:$0x2] =	stream.indirect.gather [hbm4b:s4+s14], $0x20, s13, s14, $0xb8;
	[tilespmem:$0x12800] =	vst v63  }
0x112: {  	s13 =	sadd.s32 $0x700, s9  }
0x113: {  	[tilespmem:s30], [sflag:$0x2] =	stream.indirect.gather [hbm4b:s2+s14], $0x20, s13, s14, $0xb8;
	[tilespmem:$0x12800] =	vst v63  }
0x114: {  	s13 =	sadd.s32 $0x1B00, s9  }
0x115: {  	[tilespmem:s18], [sflag:$0x2] =	stream.indirect.gather [hbm4b:s4+s14], $0x20, s13, s14, $0xb8;
	[tilespmem:$0x12800] =	vst v63  }
0x116: {  	s13 =	sadd.s32 $0x780, s9  }
0x117: {  	[tilespmem:s26], [sflag:$0x2] =	stream.indirect.gather [hbm4b:s2+s14], $0x20, s13, s14, $0xb8;
	[tilespmem:$0x12800] =	vst v63  }
0x118: {  	s9 =	sadd.s32 $0x1B80, s9  }
0x119: {  	[tilespmem:s22], [sflag:$0x2] =	stream.indirect.gather [hbm4b:s4+s14], $0x20, s9, s14, $0xb8;
	[tilespmem:$0x12800] =	vst v63  }
0x11a: {  	_ =	swait.ge [sflag:s29], $0x1000  }
0x11b: {  	[sflag:s29] =	ssyncset.done $0x0  }
0x11c: {  	[sflag:s29] =	ssyncadd.s32 $0xFFFFF000  }
0x11d: {  	_ =	swait.ge [sflag:s29], $0x1000  }
0x11e: {  	[sflag:s29] =	ssyncset.done $0x0  }
0x11f: {  	[sflag:s29] =	ssyncadd.s32 $0xFFFFF000  }
0x120: {  	_ =	swait.ge [sflag:s29], $0x1000  }
0x121: {  	[sflag:s29] =	ssyncset.done $0x0  }
0x122: {  	[sflag:s29] =	ssyncadd.s32 $0xFFFFF000  }
0x123: {  	_ =	swait.ge [sflag:s29], $0x1000  }
0x124: {  	[sflag:s29] =	ssyncset.done $0x0  }
0x125: {  	[sflag:s29] =	ssyncadd.s32 $0xFFFFF000  }
0x126: {  	_ =	swait.ge [sflag:s29], $0x1000  }
0x127: {  	[sflag:s29] =	ssyncset.done $0x0  }
0x128: {  	[sflag:s29] =	ssyncadd.s32 $0xFFFFF000  }
0x129: {  	_ =	swait.ge [sflag:s29], $0x1000  }
0x12a: {  	[sflag:s29] =	ssyncset.done $0x0  }
0x12b: {  	[sflag:s29] =	ssyncadd.s32 $0xFFFFF000  }
0x12c: {  	_ =	swait.ge [sflag:s29], $0x1000  }
0x12d: {  	[sflag:s29] =	ssyncset.done $0x0  }
0x12e: {  	[sflag:s29] =	ssyncadd.s32 $0xFFFFF000  }
.Ltmp0:
0x12f: {  	_ =	swait.ge [sflag:s29], $0x1000;
	(pc) =	sbr.rel @p0 .LBB2_2-.Ltmp0, $4  }
0x130: {  	[sflag:s29] =	ssyncset.done $0x0  }
0x131: {  	s9 =	sadd.s32 $0x1800, s11;
	[sflag:s29] =	ssyncadd.s32 $0xFFFFF000  }
0x132: {  	[hbm4b:s9+s3] =	stream.linear.scatter [tilespmem:s31], [sflag:$0x4], $0x4000, $0x38;
	[tilespmem:$0x12800] =	vst v63  }
0x133: {  	s9 =	sadd.s32 $0x1800, s10  }
0x134: {  	[hbm4b:s9+s3] =	stream.linear.scatter [tilespmem:s0], [sflag:$0x4], $0x4000, $0x38;
	[tilespmem:$0x12800] =	vst v63  }
0x135: {  	_ =	swait.ge [sflag:s1], $0x4000  }
0x136: {  	[sflag:s1] =	ssyncset.done $0x0  }
0x137: {  	[sflag:s1] =	ssyncadd.s32 $0xFFFFC000  }
0x138: {  	_ =	swait.ge [sflag:s1], $0x4000  }
0x139: {  	[sflag:s1] =	ssyncset.done $0x0  }
0x13a: {  	[sflag:s1] =	ssyncadd.s32 $0xFFFFC000  }
0x13b: {  	_ =	swait.ge [sflag:s5], $0x4000  }
0x13c: {  	[sflag:s5] =	ssyncset.done $0x0  }
0x13d: {  	[sflag:s5] =	ssyncadd.s32 $0xFFFFC000  }
0x13e: {  	_ =	swait.ge [sflag:s5], $0x4000  }
0x13f: {  	s6 =	sadd.s32 $0x1, s6;
	s13 =	rddreg [dreg:$0x7]  }
0x140: {  	p0 =	sne.s32 s6, s13  }
.Ltmp1:
0x141: {  	_ = 	snop;
	(pc) =	sbr.rel @p0 .LBB2_1-.Ltmp1, $3  }
0x142: {  	_ =	sdelay $0x1  }
0x143: {  	[sflag:s5] =	ssyncset.done $0x0  }
0x144: {  	[sflag:s5] =	ssyncadd.s32 $0xFFFFC000  }
0x145: {  	_ =	sfence.sel $0x180000  }
0x146: {  	[bflag:$0x0] =	sbarrier.arrive $0xFFFF  }
0x147: {  	_ =	strace $0x90000047  }
0x148: {  	s0 =	stileid.u32;
	[bflag:$0x2] =	sbarrier.arrive $0xFFFF  }
0x149: {  	p0 =	sne.s32 s0, $0x0;
	s0 =	rddreg [dreg:$0x2]  }
0x14a: {  	s0 =	sadd.s32 @!p0 $0x100000, s0  }
0x14b: {  	[sflag:s0] =	ssyncadd.tile.s32 @!p0 $0x1;
	_ =	shalt  }
.Lfunc_end2:
_tile_overlayer_lowered:
.L_overlay_start_2:
0x14c: {  	(tag) =	ssettag $0x2  }
0x14d: {  	s0 =	rddreg [dreg:$0x0];
	s2 =	stileid.u32  }
0x14e: {  	s1 =	rddreg [dreg:$0x1];
	p0 =	sne.s32 s2, $0x0  }
0x14f: {  	s3 =	rddreg [dreg:$0x2];
	[bflag:$0x3] =	sbarrier.arrive $0xFFFF;
	s2 =	simm.s32 @!p0 $0x1C05  }
0x150: {  	[timem:s3], [sflag:s2] =	dma.local @!p0 [hbm:s0], s1  }
0x151: {  	s0 =	simm.s32 @!p0 $0x5  }
0x152: {  	_ =	swait.ge @!p0 [sflag:s0], s1  }
0x153: {  	s1 =	ssub.s32 @!p0 $0x0, s1;
	[sflag:s0] =	ssyncset.done @!p0 $0x0  }
0x154: {  	[sflag:s0] =	ssyncadd.s32 @!p0 s1  }
0x155: {  	[bflag:$0x3] =	sbarrier.arrive $0xFFFF  }
0x156: {  	_ =	shalt  }

</sc_bundles>
